<compile_context>
chip_gen: v7x
topology: tpu7x:2x2x1
jax: 0.10.2.dev20260603
libtpu: 0.0.44.dev20260713+nightly
codegen_flags: <defaults>
</compile_context>

<pallas_src>
import functools

import jax
import jax.numpy as jnp
from jax import lax
from jax.experimental import pallas as pl
from jax.experimental.pallas import tpu as pltpu
from jax.experimental.pallas import tpu_sc as plsc

NC = 2
NS = 16
NW = NC * NS
L = 16
CH = 128
BLK = 512


def _round_up(v, m):
    return (v + m - 1) // m * m



def _deg_body(rows_hbm, out_hbm, idx_v, acc_v, red_v, sum_v, shared, sem,
              *, per_w, n_pad):
    c = lax.axis_index("c")
    s = lax.axis_index("s")
    rpt = n_pad // NS

    zero = jnp.zeros((L,), jnp.float32)

    def zbody(i, _):
        acc_v[pl.ds(i * L, L)] = zero
        return ()

    lax.fori_loop(0, n_pad // L, zbody, ())

    wid = c * NS + s
    pltpu.sync_copy(rows_hbm.at[pl.ds(wid * per_w, per_w)], idx_v)
    ones = jnp.ones((L,), jnp.float32)

    def sbody(k, _):
        idx = idx_v[pl.ds(k * L, L)]
        plsc.addupdate_scatter(acc_v, [idx], ones)
        return ()

    lax.fori_loop(0, per_w // L, sbody, ())

    pltpu.sync_copy(acc_v, shared.at[s])
    plsc.subcore_barrier()
    for t in range(NS):
        pltpu.sync_copy(shared.at[t, pl.ds(s * rpt, rpt)], red_v.at[t])

    def rbody(j, _):
        tot = red_v[0, pl.ds(j * L, L)]
        for t in range(1, NS):
            tot = tot + red_v[t, pl.ds(j * L, L)]
        sum_v[pl.ds(j * L, L)] = tot
        return ()

    lax.fori_loop(0, rpt // L, rbody, ())
    pltpu.sync_copy(sum_v, out_hbm.at[c, pl.ds(s * rpt, rpt)])


NB = 2
GS = 40
S0 = 2
S1 = 2


def _spmm_body(f_hbm, cols_hbm, rows_hbm, out_hbm,
               cidx, ridx, buf, acc, gsem, ssem, *, n_pad):
    c = lax.axis_index("c")
    s = lax.axis_index("s")
    rpt = n_pad // NS

    zero = jnp.zeros((L,), jnp.float32)

    def zbody(i, _):
        for q in range(128 // L):
            buf[0, i, pl.ds(q * L, L)] = zero
        return ()

    lax.fori_loop(0, CH, zbody, ())
    for b in range(rpt // CH):
        pltpu.sync_copy(buf.at[0], acc.at[pl.ds(s * rpt + b * CH, CH)])
    plsc.subcore_barrier()

    def fire_gather(j, k):
        pltpu.async_copy(f_hbm.at[cidx.at[j]], buf.at[k], gsem)

    def drain_gather(k):
        pltpu.make_async_copy(f_hbm.at[cidx.at[0]], buf.at[k], gsem).wait()

    def fire_scatter(j, k):
        pltpu.async_copy(buf.at[k], acc.at[ridx.at[j]], ssem, add=True)

    def drain_scatter(k):
        pltpu.make_async_copy(f_hbm.at[cidx.at[0]], buf.at[k], ssem).wait()

    base0 = s * (S0 * GS)
    base1 = NS * (S0 * GS) + s * (S1 * GS)
    wbase = jnp.where(c == 0, base0, base1)
    nstage = jnp.where(c == 0, S0, S1)

    for h in range(max(S0, S1)):
        @pl.when(h < nstage)
        def _():
            base = wbase + h * GS
            pltpu.sync_copy(cols_hbm.at[pl.ds(base, GS)], cidx)
            pltpu.sync_copy(rows_hbm.at[pl.ds(base, GS)], ridx)
            for k in range(NB):
                fire_gather(k, k)

            def body(j, _):
                r = lax.rem(j, NB)
                for k in range(NB):
                    @pl.when(r == k)
                    def _():
                        drain_gather(k)
                        fire_scatter(j, k)
                        nxt = j + NB

                        @pl.when(nxt < GS)
                        def _():
                            drain_scatter(k)
                            fire_gather(nxt, k)
                return ()

            lax.fori_loop(0, GS, body, (), unroll=False)
            for _ in range(NB):
                drain_scatter(0)

    plsc.subcore_barrier()
    sl = pl.ds(s * rpt, rpt)
    pltpu.sync_copy(acc.at[sl], out_hbm.at[c, sl])



def _proj_body(x_ref, theta_ref, degp_ref, f_ref):
    deg = degp_ref[0] + degp_ref[1]
    norm = lax.rsqrt(deg + 1e-6)
    f = jnp.dot(x_ref[...], theta_ref[...], preferred_element_type=jnp.float32)
    f_ref[...] = f * norm


def _out_body(x_ref, wh_ref, wt_ref, bt_ref, p_ref, degp_ref, o_ref):
    deg = degp_ref[0] + degp_ref[1]
    norm = lax.rsqrt(deg + 1e-6)
    xs = x_ref[...]
    fh = (p_ref[0] + p_ref[1]) * norm
    f_het = jnp.dot(xs, wh_ref[...], preferred_element_type=jnp.float32)
    gate = jax.nn.sigmoid(
        jnp.dot(xs, wt_ref[...], preferred_element_type=jnp.float32)
        + bt_ref[...])
    o = gate * fh + (1.0 - gate) * f_het
    o_ref[...] = jnp.where(o > 0.0, o, jnp.exp(jnp.minimum(o, 0.0)) - 1.0)



def kernel(x, edge_index, W_t, b_t, W_h, theta):
    n = x.shape[1]
    d = x.shape[2]
    e = edge_index.shape[1]

    n_pad = _round_up(n + 1, BLK)
    e_pad = NS * (S0 + S1) * GS * CH
    assert e <= e_pad
    per_w = e_pad // NW
    rpt = n_pad // NS

    xs = x[0]
    x_pad = jnp.pad(xs, ((0, n_pad - n), (0, 0)))
    rows = edge_index[0]
    cols = edge_index[1]
    pad_e = e_pad - e
    rows_p = jnp.concatenate([rows, jnp.full((pad_e,), n, dtype=jnp.int32)])
    cols_p = jnp.concatenate([cols, jnp.zeros((pad_e,), dtype=jnp.int32)])
    rows2 = rows_p.reshape(e_pad // CH, CH)
    cols2 = cols_p.reshape(e_pad // CH, CH)

    mesh = plsc.VectorSubcoreMesh(core_axis_name="c", subcore_axis_name="s")

    deg_call = pl.kernel(
        functools.partial(_deg_body, per_w=per_w, n_pad=n_pad),
        out_type=jax.ShapeDtypeStruct((NC, n_pad), jnp.float32),
        mesh=mesh,
        compiler_params=pltpu.CompilerParams(needs_layout_passes=False),
        scratch_types=[
            pltpu.VMEM((per_w,), jnp.int32),
            pltpu.VMEM((n_pad,), jnp.float32),
            pltpu.VMEM((NS, rpt), jnp.float32),
            pltpu.VMEM((rpt,), jnp.float32),
            pltpu.VMEM_SHARED((NS, n_pad), jnp.float32),
            pltpu.SemaphoreType.DMA,
        ],
    )
    degp = deg_call(rows_p)
    degp3 = degp.reshape(NC, n_pad, 1)

    grid = n_pad // BLK
    f = pl.pallas_call(
        _proj_body,
        grid=(grid,),
        in_specs=[
            pl.BlockSpec((BLK, d), lambda i: (i, 0)),
            pl.BlockSpec((d, d), lambda i: (0, 0)),
            pl.BlockSpec((NC, BLK, 1), lambda i: (0, i, 0)),
        ],
        out_specs=pl.BlockSpec((BLK, d), lambda i: (i, 0)),
        out_shape=jax.ShapeDtypeStruct((n_pad, d), jnp.float32),
    )(x_pad, theta, degp3)

    spmm_call = pl.kernel(
        functools.partial(_spmm_body, n_pad=n_pad),
        out_type=jax.ShapeDtypeStruct((NC, n_pad, d), jnp.float32),
        mesh=mesh,
        scratch_types=[
            pltpu.VMEM((GS, CH), jnp.int32),
            pltpu.VMEM((GS, CH), jnp.int32),
            pltpu.VMEM((NB, CH, d), jnp.float32),
            pltpu.VMEM_SHARED((n_pad, d), jnp.float32),
            pltpu.SemaphoreType.DMA,
            pltpu.SemaphoreType.DMA,
        ],
    )
    p = spmm_call(f, cols2, rows2)

    out = pl.pallas_call(
        _out_body,
        grid=(grid,),
        in_specs=[
            pl.BlockSpec((BLK, d), lambda i: (i, 0)),
            pl.BlockSpec((d, d), lambda i: (0, 0)),
            pl.BlockSpec((d, d), lambda i: (0, 0)),
            pl.BlockSpec((1, d), lambda i: (0, 0)),
            pl.BlockSpec((NC, BLK, d), lambda i: (0, i, 0)),
            pl.BlockSpec((NC, BLK, 1), lambda i: (0, i, 0)),
        ],
        out_specs=pl.BlockSpec((BLK, d), lambda i: (i, 0)),
        out_shape=jax.ShapeDtypeStruct((n_pad, d), jnp.float32),
    )(x_pad, W_h, W_t, b_t.reshape(1, d), p, degp3)

    return out[:n][None]

# --- scband reference (transcript-rebuilt; emitter-appended) ---
"""Pipeline reference for scband-ghconv-52613349376205 (READ-ONLY COPY).

The authoritative reference and input builder live on the scoring server;
editing this copy changes nothing except your own understanding.
"""

import jax, jax.numpy as jnp
import numpy as np

N = 10000
D = 128
E = 320000


def setup_inputs(seed: int = 0) -> dict:
    key = jax.random.key(seed)
    ks = jax.random.split(key, 6)
    x = jax.random.normal(ks[0], (1, N, D), dtype=jnp.float32)
    edge_index = jax.random.randint(ks[1], (2, E), 0, N, dtype=jnp.int32)
    # learned params per build(): hidden_dim = D
    W_t = jax.random.normal(ks[2], (D, D), dtype=jnp.float32) * 0.05
    b_t = jax.random.normal(ks[3], (D,), dtype=jnp.float32) * 0.05
    W_h = jax.random.normal(ks[4], (D, D), dtype=jnp.float32) * 0.05
    theta = jax.random.normal(ks[5], (D, D), dtype=jnp.float32) * 0.05
    return {"x": x, "edge_index": edge_index, "W_t": W_t, "b_t": b_t, "W_h": W_h, "theta": theta}


def reference(x, edge_index, W_t, b_t, W_h, theta):
    # GHConv forward for B=1. Sparse adjacency is given in COO form:
    # rows = destination (row index of adj), cols = source (col index), values = 1.0.
    n = x.shape[1]
    xs = x[0]  # [N, D]
    rows = edge_index[0]
    cols = edge_index[1]
    vals = jnp.ones((rows.shape[0],), dtype=jnp.float32)
    # in_degrees = sum over last axis of |adj| -> per-row sum of |values|
    in_degrees = jax.ops.segment_sum(jnp.abs(vals), rows, num_segments=n)
    norm = jnp.power(in_degrees + 1e-06, -0.5)[:, None]  # [N, 1]
    # homophilic path: adj @ (x @ theta * norm) * norm  (sparse-dense matmul via gather + scatter-add)
    f_hom = xs @ theta
    msg = (f_hom * norm)[cols] * vals[:, None]  # gather source rows
    f_hom = jax.ops.segment_sum(msg, rows, num_segments=n) * norm  # scatter-add to destinations
    # heterophilic path
    f_het = xs @ W_h
    gate = jax.nn.sigmoid(xs @ W_t + b_t)
    out = gate * f_hom + (1.0 - gate) * f_het
    out = jax.nn.elu(out)
    return out[None, :, :]  # restore batch dim [1, N, D]

if __name__ == "__main__":
    import jax
    _d = setup_inputs()
    print(jax.jit(kernel)(*tuple(_d.values())))

</pallas_src>

<mosaic_0001>
#map = affine_map<(d0, d1) -> (0, 0)>
#map1 = affine_map<(d0, d1) -> (0, 0, 0)>
module attributes {stable_mosaic.version = 14 : i64} {
  func.func @_spmm_body(%arg0: i32, %arg1: i32, %arg2: memref<10240x128xf32, #tpu.memory_space<hbm>>, %arg3: memref<2560x128xi32, #tpu.memory_space<hbm>>, %arg4: memref<2560x128xi32, #tpu.memory_space<hbm>>, %arg5: memref<2x10240x128xf32, #tpu.memory_space<hbm>>, %arg6: memref<40x128xi32, #tpu.memory_space<vmem>>, %arg7: memref<40x128xi32, #tpu.memory_space<vmem>>, %arg8: memref<2x128x128xf32, #tpu.memory_space<vmem>>, %arg9: memref<10240x128xf32, #tpu.memory_space<vmem_shared>>, %arg10: memref<!tpu.dma_semaphore, #tpu.memory_space<semaphore_mem>>, %arg11: memref<!tpu.dma_semaphore, #tpu.memory_space<semaphore_mem>>) attributes {dimension_semantics = [#tpu.dimension_semantics<core_parallel>, #tpu.dimension_semantics<subcore_parallel>], iteration_bounds = array<i64: 2, 16>, scalar_prefetch = 0 : i64, scratch_operands = 6 : i64, tpu.core_type = #tpu.core_type<sc_vector_subcore>, window_params = [{transform_indices = #map}, {transform_indices = #map}, {transform_indices = #map}, {transform_indices = #map1}]} {
    %broadcast_in_dim3A = arith.constant 0.000000e+00 : f32
    %broadcast_in_dim3A_0 = vector.broadcast %broadcast_in_dim3A : f32 to vector<16xf32>
    %scan3A = arith.constant 0 : i32
    %scan3A_1 = arith.constant 128 : i32
    %scan3A_2 = arith.addi %scan3A, %scan3A_1 : i32
    %scan3A_3 = arith.constant 1 : i32
    scf.for %scan3A_48 = %scan3A to %scan3A_2 step %scan3A_3  : i32 {
      %swap3A = arith.constant 0 : i32
      %swap3A_49 = arith.index_cast %swap3A : i32 to index
      %swap3A_50 = arith.index_cast %scan3A_48 : i32 to index
      %swap3A_51 = arith.constant 0 : index
      %swap3A_52 = tpu.vector_load %arg8[%swap3A_49, %swap3A_50, %swap3A_51] {strides = array<i32>} : memref<2x128x128xf32, #tpu.memory_space<vmem>>, vector<1x1x16xf32>,
      %swap3A_53 = vector.shape_cast %swap3A_52 : vector<1x1x16xf32> to vector<16xf32>
      %swap3A_54 = vector.shape_cast %broadcast_in_dim3A_0 : vector<16xf32> to vector<1x1x16xf32>
      tpu.vector_store %arg8[%swap3A_49, %swap3A_50, %swap3A_51], %swap3A_54 {strides = array<i32>} : memref<2x128x128xf32, #tpu.memory_space<vmem>>, vector<1x1x16xf32>,
      %swap3A_55 = arith.constant 0 : i32
      %swap3A_56 = arith.index_cast %swap3A_55 : i32 to index
      %swap3A_57 = arith.index_cast %scan3A_48 : i32 to index
      %swap3A_58 = arith.constant 16 : index
      %swap3A_59 = tpu.vector_load %arg8[%swap3A_56, %swap3A_57, %swap3A_58] {strides = array<i32>} : memref<2x128x128xf32, #tpu.memory_space<vmem>>, vector<1x1x16xf32>,
      %swap3A_60 = vector.shape_cast %swap3A_59 : vector<1x1x16xf32> to vector<16xf32>
      %swap3A_61 = vector.shape_cast %broadcast_in_dim3A_0 : vector<16xf32> to vector<1x1x16xf32>
      tpu.vector_store %arg8[%swap3A_56, %swap3A_57, %swap3A_58], %swap3A_61 {strides = array<i32>} : memref<2x128x128xf32, #tpu.memory_space<vmem>>, vector<1x1x16xf32>,
      %swap3A_62 = arith.constant 0 : i32
      %swap3A_63 = arith.index_cast %swap3A_62 : i32 to index
      %swap3A_64 = arith.index_cast %scan3A_48 : i32 to index
      %swap3A_65 = arith.constant 32 : index
      %swap3A_66 = tpu.vector_load %arg8[%swap3A_63, %swap3A_64, %swap3A_65] {strides = array<i32>} : memref<2x128x128xf32, #tpu.memory_space<vmem>>, vector<1x1x16xf32>,
      %swap3A_67 = vector.shape_cast %swap3A_66 : vector<1x1x16xf32> to vector<16xf32>
      %swap3A_68 = vector.shape_cast %broadcast_in_dim3A_0 : vector<16xf32> to vector<1x1x16xf32>
      tpu.vector_store %arg8[%swap3A_63, %swap3A_64, %swap3A_65], %swap3A_68 {strides = array<i32>} : memref<2x128x128xf32, #tpu.memory_space<vmem>>, vector<1x1x16xf32>,
      %swap3A_69 = arith.constant 0 : i32
      %swap3A_70 = arith.index_cast %swap3A_69 : i32 to index
      %swap3A_71 = arith.index_cast %scan3A_48 : i32 to index
      %swap3A_72 = arith.constant 48 : index
      %swap3A_73 = tpu.vector_load %arg8[%swap3A_70, %swap3A_71, %swap3A_72] {strides = array<i32>} : memref<2x128x128xf32, #tpu.memory_space<vmem>>, vector<1x1x16xf32>,
      %swap3A_74 = vector.shape_cast %swap3A_73 : vector<1x1x16xf32> to vector<16xf32>
      %swap3A_75 = vector.shape_cast %broadcast_in_dim3A_0 : vector<16xf32> to vector<1x1x16xf32>
      tpu.vector_store %arg8[%swap3A_70, %swap3A_71, %swap3A_72], %swap3A_75 {strides = array<i32>} : memref<2x128x128xf32, #tpu.memory_space<vmem>>, vector<1x1x16xf32>,
      %swap3A_76 = arith.constant 0 : i32
      %swap3A_77 = arith.index_cast %swap3A_76 : i32 to index
      %swap3A_78 = arith.index_cast %scan3A_48 : i32 to index
      %swap3A_79 = arith.constant 64 : index
      %swap3A_80 = tpu.vector_load %arg8[%swap3A_77, %swap3A_78, %swap3A_79] {strides = array<i32>} : memref<2x128x128xf32, #tpu.memory_space<vmem>>, vector<1x1x16xf32>,
      %swap3A_81 = vector.shape_cast %swap3A_80 : vector<1x1x16xf32> to vector<16xf32>
      %swap3A_82 = vector.shape_cast %broadcast_in_dim3A_0 : vector<16xf32> to vector<1x1x16xf32>
      tpu.vector_store %arg8[%swap3A_77, %swap3A_78, %swap3A_79], %swap3A_82 {strides = array<i32>} : memref<2x128x128xf32, #tpu.memory_space<vmem>>, vector<1x1x16xf32>,
      %swap3A_83 = arith.constant 0 : i32
      %swap3A_84 = arith.index_cast %swap3A_83 : i32 to index
      %swap3A_85 = arith.index_cast %scan3A_48 : i32 to index
      %swap3A_86 = arith.constant 80 : index
      %swap3A_87 = tpu.vector_load %arg8[%swap3A_84, %swap3A_85, %swap3A_86] {strides = array<i32>} : memref<2x128x128xf32, #tpu.memory_space<vmem>>, vector<1x1x16xf32>,
      %swap3A_88 = vector.shape_cast %swap3A_87 : vector<1x1x16xf32> to vector<16xf32>
      %swap3A_89 = vector.shape_cast %broadcast_in_dim3A_0 : vector<16xf32> to vector<1x1x16xf32>
      tpu.vector_store %arg8[%swap3A_84, %swap3A_85, %swap3A_86], %swap3A_89 {strides = array<i32>} : memref<2x128x128xf32, #tpu.memory_space<vmem>>, vector<1x1x16xf32>,
      %swap3A_90 = arith.constant 0 : i32
      %swap3A_91 = arith.index_cast %swap3A_90 : i32 to index
      %swap3A_92 = arith.index_cast %scan3A_48 : i32 to index
      %swap3A_93 = arith.constant 96 : index
      %swap3A_94 = tpu.vector_load %arg8[%swap3A_91, %swap3A_92, %swap3A_93] {strides = array<i32>} : memref<2x128x128xf32, #tpu.memory_space<vmem>>, vector<1x1x16xf32>,
      %swap3A_95 = vector.shape_cast %swap3A_94 : vector<1x1x16xf32> to vector<16xf32>
      %swap3A_96 = vector.shape_cast %broadcast_in_dim3A_0 : vector<16xf32> to vector<1x1x16xf32>
      tpu.vector_store %arg8[%swap3A_91, %swap3A_92, %swap3A_93], %swap3A_96 {strides = array<i32>} : memref<2x128x128xf32, #tpu.memory_space<vmem>>, vector<1x1x16xf32>,
      %swap3A_97 = arith.constant 0 : i32
      %swap3A_98 = arith.index_cast %swap3A_97 : i32 to index
      %swap3A_99 = arith.index_cast %scan3A_48 : i32 to index
      %swap3A_100 = arith.constant 112 : index
      %swap3A_101 = tpu.vector_load %arg8[%swap3A_98, %swap3A_99, %swap3A_100] {strides = array<i32>} : memref<2x128x128xf32, #tpu.memory_space<vmem>>, vector<1x1x16xf32>,
      %swap3A_102 = vector.shape_cast %swap3A_101 : vector<1x1x16xf32> to vector<16xf32>
      %swap3A_103 = vector.shape_cast %broadcast_in_dim3A_0 : vector<16xf32> to vector<1x1x16xf32>
      tpu.vector_store %arg8[%swap3A_98, %swap3A_99, %swap3A_100], %swap3A_103 {strides = array<i32>} : memref<2x128x128xf32, #tpu.memory_space<vmem>>, vector<1x1x16xf32>,
    }
    %scan3A_4 = arith.constant 128 : i32
    %mul3A = arith.constant 640 : i32
    %mul3A_5 = arith.muli %arg1, %mul3A : i32
    %add3A = arith.constant 0 : i32
    %add3A_6 = arith.addi %mul3A_5, %add3A : i32
    %run_scoped3A = arith.constant 0 : i32
    "tpu.region"() ({
      %run_scoped3A_48 = tpu.sem_alloc : memref<!tpu.dma_semaphore, #tpu.memory_space<semaphore_mem>>
      %dma_start3A = arith.constant 0 : i32
      %dma_start3A_49 = arith.constant 0 : i32
      %dma_start3A_50 = tpu.memref_slice %arg8[%run_scoped3A, %dma_start3A, %dma_start3A_49] : memref<2x128x128xf32, #tpu.memory_space<vmem>> -> memref<1x128x128xf32, #tpu.memory_space<vmem>>
      %dma_start3A_51 = tpu.memref_squeeze %dma_start3A_50 : memref<1x128x128xf32, #tpu.memory_space<vmem>> -> memref<128x128xf32, #tpu.memory_space<vmem>>
      %dma_start3A_52 = arith.constant 0 : i32
      %dma_start3A_53 = tpu.memref_slice %arg9[%add3A_6, %dma_start3A_52] : memref<10240x128xf32, #tpu.memory_space<vmem_shared>> -> memref<128x128xf32, #tpu.memory_space<vmem_shared>>
      %dma_start3A_54 = arith.constant 0 : i32
      %dma_start3A_55 = tpu.memref_slice %arg9[%add3A_6, %dma_start3A_54] : memref<10240x128xf32, #tpu.memory_space<vmem_shared>> -> memref<128x128xf32, #tpu.memory_space<vmem_shared>>
      %dma_start3A_56 = arith.constant 0 : i32
      %dma_start3A_57 = arith.constant 0 : i32
      %dma_start3A_58 = tpu.memref_slice %arg8[%run_scoped3A, %dma_start3A_56, %dma_start3A_57] : memref<2x128x128xf32, #tpu.memory_space<vmem>> -> memref<1x128x128xf32, #tpu.memory_space<vmem>>
      %dma_start3A_59 = tpu.memref_squeeze %dma_start3A_58 : memref<1x128x128xf32, #tpu.memory_space<vmem>> -> memref<128x128xf32, #tpu.memory_space<vmem>>
      tpu.enqueue_dma source(%dma_start3A_59 : memref<128x128xf32, #tpu.memory_space<vmem>>) target(%dma_start3A_55 : memref<128x128xf32, #tpu.memory_space<vmem_shared>>) target_semaphore(%run_scoped3A_48 : memref<!tpu.dma_semaphore, #tpu.memory_space<semaphore_mem>>)
      %dma_wait3A = arith.constant 0 : i32
      %dma_wait3A_60 = arith.constant 0 : i32
      %dma_wait3A_61 = tpu.memref_slice %arg8[%run_scoped3A, %dma_wait3A, %dma_wait3A_60] : memref<2x128x128xf32, #tpu.memory_space<vmem>> -> memref<1x128x128xf32, #tpu.memory_space<vmem>>
      %dma_wait3A_62 = tpu.memref_squeeze %dma_wait3A_61 : memref<1x128x128xf32, #tpu.memory_space<vmem>> -> memref<128x128xf32, #tpu.memory_space<vmem>>
      %dma_wait3A_63 = arith.constant 0 : i32
      %dma_wait3A_64 = tpu.memref_slice %arg9[%add3A_6, %dma_wait3A_63] : memref<10240x128xf32, #tpu.memory_space<vmem_shared>> -> memref<128x128xf32, #tpu.memory_space<vmem_shared>>
      %dma_wait3A_65 = arith.constant 0 : i32
      %dma_wait3A_66 = tpu.memref_slice %arg9[%add3A_6, %dma_wait3A_65] : memref<10240x128xf32, #tpu.memory_space<vmem_shared>> -> memref<128x128xf32, #tpu.memory_space<vmem_shared>>
      %dma_wait3A_67 = arith.constant 0 : i32
      %dma_wait3A_68 = arith.constant 0 : i32
      %dma_wait3A_69 = tpu.memref_slice %arg8[%run_scoped3A, %dma_wait3A_67, %dma_wait3A_68] : memref<2x128x128xf32, #tpu.memory_space<vmem>> -> memref<1x128x128xf32, #tpu.memory_space<vmem>>
      %dma_wait3A_70 = tpu.memref_squeeze %dma_wait3A_69 : memref<1x128x128xf32, #tpu.memory_space<vmem>> -> memref<128x128xf32, #tpu.memory_space<vmem>>
      tpu.wait_dma2 semaphore(%run_scoped3A_48 : memref<!tpu.dma_semaphore, #tpu.memory_space<semaphore_mem>>) src(%dma_wait3A_70 : memref<128x128xf32, #tpu.memory_space<vmem>>) dst(%dma_wait3A_66 : memref<128x128xf32, #tpu.memory_space<vmem_shared>>)
      tpu.yield
    }) : () -> ()
    %mul3A_7 = arith.constant 640 : i32
    %mul3A_8 = arith.muli %arg1, %mul3A_7 : i32
    %add3A_9 = arith.constant 128 : i32
    %add3A_10 = arith.addi %mul3A_8, %add3A_9 : i32
    %run_scoped3A_11 = arith.constant 0 : i32
    "tpu.region"() ({
      %run_scoped3A_48 = tpu.sem_alloc : memref<!tpu.dma_semaphore, #tpu.memory_space<semaphore_mem>>
      %dma_start3A = arith.constant 0 : i32
      %dma_start3A_49 = arith.constant 0 : i32
      %dma_start3A_50 = tpu.memref_slice %arg8[%run_scoped3A_11, %dma_start3A, %dma_start3A_49] : memref<2x128x128xf32, #tpu.memory_space<vmem>> -> memref<1x128x128xf32, #tpu.memory_space<vmem>>
      %dma_start3A_51 = tpu.memref_squeeze %dma_start3A_50 : memref<1x128x128xf32, #tpu.memory_space<vmem>> -> memref<128x128xf32, #tpu.memory_space<vmem>>
      %dma_start3A_52 = arith.constant 0 : i32
      %dma_start3A_53 = tpu.memref_slice %arg9[%add3A_10, %dma_start3A_52] : memref<10240x128xf32, #tpu.memory_space<vmem_shared>> -> memref<128x128xf32, #tpu.memory_space<vmem_shared>>
      %dma_start3A_54 = arith.constant 0 : i32
      %dma_start3A_55 = tpu.memref_slice %arg9[%add3A_10, %dma_start3A_54] : memref<10240x128xf32, #tpu.memory_space<vmem_shared>> -> memref<128x128xf32, #tpu.memory_space<vmem_shared>>
      %dma_start3A_56 = arith.constant 0 : i32
      %dma_start3A_57 = arith.constant 0 : i32
      %dma_start3A_58 = tpu.memref_slice %arg8[%run_scoped3A_11, %dma_start3A_56, %dma_start3A_57] : memref<2x128x128xf32, #tpu.memory_space<vmem>> -> memref<1x128x128xf32, #tpu.memory_space<vmem>>
      %dma_start3A_59 = tpu.memref_squeeze %dma_start3A_58 : memref<1x128x128xf32, #tpu.memory_space<vmem>> -> memref<128x128xf32, #tpu.memory_space<vmem>>
      tpu.enqueue_dma source(%dma_start3A_59 : memref<128x128xf32, #tpu.memory_space<vmem>>) target(%dma_start3A_55 : memref<128x128xf32, #tpu.memory_space<vmem_shared>>) target_semaphore(%run_scoped3A_48 : memref<!tpu.dma_semaphore, #tpu.memory_space<semaphore_mem>>)
      %dma_wait3A = arith.constant 0 : i32
      %dma_wait3A_60 = arith.constant 0 : i32
      %dma_wait3A_61 = tpu.memref_slice %arg8[%run_scoped3A_11, %dma_wait3A, %dma_wait3A_60] : memref<2x128x128xf32, #tpu.memory_space<vmem>> -> memref<1x128x128xf32, #tpu.memory_space<vmem>>
      %dma_wait3A_62 = tpu.memref_squeeze %dma_wait3A_61 : memref<1x128x128xf32, #tpu.memory_space<vmem>> -> memref<128x128xf32, #tpu.memory_space<vmem>>
      %dma_wait3A_63 = arith.constant 0 : i32
      %dma_wait3A_64 = tpu.memref_slice %arg9[%add3A_10, %dma_wait3A_63] : memref<10240x128xf32, #tpu.memory_space<vmem_shared>> -> memref<128x128xf32, #tpu.memory_space<vmem_shared>>
      %dma_wait3A_65 = arith.constant 0 : i32
      %dma_wait3A_66 = tpu.memref_slice %arg9[%add3A_10, %dma_wait3A_65] : memref<10240x128xf32, #tpu.memory_space<vmem_shared>> -> memref<128x128xf32, #tpu.memory_space<vmem_shared>>
      %dma_wait3A_67 = arith.constant 0 : i32
      %dma_wait3A_68 = arith.constant 0 : i32
      %dma_wait3A_69 = tpu.memref_slice %arg8[%run_scoped3A_11, %dma_wait3A_67, %dma_wait3A_68] : memref<2x128x128xf32, #tpu.memory_space<vmem>> -> memref<1x128x128xf32, #tpu.memory_space<vmem>>
      %dma_wait3A_70 = tpu.memref_squeeze %dma_wait3A_69 : memref<1x128x128xf32, #tpu.memory_space<vmem>> -> memref<128x128xf32, #tpu.memory_space<vmem>>
      tpu.wait_dma2 semaphore(%run_scoped3A_48 : memref<!tpu.dma_semaphore, #tpu.memory_space<semaphore_mem>>) src(%dma_wait3A_70 : memref<128x128xf32, #tpu.memory_space<vmem>>) dst(%dma_wait3A_66 : memref<128x128xf32, #tpu.memory_space<vmem_shared>>)
      tpu.yield
    }) : () -> ()
    %mul3A_12 = arith.constant 640 : i32
    %mul3A_13 = arith.muli %arg1, %mul3A_12 : i32
    %add3A_14 = arith.constant 256 : i32
    %add3A_15 = arith.addi %mul3A_13, %add3A_14 : i32
    %run_scoped3A_16 = arith.constant 0 : i32
    "tpu.region"() ({
      %run_scoped3A_48 = tpu.sem_alloc : memref<!tpu.dma_semaphore, #tpu.memory_space<semaphore_mem>>
      %dma_start3A = arith.constant 0 : i32
      %dma_start3A_49 = arith.constant 0 : i32
      %dma_start3A_50 = tpu.memref_slice %arg8[%run_scoped3A_16, %dma_start3A, %dma_start3A_49] : memref<2x128x128xf32, #tpu.memory_space<vmem>> -> memref<1x128x128xf32, #tpu.memory_space<vmem>>
      %dma_start3A_51 = tpu.memref_squeeze %dma_start3A_50 : memref<1x128x128xf32, #tpu.memory_space<vmem>> -> memref<128x128xf32, #tpu.memory_space<vmem>>
      %dma_start3A_52 = arith.constant 0 : i32
      %dma_start3A_53 = tpu.memref_slice %arg9[%add3A_15, %dma_start3A_52] : memref<10240x128xf32, #tpu.memory_space<vmem_shared>> -> memref<128x128xf32, #tpu.memory_space<vmem_shared>>
      %dma_start3A_54 = arith.constant 0 : i32
      %dma_start3A_55 = tpu.memref_slice %arg9[%add3A_15, %dma_start3A_54] : memref<10240x128xf32, #tpu.memory_space<vmem_shared>> -> memref<128x128xf32, #tpu.memory_space<vmem_shared>>
      %dma_start3A_56 = arith.constant 0 : i32
      %dma_start3A_57 = arith.constant 0 : i32
      %dma_start3A_58 = tpu.memref_slice %arg8[%run_scoped3A_16, %dma_start3A_56, %dma_start3A_57] : memref<2x128x128xf32, #tpu.memory_space<vmem>> -> memref<1x128x128xf32, #tpu.memory_space<vmem>>
      %dma_start3A_59 = tpu.memref_squeeze %dma_start3A_58 : memref<1x128x128xf32, #tpu.memory_space<vmem>> -> memref<128x128xf32, #tpu.memory_space<vmem>>
      tpu.enqueue_dma source(%dma_start3A_59 : memref<128x128xf32, #tpu.memory_space<vmem>>) target(%dma_start3A_55 : memref<128x128xf32, #tpu.memory_space<vmem_shared>>) target_semaphore(%run_scoped3A_48 : memref<!tpu.dma_semaphore, #tpu.memory_space<semaphore_mem>>)
      %dma_wait3A = arith.constant 0 : i32
      %dma_wait3A_60 = arith.constant 0 : i32
      %dma_wait3A_61 = tpu.memref_slice %arg8[%run_scoped3A_16, %dma_wait3A, %dma_wait3A_60] : memref<2x128x128xf32, #tpu.memory_space<vmem>> -> memref<1x128x128xf32, #tpu.memory_space<vmem>>
      %dma_wait3A_62 = tpu.memref_squeeze %dma_wait3A_61 : memref<1x128x128xf32, #tpu.memory_space<vmem>> -> memref<128x128xf32, #tpu.memory_space<vmem>>
      %dma_wait3A_63 = arith.constant 0 : i32
      %dma_wait3A_64 = tpu.memref_slice %arg9[%add3A_15, %dma_wait3A_63] : memref<10240x128xf32, #tpu.memory_space<vmem_shared>> -> memref<128x128xf32, #tpu.memory_space<vmem_shared>>
      %dma_wait3A_65 = arith.constant 0 : i32
      %dma_wait3A_66 = tpu.memref_slice %arg9[%add3A_15, %dma_wait3A_65] : memref<10240x128xf32, #tpu.memory_space<vmem_shared>> -> memref<128x128xf32, #tpu.memory_space<vmem_shared>>
      %dma_wait3A_67 = arith.constant 0 : i32
      %dma_wait3A_68 = arith.constant 0 : i32
      %dma_wait3A_69 = tpu.memref_slice %arg8[%run_scoped3A_16, %dma_wait3A_67, %dma_wait3A_68] : memref<2x128x128xf32, #tpu.memory_space<vmem>> -> memref<1x128x128xf32, #tpu.memory_space<vmem>>
      %dma_wait3A_70 = tpu.memref_squeeze %dma_wait3A_69 : memref<1x128x128xf32, #tpu.memory_space<vmem>> -> memref<128x128xf32, #tpu.memory_space<vmem>>
      tpu.wait_dma2 semaphore(%run_scoped3A_48 : memref<!tpu.dma_semaphore, #tpu.memory_space<semaphore_mem>>) src(%dma_wait3A_70 : memref<128x128xf32, #tpu.memory_space<vmem>>) dst(%dma_wait3A_66 : memref<128x128xf32, #tpu.memory_space<vmem_shared>>)
      tpu.yield
    }) : () -> ()
    %mul3A_17 = arith.constant 640 : i32
    %mul3A_18 = arith.muli %arg1, %mul3A_17 : i32
    %add3A_19 = arith.constant 384 : i32
    %add3A_20 = arith.addi %mul3A_18, %add3A_19 : i32
    %run_scoped3A_21 = arith.constant 0 : i32
    "tpu.region"() ({
      %run_scoped3A_48 = tpu.sem_alloc : memref<!tpu.dma_semaphore, #tpu.memory_space<semaphore_mem>>
      %dma_start3A = arith.constant 0 : i32
      %dma_start3A_49 = arith.constant 0 : i32
      %dma_start3A_50 = tpu.memref_slice %arg8[%run_scoped3A_21, %dma_start3A, %dma_start3A_49] : memref<2x128x128xf32, #tpu.memory_space<vmem>> -> memref<1x128x128xf32, #tpu.memory_space<vmem>>
      %dma_start3A_51 = tpu.memref_squeeze %dma_start3A_50 : memref<1x128x128xf32, #tpu.memory_space<vmem>> -> memref<128x128xf32, #tpu.memory_space<vmem>>
      %dma_start3A_52 = arith.constant 0 : i32
      %dma_start3A_53 = tpu.memref_slice %arg9[%add3A_20, %dma_start3A_52] : memref<10240x128xf32, #tpu.memory_space<vmem_shared>> -> memref<128x128xf32, #tpu.memory_space<vmem_shared>>
      %dma_start3A_54 = arith.constant 0 : i32
      %dma_start3A_55 = tpu.memref_slice %arg9[%add3A_20, %dma_start3A_54] : memref<10240x128xf32, #tpu.memory_space<vmem_shared>> -> memref<128x128xf32, #tpu.memory_space<vmem_shared>>
      %dma_start3A_56 = arith.constant 0 : i32
      %dma_start3A_57 = arith.constant 0 : i32
      %dma_start3A_58 = tpu.memref_slice %arg8[%run_scoped3A_21, %dma_start3A_56, %dma_start3A_57] : memref<2x128x128xf32, #tpu.memory_space<vmem>> -> memref<1x128x128xf32, #tpu.memory_space<vmem>>
      %dma_start3A_59 = tpu.memref_squeeze %dma_start3A_58 : memref<1x128x128xf32, #tpu.memory_space<vmem>> -> memref<128x128xf32, #tpu.memory_space<vmem>>
      tpu.enqueue_dma source(%dma_start3A_59 : memref<128x128xf32, #tpu.memory_space<vmem>>) target(%dma_start3A_55 : memref<128x128xf32, #tpu.memory_space<vmem_shared>>) target_semaphore(%run_scoped3A_48 : memref<!tpu.dma_semaphore, #tpu.memory_space<semaphore_mem>>)
      %dma_wait3A = arith.constant 0 : i32
      %dma_wait3A_60 = arith.constant 0 : i32
      %dma_wait3A_61 = tpu.memref_slice %arg8[%run_scoped3A_21, %dma_wait3A, %dma_wait3A_60] : memref<2x128x128xf32, #tpu.memory_space<vmem>> -> memref<1x128x128xf32, #tpu.memory_space<vmem>>
      %dma_wait3A_62 = tpu.memref_squeeze %dma_wait3A_61 : memref<1x128x128xf32, #tpu.memory_space<vmem>> -> memref<128x128xf32, #tpu.memory_space<vmem>>
      %dma_wait3A_63 = arith.constant 0 : i32
      %dma_wait3A_64 = tpu.memref_slice %arg9[%add3A_20, %dma_wait3A_63] : memref<10240x128xf32, #tpu.memory_space<vmem_shared>> -> memref<128x128xf32, #tpu.memory_space<vmem_shared>>
      %dma_wait3A_65 = arith.constant 0 : i32
      %dma_wait3A_66 = tpu.memref_slice %arg9[%add3A_20, %dma_wait3A_65] : memref<10240x128xf32, #tpu.memory_space<vmem_shared>> -> memref<128x128xf32, #tpu.memory_space<vmem_shared>>
      %dma_wait3A_67 = arith.constant 0 : i32
      %dma_wait3A_68 = arith.constant 0 : i32
      %dma_wait3A_69 = tpu.memref_slice %arg8[%run_scoped3A_21, %dma_wait3A_67, %dma_wait3A_68] : memref<2x128x128xf32, #tpu.memory_space<vmem>> -> memref<1x128x128xf32, #tpu.memory_space<vmem>>
      %dma_wait3A_70 = tpu.memref_squeeze %dma_wait3A_69 : memref<1x128x128xf32, #tpu.memory_space<vmem>> -> memref<128x128xf32, #tpu.memory_space<vmem>>
      tpu.wait_dma2 semaphore(%run_scoped3A_48 : memref<!tpu.dma_semaphore, #tpu.memory_space<semaphore_mem>>) src(%dma_wait3A_70 : memref<128x128xf32, #tpu.memory_space<vmem>>) dst(%dma_wait3A_66 : memref<128x128xf32, #tpu.memory_space<vmem_shared>>)
      tpu.yield
    }) : () -> ()
    %mul3A_22 = arith.constant 640 : i32
    %mul3A_23 = arith.muli %arg1, %mul3A_22 : i32
    %add3A_24 = arith.constant 512 : i32
    %add3A_25 = arith.addi %mul3A_23, %add3A_24 : i32
    %run_scoped3A_26 = arith.constant 0 : i32
    "tpu.region"() ({
      %run_scoped3A_48 = tpu.sem_alloc : memref<!tpu.dma_semaphore, #tpu.memory_space<semaphore_mem>>
      %dma_start3A = arith.constant 0 : i32
      %dma_start3A_49 = arith.constant 0 : i32
      %dma_start3A_50 = tpu.memref_slice %arg8[%run_scoped3A_26, %dma_start3A, %dma_start3A_49] : memref<2x128x128xf32, #tpu.memory_space<vmem>> -> memref<1x128x128xf32, #tpu.memory_space<vmem>>
      %dma_start3A_51 = tpu.memref_squeeze %dma_start3A_50 : memref<1x128x128xf32, #tpu.memory_space<vmem>> -> memref<128x128xf32, #tpu.memory_space<vmem>>
      %dma_start3A_52 = arith.constant 0 : i32
      %dma_start3A_53 = tpu.memref_slice %arg9[%add3A_25, %dma_start3A_52] : memref<10240x128xf32, #tpu.memory_space<vmem_shared>> -> memref<128x128xf32, #tpu.memory_space<vmem_shared>>
      %dma_start3A_54 = arith.constant 0 : i32
      %dma_start3A_55 = tpu.memref_slice %arg9[%add3A_25, %dma_start3A_54] : memref<10240x128xf32, #tpu.memory_space<vmem_shared>> -> memref<128x128xf32, #tpu.memory_space<vmem_shared>>
      %dma_start3A_56 = arith.constant 0 : i32
      %dma_start3A_57 = arith.constant 0 : i32
      %dma_start3A_58 = tpu.memref_slice %arg8[%run_scoped3A_26, %dma_start3A_56, %dma_start3A_57] : memref<2x128x128xf32, #tpu.memory_space<vmem>> -> memref<1x128x128xf32, #tpu.memory_space<vmem>>
      %dma_start3A_59 = tpu.memref_squeeze %dma_start3A_58 : memref<1x128x128xf32, #tpu.memory_space<vmem>> -> memref<128x128xf32, #tpu.memory_space<vmem>>
      tpu.enqueue_dma source(%dma_start3A_59 : memref<128x128xf32, #tpu.memory_space<vmem>>) target(%dma_start3A_55 : memref<128x128xf32, #tpu.memory_space<vmem_shared>>) target_semaphore(%run_scoped3A_48 : memref<!tpu.dma_semaphore, #tpu.memory_space<semaphore_mem>>)
      %dma_wait3A = arith.constant 0 : i32
      %dma_wait3A_60 = arith.constant 0 : i32
      %dma_wait3A_61 = tpu.memref_slice %arg8[%run_scoped3A_26, %dma_wait3A, %dma_wait3A_60] : memref<2x128x128xf32, #tpu.memory_space<vmem>> -> memref<1x128x128xf32, #tpu.memory_space<vmem>>
      %dma_wait3A_62 = tpu.memref_squeeze %dma_wait3A_61 : memref<1x128x128xf32, #tpu.memory_space<vmem>> -> memref<128x128xf32, #tpu.memory_space<vmem>>
      %dma_wait3A_63 = arith.constant 0 : i32
      %dma_wait3A_64 = tpu.memref_slice %arg9[%add3A_25, %dma_wait3A_63] : memref<10240x128xf32, #tpu.memory_space<vmem_shared>> -> memref<128x128xf32, #tpu.memory_space<vmem_shared>>
      %dma_wait3A_65 = arith.constant 0 : i32
      %dma_wait3A_66 = tpu.memref_slice %arg9[%add3A_25, %dma_wait3A_65] : memref<10240x128xf32, #tpu.memory_space<vmem_shared>> -> memref<128x128xf32, #tpu.memory_space<vmem_shared>>
      %dma_wait3A_67 = arith.constant 0 : i32
      %dma_wait3A_68 = arith.constant 0 : i32
      %dma_wait3A_69 = tpu.memref_slice %arg8[%run_scoped3A_26, %dma_wait3A_67, %dma_wait3A_68] : memref<2x128x128xf32, #tpu.memory_space<vmem>> -> memref<1x128x128xf32, #tpu.memory_space<vmem>>
      %dma_wait3A_70 = tpu.memref_squeeze %dma_wait3A_69 : memref<1x128x128xf32, #tpu.memory_space<vmem>> -> memref<128x128xf32, #tpu.memory_space<vmem>>
      tpu.wait_dma2 semaphore(%run_scoped3A_48 : memref<!tpu.dma_semaphore, #tpu.memory_space<semaphore_mem>>) src(%dma_wait3A_70 : memref<128x128xf32, #tpu.memory_space<vmem>>) dst(%dma_wait3A_66 : memref<128x128xf32, #tpu.memory_space<vmem_shared>>)
      tpu.yield
    }) : () -> ()
    %barrier3A = arith.constant 0 : index
    tpu.barrier barrier_id(%barrier3A)
    %mul3A_27 = arith.constant 80 : i32
    %mul3A_28 = arith.muli %arg1, %mul3A_27 : i32
    %mul3A_29 = arith.constant 80 : i32
    %mul3A_30 = arith.muli %arg1, %mul3A_29 : i32
    %add3A_31 = arith.constant 1280 : i32
    %add3A_32 = arith.addi %add3A_31, %mul3A_30 : i32
    %eq3A = arith.constant 0 : i32
    %eq3A_33 = arith.cmpi eq, %arg0, %eq3A : i32
    %select_n3A = arith.select %eq3A_33, %mul3A_28, %add3A_32 : i32
    %eq3A_34 = arith.constant 0 : i32
    %eq3A_35 = arith.cmpi eq, %arg0, %eq3A_34 : i32
    %jit3A = arith.constant 2 : i32
    %jit3A_36 = arith.constant 2 : i32
    %select_n3A_37 = arith.select %eq3A_35, %jit3A, %jit3A_36 : i32
    %gt3A = arith.constant 0 : i32
    %gt3A_38 = arith.cmpi sgt, %select_n3A_37, %gt3A : i32
    %convert_element_type3A = arith.extui %gt3A_38 : i1 to i32
    %cond3A = arith.constant 0 : i32
    %cond3A_39 = arith.cmpi ne, %convert_element_type3A, %cond3A : i32
    scf.if %cond3A_39 {
      %add3A_48 = arith.constant 0 : i32
      %add3A_49 = arith.addi %select_n3A, %add3A_48 : i32
      "tpu.region"() ({
        %run_scoped3A_101 = tpu.sem_alloc : memref<!tpu.dma_semaphore, #tpu.memory_space<semaphore_mem>>
        %dma_start3A_102 = arith.constant 0 : i32
        %dma_start3A_103 = tpu.memref_slice %arg3[%add3A_49, %dma_start3A_102] : memref<2560x128xi32, #tpu.memory_space<hbm>> -> memref<40x128xi32, #tpu.memory_space<hbm>>
        %dma_start3A_104 = arith.constant 0 : i32
        %dma_start3A_105 = tpu.memref_slice %arg3[%add3A_49, %dma_start3A_104] : memref<2560x128xi32, #tpu.memory_space<hbm>> -> memref<40x128xi32, #tpu.memory_space<hbm>>
        tpu.enqueue_dma source(%dma_start3A_105 : memref<40x128xi32, #tpu.memory_space<hbm>>) target(%arg6 : memref<40x128xi32, #tpu.memory_space<vmem>>) target_semaphore(%run_scoped3A_101 : memref<!tpu.dma_semaphore, #tpu.memory_space<semaphore_mem>>)
        %dma_wait3A_106 = arith.constant 0 : i32
        %dma_wait3A_107 = tpu.memref_slice %arg3[%add3A_49, %dma_wait3A_106] : memref<2560x128xi32, #tpu.memory_space<hbm>> -> memref<40x128xi32, #tpu.memory_space<hbm>>
        %dma_wait3A_108 = arith.constant 0 : i32
        %dma_wait3A_109 = tpu.memref_slice %arg3[%add3A_49, %dma_wait3A_108] : memref<2560x128xi32, #tpu.memory_space<hbm>> -> memref<40x128xi32, #tpu.memory_space<hbm>>
        tpu.wait_dma2 semaphore(%run_scoped3A_101 : memref<!tpu.dma_semaphore, #tpu.memory_space<semaphore_mem>>) src(%dma_wait3A_109 : memref<40x128xi32, #tpu.memory_space<hbm>>) dst(%arg6 : memref<40x128xi32, #tpu.memory_space<vmem>>)
        tpu.yield
      }) : () -> ()
      "tpu.region"() ({
        %run_scoped3A_101 = tpu.sem_alloc : memref<!tpu.dma_semaphore, #tpu.memory_space<semaphore_mem>>
        %dma_start3A_102 = arith.constant 0 : i32
        %dma_start3A_103 = tpu.memref_slice %arg4[%add3A_49, %dma_start3A_102] : memref<2560x128xi32, #tpu.memory_space<hbm>> -> memref<40x128xi32, #tpu.memory_space<hbm>>
        %dma_start3A_104 = arith.constant 0 : i32
        %dma_start3A_105 = tpu.memref_slice %arg4[%add3A_49, %dma_start3A_104] : memref<2560x128xi32, #tpu.memory_space<hbm>> -> memref<40x128xi32, #tpu.memory_space<hbm>>
        tpu.enqueue_dma source(%dma_start3A_105 : memref<40x128xi32, #tpu.memory_space<hbm>>) target(%arg7 : memref<40x128xi32, #tpu.memory_space<vmem>>) target_semaphore(%run_scoped3A_101 : memref<!tpu.dma_semaphore, #tpu.memory_space<semaphore_mem>>)
        %dma_wait3A_106 = arith.constant 0 : i32
        %dma_wait3A_107 = tpu.memref_slice %arg4[%add3A_49, %dma_wait3A_106] : memref<2560x128xi32, #tpu.memory_space<hbm>> -> memref<40x128xi32, #tpu.memory_space<hbm>>
        %dma_wait3A_108 = arith.constant 0 : i32
        %dma_wait3A_109 = tpu.memref_slice %arg4[%add3A_49, %dma_wait3A_108] : memref<2560x128xi32, #tpu.memory_space<hbm>> -> memref<40x128xi32, #tpu.memory_space<hbm>>
        tpu.wait_dma2 semaphore(%run_scoped3A_101 : memref<!tpu.dma_semaphore, #tpu.memory_space<semaphore_mem>>) src(%dma_wait3A_109 : memref<40x128xi32, #tpu.memory_space<hbm>>) dst(%arg7 : memref<40x128xi32, #tpu.memory_space<vmem>>)
        tpu.yield
      }) : () -> ()
      %dma_start3A = arith.constant 0 : i32
      %dma_start3A_50 = arith.constant 0 : i32
      %dma_start3A_51 = arith.constant 0 : i32
      %dma_start3A_52 = arith.constant 0 : i32
      %dma_start3A_53 = tpu.memref_slice %arg8[%dma_start3A_50, %dma_start3A_51, %dma_start3A_52] : memref<2x128x128xf32, #tpu.memory_space<vmem>> -> memref<1x128x128xf32, #tpu.memory_space<vmem>>
      %dma_start3A_54 = tpu.memref_squeeze %dma_start3A_53 : memref<1x128x128xf32, #tpu.memory_space<vmem>> -> memref<128x128xf32, #tpu.memory_space<vmem>>
      %dma_start3A_55 = arith.constant 0 : i32
      %dma_start3A_56 = tpu.memref_slice %arg6[%dma_start3A, %dma_start3A_55] : memref<40x128xi32, #tpu.memory_space<vmem>> -> memref<1x128xi32, #tpu.memory_space<vmem>>
      %dma_start3A_57 = tpu.memref_squeeze %dma_start3A_56 : memref<1x128xi32, #tpu.memory_space<vmem>> -> memref<128xi32, #tpu.memory_space<vmem>>
      %dma_start3A_58 = arith.constant 0 : i32
      %dma_start3A_59 = arith.constant 0 : i32
      %dma_start3A_60 = tpu.memref_slice %arg2[%dma_start3A_58, %dma_start3A_59] : memref<10240x128xf32, #tpu.memory_space<hbm>> -> memref<10240x128xf32, #tpu.memory_space<hbm>>
      tpu.enqueue_indirect_dma source(%dma_start3A_60 : memref<10240x128xf32, #tpu.memory_space<hbm>>) target(%dma_start3A_54 : memref<128x128xf32, #tpu.memory_space<vmem>>) offsets(%dma_start3A_57 : memref<128xi32, #tpu.memory_space<vmem>>) semaphore(%arg10 : memref<!tpu.dma_semaphore, #tpu.memory_space<semaphore_mem>>)
      %dma_start3A_61 = arith.constant 1 : i32
      %dma_start3A_62 = arith.constant 1 : i32
      %dma_start3A_63 = arith.constant 0 : i32
      %dma_start3A_64 = arith.constant 0 : i32
      %dma_start3A_65 = tpu.memref_slice %arg8[%dma_start3A_62, %dma_start3A_63, %dma_start3A_64] : memref<2x128x128xf32, #tpu.memory_space<vmem>> -> memref<1x128x128xf32, #tpu.memory_space<vmem>>
      %dma_start3A_66 = tpu.memref_squeeze %dma_start3A_65 : memref<1x128x128xf32, #tpu.memory_space<vmem>> -> memref<128x128xf32, #tpu.memory_space<vmem>>
      %dma_start3A_67 = arith.constant 0 : i32
      %dma_start3A_68 = tpu.memref_slice %arg6[%dma_start3A_61, %dma_start3A_67] : memref<40x128xi32, #tpu.memory_space<vmem>> -> memref<1x128xi32, #tpu.memory_space<vmem>>
      %dma_start3A_69 = tpu.memref_squeeze %dma_start3A_68 : memref<1x128xi32, #tpu.memory_space<vmem>> -> memref<128xi32, #tpu.memory_space<vmem>>
      %dma_start3A_70 = arith.constant 0 : i32
      %dma_start3A_71 = arith.constant 0 : i32
      %dma_start3A_72 = tpu.memref_slice %arg2[%dma_start3A_70, %dma_start3A_71] : memref<10240x128xf32, #tpu.memory_space<hbm>> -> memref<10240x128xf32, #tpu.memory_space<hbm>>
      tpu.enqueue_indirect_dma source(%dma_start3A_72 : memref<10240x128xf32, #tpu.memory_space<hbm>>) target(%dma_start3A_66 : memref<128x128xf32, #tpu.memory_space<vmem>>) offsets(%dma_start3A_69 : memref<128xi32, #tpu.memory_space<vmem>>) semaphore(%arg10 : memref<!tpu.dma_semaphore, #tpu.memory_space<semaphore_mem>>)
      %scan3A_73 = arith.constant 0 : i32
      %scan3A_74 = arith.constant 40 : i32
      %scan3A_75 = arith.addi %scan3A_73, %scan3A_74 : i32
      %scan3A_76 = arith.constant 1 : i32
      scf.for %scan3A_101 = %scan3A_73 to %scan3A_75 step %scan3A_76  : i32 {
        %rem3A = arith.constant 2 : i32
        %rem3A_102 = arith.remsi %scan3A_101, %rem3A : i32
        %eq3A_103 = arith.constant 0 : i32
        %eq3A_104 = arith.cmpi eq, %rem3A_102, %eq3A_103 : i32
        %convert_element_type3A_105 = arith.extui %eq3A_104 : i1 to i32
        %cond3A_106 = arith.constant 0 : i32
        %cond3A_107 = arith.cmpi ne, %convert_element_type3A_105, %cond3A_106 : i32
        scf.if %cond3A_107 {
          %dma_wait3A_113 = arith.constant 0 : i32
          %dma_wait3A_114 = arith.constant 0 : i32
          %dma_wait3A_115 = arith.constant 0 : i32
          %dma_wait3A_116 = arith.constant 0 : i32
          %dma_wait3A_117 = tpu.memref_slice %arg8[%dma_wait3A_114, %dma_wait3A_115, %dma_wait3A_116] : memref<2x128x128xf32, #tpu.memory_space<vmem>> -> memref<1x128x128xf32, #tpu.memory_space<vmem>>
          %dma_wait3A_118 = tpu.memref_squeeze %dma_wait3A_117 : memref<1x128x128xf32, #tpu.memory_space<vmem>> -> memref<128x128xf32, #tpu.memory_space<vmem>>
          %dma_wait3A_119 = arith.constant 0 : i32
          %dma_wait3A_120 = tpu.memref_slice %arg6[%dma_wait3A_113, %dma_wait3A_119] : memref<40x128xi32, #tpu.memory_space<vmem>> -> memref<1x128xi32, #tpu.memory_space<vmem>>
          %dma_wait3A_121 = tpu.memref_squeeze %dma_wait3A_120 : memref<1x128xi32, #tpu.memory_space<vmem>> -> memref<128xi32, #tpu.memory_space<vmem>>
          %dma_wait3A_122 = arith.constant 0 : i32
          %dma_wait3A_123 = arith.constant 0 : i32
          %dma_wait3A_124 = tpu.memref_slice %arg2[%dma_wait3A_122, %dma_wait3A_123] : memref<10240x128xf32, #tpu.memory_space<hbm>> -> memref<10240x128xf32, #tpu.memory_space<hbm>>
          tpu.wait_indirect_dma semaphore(%arg10 : memref<!tpu.dma_semaphore, #tpu.memory_space<semaphore_mem>>) src(%dma_wait3A_124 : memref<10240x128xf32, #tpu.memory_space<hbm>>) dst(%dma_wait3A_118 : memref<128x128xf32, #tpu.memory_space<vmem>>)
          %dma_start3A_125 = arith.constant 0 : i32
          %dma_start3A_126 = arith.constant 0 : i32
          %dma_start3A_127 = arith.constant 0 : i32
          %dma_start3A_128 = tpu.memref_slice %arg8[%dma_start3A_125, %dma_start3A_126, %dma_start3A_127] : memref<2x128x128xf32, #tpu.memory_space<vmem>> -> memref<1x128x128xf32, #tpu.memory_space<vmem>>
          %dma_start3A_129 = tpu.memref_squeeze %dma_start3A_128 : memref<1x128x128xf32, #tpu.memory_space<vmem>> -> memref<128x128xf32, #tpu.memory_space<vmem>>
          %dma_start3A_130 = arith.constant 0 : i32
          %dma_start3A_131 = tpu.memref_slice %arg7[%scan3A_101, %dma_start3A_130] : memref<40x128xi32, #tpu.memory_space<vmem>> -> memref<1x128xi32, #tpu.memory_space<vmem>>
          %dma_start3A_132 = tpu.memref_squeeze %dma_start3A_131 : memref<1x128xi32, #tpu.memory_space<vmem>> -> memref<128xi32, #tpu.memory_space<vmem>>
          %dma_start3A_133 = arith.constant 0 : i32
          %dma_start3A_134 = arith.constant 0 : i32
          %dma_start3A_135 = tpu.memref_slice %arg9[%dma_start3A_133, %dma_start3A_134] : memref<10240x128xf32, #tpu.memory_space<vmem_shared>> -> memref<10240x128xf32, #tpu.memory_space<vmem_shared>>
          tpu.enqueue_indirect_dma source(%dma_start3A_129 : memref<128x128xf32, #tpu.memory_space<vmem>>) target(%dma_start3A_135 : memref<10240x128xf32, #tpu.memory_space<vmem_shared>>) offsets(%dma_start3A_132 : memref<128xi32, #tpu.memory_space<vmem>>) semaphore(%arg11 : memref<!tpu.dma_semaphore, #tpu.memory_space<semaphore_mem>>) {add = true}
          %add3A_136 = arith.constant 2 : i32
          %add3A_137 = arith.addi %scan3A_101, %add3A_136 : i32
          %lt3A = arith.constant 40 : i32
          %lt3A_138 = arith.cmpi slt, %add3A_137, %lt3A : i32
          %convert_element_type3A_139 = arith.extui %lt3A_138 : i1 to i32
          %cond3A_140 = arith.constant 0 : i32
          %cond3A_141 = arith.cmpi ne, %convert_element_type3A_139, %cond3A_140 : i32
          scf.if %cond3A_141 {
            %dma_wait3A_142 = arith.constant 0 : i32
            %dma_wait3A_143 = arith.constant 0 : i32
            %dma_wait3A_144 = arith.constant 0 : i32
            %dma_wait3A_145 = arith.constant 0 : i32
            %dma_wait3A_146 = tpu.memref_slice %arg8[%dma_wait3A_143, %dma_wait3A_144, %dma_wait3A_145] : memref<2x128x128xf32, #tpu.memory_space<vmem>> -> memref<1x128x128xf32, #tpu.memory_space<vmem>>
            %dma_wait3A_147 = tpu.memref_squeeze %dma_wait3A_146 : memref<1x128x128xf32, #tpu.memory_space<vmem>> -> memref<128x128xf32, #tpu.memory_space<vmem>>
            %dma_wait3A_148 = arith.constant 0 : i32
            %dma_wait3A_149 = tpu.memref_slice %arg6[%dma_wait3A_142, %dma_wait3A_148] : memref<40x128xi32, #tpu.memory_space<vmem>> -> memref<1x128xi32, #tpu.memory_space<vmem>>
            %dma_wait3A_150 = tpu.memref_squeeze %dma_wait3A_149 : memref<1x128xi32, #tpu.memory_space<vmem>> -> memref<128xi32, #tpu.memory_space<vmem>>
            %dma_wait3A_151 = arith.constant 0 : i32
            %dma_wait3A_152 = arith.constant 0 : i32
            %dma_wait3A_153 = tpu.memref_slice %arg2[%dma_wait3A_151, %dma_wait3A_152] : memref<10240x128xf32, #tpu.memory_space<hbm>> -> memref<10240x128xf32, #tpu.memory_space<hbm>>
            tpu.wait_indirect_dma semaphore(%arg11 : memref<!tpu.dma_semaphore, #tpu.memory_space<semaphore_mem>>) src(%dma_wait3A_153 : memref<10240x128xf32, #tpu.memory_space<hbm>>) dst(%dma_wait3A_147 : memref<128x128xf32, #tpu.memory_space<vmem>>)
            %dma_start3A_154 = arith.constant 0 : i32
            %dma_start3A_155 = arith.constant 0 : i32
            %dma_start3A_156 = arith.constant 0 : i32
            %dma_start3A_157 = tpu.memref_slice %arg8[%dma_start3A_154, %dma_start3A_155, %dma_start3A_156] : memref<2x128x128xf32, #tpu.memory_space<vmem>> -> memref<1x128x128xf32, #tpu.memory_space<vmem>>
            %dma_start3A_158 = tpu.memref_squeeze %dma_start3A_157 : memref<1x128x128xf32, #tpu.memory_space<vmem>> -> memref<128x128xf32, #tpu.memory_space<vmem>>
            %dma_start3A_159 = arith.constant 0 : i32
            %dma_start3A_160 = tpu.memref_slice %arg6[%add3A_137, %dma_start3A_159] : memref<40x128xi32, #tpu.memory_space<vmem>> -> memref<1x128xi32, #tpu.memory_space<vmem>>
            %dma_start3A_161 = tpu.memref_squeeze %dma_start3A_160 : memref<1x128xi32, #tpu.memory_space<vmem>> -> memref<128xi32, #tpu.memory_space<vmem>>
            %dma_start3A_162 = arith.constant 0 : i32
            %dma_start3A_163 = arith.constant 0 : i32
            %dma_start3A_164 = tpu.memref_slice %arg2[%dma_start3A_162, %dma_start3A_163] : memref<10240x128xf32, #tpu.memory_space<hbm>> -> memref<10240x128xf32, #tpu.memory_space<hbm>>
            tpu.enqueue_indirect_dma source(%dma_start3A_164 : memref<10240x128xf32, #tpu.memory_space<hbm>>) target(%dma_start3A_158 : memref<128x128xf32, #tpu.memory_space<vmem>>) offsets(%dma_start3A_161 : memref<128xi32, #tpu.memory_space<vmem>>) semaphore(%arg10 : memref<!tpu.dma_semaphore, #tpu.memory_space<semaphore_mem>>)
          } else {
          }
        } else {
        }
        %eq3A_108 = arith.constant 1 : i32
        %eq3A_109 = arith.cmpi eq, %rem3A_102, %eq3A_108 : i32
        %convert_element_type3A_110 = arith.extui %eq3A_109 : i1 to i32
        %cond3A_111 = arith.constant 0 : i32
        %cond3A_112 = arith.cmpi ne, %convert_element_type3A_110, %cond3A_111 : i32
        scf.if %cond3A_112 {
          %dma_wait3A_113 = arith.constant 0 : i32
          %dma_wait3A_114 = arith.constant 1 : i32
          %dma_wait3A_115 = arith.constant 0 : i32
          %dma_wait3A_116 = arith.constant 0 : i32
          %dma_wait3A_117 = tpu.memref_slice %arg8[%dma_wait3A_114, %dma_wait3A_115, %dma_wait3A_116] : memref<2x128x128xf32, #tpu.memory_space<vmem>> -> memref<1x128x128xf32, #tpu.memory_space<vmem>>
          %dma_wait3A_118 = tpu.memref_squeeze %dma_wait3A_117 : memref<1x128x128xf32, #tpu.memory_space<vmem>> -> memref<128x128xf32, #tpu.memory_space<vmem>>
          %dma_wait3A_119 = arith.constant 0 : i32
          %dma_wait3A_120 = tpu.memref_slice %arg6[%dma_wait3A_113, %dma_wait3A_119] : memref<40x128xi32, #tpu.memory_space<vmem>> -> memref<1x128xi32, #tpu.memory_space<vmem>>
          %dma_wait3A_121 = tpu.memref_squeeze %dma_wait3A_120 : memref<1x128xi32, #tpu.memory_space<vmem>> -> memref<128xi32, #tpu.memory_space<vmem>>
          %dma_wait3A_122 = arith.constant 0 : i32
          %dma_wait3A_123 = arith.constant 0 : i32
          %dma_wait3A_124 = tpu.memref_slice %arg2[%dma_wait3A_122, %dma_wait3A_123] : memref<10240x128xf32, #tpu.memory_space<hbm>> -> memref<10240x128xf32, #tpu.memory_space<hbm>>
          tpu.wait_indirect_dma semaphore(%arg10 : memref<!tpu.dma_semaphore, #tpu.memory_space<semaphore_mem>>) src(%dma_wait3A_124 : memref<10240x128xf32, #tpu.memory_space<hbm>>) dst(%dma_wait3A_118 : memref<128x128xf32, #tpu.memory_space<vmem>>)
          %dma_start3A_125 = arith.constant 1 : i32
          %dma_start3A_126 = arith.constant 0 : i32
          %dma_start3A_127 = arith.constant 0 : i32
          %dma_start3A_128 = tpu.memref_slice %arg8[%dma_start3A_125, %dma_start3A_126, %dma_start3A_127] : memref<2x128x128xf32, #tpu.memory_space<vmem>> -> memref<1x128x128xf32, #tpu.memory_space<vmem>>
          %dma_start3A_129 = tpu.memref_squeeze %dma_start3A_128 : memref<1x128x128xf32, #tpu.memory_space<vmem>> -> memref<128x128xf32, #tpu.memory_space<vmem>>
          %dma_start3A_130 = arith.constant 0 : i32
          %dma_start3A_131 = tpu.memref_slice %arg7[%scan3A_101, %dma_start3A_130] : memref<40x128xi32, #tpu.memory_space<vmem>> -> memref<1x128xi32, #tpu.memory_space<vmem>>
          %dma_start3A_132 = tpu.memref_squeeze %dma_start3A_131 : memref<1x128xi32, #tpu.memory_space<vmem>> -> memref<128xi32, #tpu.memory_space<vmem>>
          %dma_start3A_133 = arith.constant 0 : i32
          %dma_start3A_134 = arith.constant 0 : i32
          %dma_start3A_135 = tpu.memref_slice %arg9[%dma_start3A_133, %dma_start3A_134] : memref<10240x128xf32, #tpu.memory_space<vmem_shared>> -> memref<10240x128xf32, #tpu.memory_space<vmem_shared>>
          tpu.enqueue_indirect_dma source(%dma_start3A_129 : memref<128x128xf32, #tpu.memory_space<vmem>>) target(%dma_start3A_135 : memref<10240x128xf32, #tpu.memory_space<vmem_shared>>) offsets(%dma_start3A_132 : memref<128xi32, #tpu.memory_space<vmem>>) semaphore(%arg11 : memref<!tpu.dma_semaphore, #tpu.memory_space<semaphore_mem>>) {add = true}
          %add3A_136 = arith.constant 2 : i32
          %add3A_137 = arith.addi %scan3A_101, %add3A_136 : i32
          %lt3A = arith.constant 40 : i32
          %lt3A_138 = arith.cmpi slt, %add3A_137, %lt3A : i32
          %convert_element_type3A_139 = arith.extui %lt3A_138 : i1 to i32
          %cond3A_140 = arith.constant 0 : i32
          %cond3A_141 = arith.cmpi ne, %convert_element_type3A_139, %cond3A_140 : i32
          scf.if %cond3A_141 {
            %dma_wait3A_142 = arith.constant 0 : i32
            %dma_wait3A_143 = arith.constant 1 : i32
            %dma_wait3A_144 = arith.constant 0 : i32
            %dma_wait3A_145 = arith.constant 0 : i32
            %dma_wait3A_146 = tpu.memref_slice %arg8[%dma_wait3A_143, %dma_wait3A_144, %dma_wait3A_145] : memref<2x128x128xf32, #tpu.memory_space<vmem>> -> memref<1x128x128xf32, #tpu.memory_space<vmem>>
            %dma_wait3A_147 = tpu.memref_squeeze %dma_wait3A_146 : memref<1x128x128xf32, #tpu.memory_space<vmem>> -> memref<128x128xf32, #tpu.memory_space<vmem>>
            %dma_wait3A_148 = arith.constant 0 : i32
            %dma_wait3A_149 = tpu.memref_slice %arg6[%dma_wait3A_142, %dma_wait3A_148] : memref<40x128xi32, #tpu.memory_space<vmem>> -> memref<1x128xi32, #tpu.memory_space<vmem>>
            %dma_wait3A_150 = tpu.memref_squeeze %dma_wait3A_149 : memref<1x128xi32, #tpu.memory_space<vmem>> -> memref<128xi32, #tpu.memory_space<vmem>>
            %dma_wait3A_151 = arith.constant 0 : i32
            %dma_wait3A_152 = arith.constant 0 : i32
            %dma_wait3A_153 = tpu.memref_slice %arg2[%dma_wait3A_151, %dma_wait3A_152] : memref<10240x128xf32, #tpu.memory_space<hbm>> -> memref<10240x128xf32, #tpu.memory_space<hbm>>
            tpu.wait_indirect_dma semaphore(%arg11 : memref<!tpu.dma_semaphore, #tpu.memory_space<semaphore_mem>>) src(%dma_wait3A_153 : memref<10240x128xf32, #tpu.memory_space<hbm>>) dst(%dma_wait3A_147 : memref<128x128xf32, #tpu.memory_space<vmem>>)
            %dma_start3A_154 = arith.constant 1 : i32
            %dma_start3A_155 = arith.constant 0 : i32
            %dma_start3A_156 = arith.constant 0 : i32
            %dma_start3A_157 = tpu.memref_slice %arg8[%dma_start3A_154, %dma_start3A_155, %dma_start3A_156] : memref<2x128x128xf32, #tpu.memory_space<vmem>> -> memref<1x128x128xf32, #tpu.memory_space<vmem>>
            %dma_start3A_158 = tpu.memref_squeeze %dma_start3A_157 : memref<1x128x128xf32, #tpu.memory_space<vmem>> -> memref<128x128xf32, #tpu.memory_space<vmem>>
            %dma_start3A_159 = arith.constant 0 : i32
            %dma_start3A_160 = tpu.memref_slice %arg6[%add3A_137, %dma_start3A_159] : memref<40x128xi32, #tpu.memory_space<vmem>> -> memref<1x128xi32, #tpu.memory_space<vmem>>
            %dma_start3A_161 = tpu.memref_squeeze %dma_start3A_160 : memref<1x128xi32, #tpu.memory_space<vmem>> -> memref<128xi32, #tpu.memory_space<vmem>>
            %dma_start3A_162 = arith.constant 0 : i32
            %dma_start3A_163 = arith.constant 0 : i32
            %dma_start3A_164 = tpu.memref_slice %arg2[%dma_start3A_162, %dma_start3A_163] : memref<10240x128xf32, #tpu.memory_space<hbm>> -> memref<10240x128xf32, #tpu.memory_space<hbm>>
            tpu.enqueue_indirect_dma source(%dma_start3A_164 : memref<10240x128xf32, #tpu.memory_space<hbm>>) target(%dma_start3A_158 : memref<128x128xf32, #tpu.memory_space<vmem>>) offsets(%dma_start3A_161 : memref<128xi32, #tpu.memory_space<vmem>>) semaphore(%arg10 : memref<!tpu.dma_semaphore, #tpu.memory_space<semaphore_mem>>)
          } else {
          }
        } else {
        }
      }
      %scan3A_77 = arith.constant 40 : i32
      %dma_wait3A = arith.constant 0 : i32
      %dma_wait3A_78 = arith.constant 0 : i32
      %dma_wait3A_79 = arith.constant 0 : i32
      %dma_wait3A_80 = arith.constant 0 : i32
      %dma_wait3A_81 = tpu.memref_slice %arg8[%dma_wait3A_78, %dma_wait3A_79, %dma_wait3A_80] : memref<2x128x128xf32, #tpu.memory_space<vmem>> -> memref<1x128x128xf32, #tpu.memory_space<vmem>>
      %dma_wait3A_82 = tpu.memref_squeeze %dma_wait3A_81 : memref<1x128x128xf32, #tpu.memory_space<vmem>> -> memref<128x128xf32, #tpu.memory_space<vmem>>
      %dma_wait3A_83 = arith.constant 0 : i32
      %dma_wait3A_84 = tpu.memref_slice %arg6[%dma_wait3A, %dma_wait3A_83] : memref<40x128xi32, #tpu.memory_space<vmem>> -> memref<1x128xi32, #tpu.memory_space<vmem>>
      %dma_wait3A_85 = tpu.memref_squeeze %dma_wait3A_84 : memref<1x128xi32, #tpu.memory_space<vmem>> -> memref<128xi32, #tpu.memory_space<vmem>>
      %dma_wait3A_86 = arith.constant 0 : i32
      %dma_wait3A_87 = arith.constant 0 : i32
      %dma_wait3A_88 = tpu.memref_slice %arg2[%dma_wait3A_86, %dma_wait3A_87] : memref<10240x128xf32, #tpu.memory_space<hbm>> -> memref<10240x128xf32, #tpu.memory_space<hbm>>
      tpu.wait_indirect_dma semaphore(%arg11 : memref<!tpu.dma_semaphore, #tpu.memory_space<semaphore_mem>>) src(%dma_wait3A_88 : memref<10240x128xf32, #tpu.memory_space<hbm>>) dst(%dma_wait3A_82 : memref<128x128xf32, #tpu.memory_space<vmem>>)
      %dma_wait3A_89 = arith.constant 0 : i32
      %dma_wait3A_90 = arith.constant 0 : i32
      %dma_wait3A_91 = arith.constant 0 : i32
      %dma_wait3A_92 = arith.constant 0 : i32
      %dma_wait3A_93 = tpu.memref_slice %arg8[%dma_wait3A_90, %dma_wait3A_91, %dma_wait3A_92] : memref<2x128x128xf32, #tpu.memory_space<vmem>> -> memref<1x128x128xf32, #tpu.memory_space<vmem>>
      %dma_wait3A_94 = tpu.memref_squeeze %dma_wait3A_93 : memref<1x128x128xf32, #tpu.memory_space<vmem>> -> memref<128x128xf32, #tpu.memory_space<vmem>>
      %dma_wait3A_95 = arith.constant 0 : i32
      %dma_wait3A_96 = tpu.memref_slice %arg6[%dma_wait3A_89, %dma_wait3A_95] : memref<40x128xi32, #tpu.memory_space<vmem>> -> memref<1x128xi32, #tpu.memory_space<vmem>>
      %dma_wait3A_97 = tpu.memref_squeeze %dma_wait3A_96 : memref<1x128xi32, #tpu.memory_space<vmem>> -> memref<128xi32, #tpu.memory_space<vmem>>
      %dma_wait3A_98 = arith.constant 0 : i32
      %dma_wait3A_99 = arith.constant 0 : i32
      %dma_wait3A_100 = tpu.memref_slice %arg2[%dma_wait3A_98, %dma_wait3A_99] : memref<10240x128xf32, #tpu.memory_space<hbm>> -> memref<10240x128xf32, #tpu.memory_space<hbm>>
      tpu.wait_indirect_dma semaphore(%arg11 : memref<!tpu.dma_semaphore, #tpu.memory_space<semaphore_mem>>) src(%dma_wait3A_100 : memref<10240x128xf32, #tpu.memory_space<hbm>>) dst(%dma_wait3A_94 : memref<128x128xf32, #tpu.memory_space<vmem>>)
    } else {
    }
    %gt3A_40 = arith.constant 1 : i32
    %gt3A_41 = arith.cmpi sgt, %select_n3A_37, %gt3A_40 : i32
    %convert_element_type3A_42 = arith.extui %gt3A_41 : i1 to i32
    %cond3A_43 = arith.constant 0 : i32
    %cond3A_44 = arith.cmpi ne, %convert_element_type3A_42, %cond3A_43 : i32
    scf.if %cond3A_44 {
      %add3A_48 = arith.constant 40 : i32
      %add3A_49 = arith.addi %select_n3A, %add3A_48 : i32
      "tpu.region"() ({
        %run_scoped3A_101 = tpu.sem_alloc : memref<!tpu.dma_semaphore, #tpu.memory_space<semaphore_mem>>
        %dma_start3A_102 = arith.constant 0 : i32
        %dma_start3A_103 = tpu.memref_slice %arg3[%add3A_49, %dma_start3A_102] : memref<2560x128xi32, #tpu.memory_space<hbm>> -> memref<40x128xi32, #tpu.memory_space<hbm>>
        %dma_start3A_104 = arith.constant 0 : i32
        %dma_start3A_105 = tpu.memref_slice %arg3[%add3A_49, %dma_start3A_104] : memref<2560x128xi32, #tpu.memory_space<hbm>> -> memref<40x128xi32, #tpu.memory_space<hbm>>
        tpu.enqueue_dma source(%dma_start3A_105 : memref<40x128xi32, #tpu.memory_space<hbm>>) target(%arg6 : memref<40x128xi32, #tpu.memory_space<vmem>>) target_semaphore(%run_scoped3A_101 : memref<!tpu.dma_semaphore, #tpu.memory_space<semaphore_mem>>)
        %dma_wait3A_106 = arith.constant 0 : i32
        %dma_wait3A_107 = tpu.memref_slice %arg3[%add3A_49, %dma_wait3A_106] : memref<2560x128xi32, #tpu.memory_space<hbm>> -> memref<40x128xi32, #tpu.memory_space<hbm>>
        %dma_wait3A_108 = arith.constant 0 : i32
        %dma_wait3A_109 = tpu.memref_slice %arg3[%add3A_49, %dma_wait3A_108] : memref<2560x128xi32, #tpu.memory_space<hbm>> -> memref<40x128xi32, #tpu.memory_space<hbm>>
        tpu.wait_dma2 semaphore(%run_scoped3A_101 : memref<!tpu.dma_semaphore, #tpu.memory_space<semaphore_mem>>) src(%dma_wait3A_109 : memref<40x128xi32, #tpu.memory_space<hbm>>) dst(%arg6 : memref<40x128xi32, #tpu.memory_space<vmem>>)
        tpu.yield
      }) : () -> ()
      "tpu.region"() ({
        %run_scoped3A_101 = tpu.sem_alloc : memref<!tpu.dma_semaphore, #tpu.memory_space<semaphore_mem>>
        %dma_start3A_102 = arith.constant 0 : i32
        %dma_start3A_103 = tpu.memref_slice %arg4[%add3A_49, %dma_start3A_102] : memref<2560x128xi32, #tpu.memory_space<hbm>> -> memref<40x128xi32, #tpu.memory_space<hbm>>
        %dma_start3A_104 = arith.constant 0 : i32
        %dma_start3A_105 = tpu.memref_slice %arg4[%add3A_49, %dma_start3A_104] : memref<2560x128xi32, #tpu.memory_space<hbm>> -> memref<40x128xi32, #tpu.memory_space<hbm>>
        tpu.enqueue_dma source(%dma_start3A_105 : memref<40x128xi32, #tpu.memory_space<hbm>>) target(%arg7 : memref<40x128xi32, #tpu.memory_space<vmem>>) target_semaphore(%run_scoped3A_101 : memref<!tpu.dma_semaphore, #tpu.memory_space<semaphore_mem>>)
        %dma_wait3A_106 = arith.constant 0 : i32
        %dma_wait3A_107 = tpu.memref_slice %arg4[%add3A_49, %dma_wait3A_106] : memref<2560x128xi32, #tpu.memory_space<hbm>> -> memref<40x128xi32, #tpu.memory_space<hbm>>
        %dma_wait3A_108 = arith.constant 0 : i32
        %dma_wait3A_109 = tpu.memref_slice %arg4[%add3A_49, %dma_wait3A_108] : memref<2560x128xi32, #tpu.memory_space<hbm>> -> memref<40x128xi32, #tpu.memory_space<hbm>>
        tpu.wait_dma2 semaphore(%run_scoped3A_101 : memref<!tpu.dma_semaphore, #tpu.memory_space<semaphore_mem>>) src(%dma_wait3A_109 : memref<40x128xi32, #tpu.memory_space<hbm>>) dst(%arg7 : memref<40x128xi32, #tpu.memory_space<vmem>>)
        tpu.yield
      }) : () -> ()
      %dma_start3A = arith.constant 0 : i32
      %dma_start3A_50 = arith.constant 0 : i32
      %dma_start3A_51 = arith.constant 0 : i32
      %dma_start3A_52 = arith.constant 0 : i32
      %dma_start3A_53 = tpu.memref_slice %arg8[%dma_start3A_50, %dma_start3A_51, %dma_start3A_52] : memref<2x128x128xf32, #tpu.memory_space<vmem>> -> memref<1x128x128xf32, #tpu.memory_space<vmem>>
      %dma_start3A_54 = tpu.memref_squeeze %dma_start3A_53 : memref<1x128x128xf32, #tpu.memory_space<vmem>> -> memref<128x128xf32, #tpu.memory_space<vmem>>
      %dma_start3A_55 = arith.constant 0 : i32
      %dma_start3A_56 = tpu.memref_slice %arg6[%dma_start3A, %dma_start3A_55] : memref<40x128xi32, #tpu.memory_space<vmem>> -> memref<1x128xi32, #tpu.memory_space<vmem>>
      %dma_start3A_57 = tpu.memref_squeeze %dma_start3A_56 : memref<1x128xi32, #tpu.memory_space<vmem>> -> memref<128xi32, #tpu.memory_space<vmem>>
      %dma_start3A_58 = arith.constant 0 : i32
      %dma_start3A_59 = arith.constant 0 : i32
      %dma_start3A_60 = tpu.memref_slice %arg2[%dma_start3A_58, %dma_start3A_59] : memref<10240x128xf32, #tpu.memory_space<hbm>> -> memref<10240x128xf32, #tpu.memory_space<hbm>>
      tpu.enqueue_indirect_dma source(%dma_start3A_60 : memref<10240x128xf32, #tpu.memory_space<hbm>>) target(%dma_start3A_54 : memref<128x128xf32, #tpu.memory_space<vmem>>) offsets(%dma_start3A_57 : memref<128xi32, #tpu.memory_space<vmem>>) semaphore(%arg10 : memref<!tpu.dma_semaphore, #tpu.memory_space<semaphore_mem>>)
      %dma_start3A_61 = arith.constant 1 : i32
      %dma_start3A_62 = arith.constant 1 : i32
      %dma_start3A_63 = arith.constant 0 : i32
      %dma_start3A_64 = arith.constant 0 : i32
      %dma_start3A_65 = tpu.memref_slice %arg8[%dma_start3A_62, %dma_start3A_63, %dma_start3A_64] : memref<2x128x128xf32, #tpu.memory_space<vmem>> -> memref<1x128x128xf32, #tpu.memory_space<vmem>>
      %dma_start3A_66 = tpu.memref_squeeze %dma_start3A_65 : memref<1x128x128xf32, #tpu.memory_space<vmem>> -> memref<128x128xf32, #tpu.memory_space<vmem>>
      %dma_start3A_67 = arith.constant 0 : i32
      %dma_start3A_68 = tpu.memref_slice %arg6[%dma_start3A_61, %dma_start3A_67] : memref<40x128xi32, #tpu.memory_space<vmem>> -> memref<1x128xi32, #tpu.memory_space<vmem>>
      %dma_start3A_69 = tpu.memref_squeeze %dma_start3A_68 : memref<1x128xi32, #tpu.memory_space<vmem>> -> memref<128xi32, #tpu.memory_space<vmem>>
      %dma_start3A_70 = arith.constant 0 : i32
      %dma_start3A_71 = arith.constant 0 : i32
      %dma_start3A_72 = tpu.memref_slice %arg2[%dma_start3A_70, %dma_start3A_71] : memref<10240x128xf32, #tpu.memory_space<hbm>> -> memref<10240x128xf32, #tpu.memory_space<hbm>>
      tpu.enqueue_indirect_dma source(%dma_start3A_72 : memref<10240x128xf32, #tpu.memory_space<hbm>>) target(%dma_start3A_66 : memref<128x128xf32, #tpu.memory_space<vmem>>) offsets(%dma_start3A_69 : memref<128xi32, #tpu.memory_space<vmem>>) semaphore(%arg10 : memref<!tpu.dma_semaphore, #tpu.memory_space<semaphore_mem>>)
      %scan3A_73 = arith.constant 0 : i32
      %scan3A_74 = arith.constant 40 : i32
      %scan3A_75 = arith.addi %scan3A_73, %scan3A_74 : i32
      %scan3A_76 = arith.constant 1 : i32
      scf.for %scan3A_101 = %scan3A_73 to %scan3A_75 step %scan3A_76  : i32 {
        %rem3A = arith.constant 2 : i32
        %rem3A_102 = arith.remsi %scan3A_101, %rem3A : i32
        %eq3A_103 = arith.constant 0 : i32
        %eq3A_104 = arith.cmpi eq, %rem3A_102, %eq3A_103 : i32
        %convert_element_type3A_105 = arith.extui %eq3A_104 : i1 to i32
        %cond3A_106 = arith.constant 0 : i32
        %cond3A_107 = arith.cmpi ne, %convert_element_type3A_105, %cond3A_106 : i32
        scf.if %cond3A_107 {
          %dma_wait3A_113 = arith.constant 0 : i32
          %dma_wait3A_114 = arith.constant 0 : i32
          %dma_wait3A_115 = arith.constant 0 : i32
          %dma_wait3A_116 = arith.constant 0 : i32
          %dma_wait3A_117 = tpu.memref_slice %arg8[%dma_wait3A_114, %dma_wait3A_115, %dma_wait3A_116] : memref<2x128x128xf32, #tpu.memory_space<vmem>> -> memref<1x128x128xf32, #tpu.memory_space<vmem>>
          %dma_wait3A_118 = tpu.memref_squeeze %dma_wait3A_117 : memref<1x128x128xf32, #tpu.memory_space<vmem>> -> memref<128x128xf32, #tpu.memory_space<vmem>>
          %dma_wait3A_119 = arith.constant 0 : i32
          %dma_wait3A_120 = tpu.memref_slice %arg6[%dma_wait3A_113, %dma_wait3A_119] : memref<40x128xi32, #tpu.memory_space<vmem>> -> memref<1x128xi32, #tpu.memory_space<vmem>>
          %dma_wait3A_121 = tpu.memref_squeeze %dma_wait3A_120 : memref<1x128xi32, #tpu.memory_space<vmem>> -> memref<128xi32, #tpu.memory_space<vmem>>
          %dma_wait3A_122 = arith.constant 0 : i32
          %dma_wait3A_123 = arith.constant 0 : i32
          %dma_wait3A_124 = tpu.memref_slice %arg2[%dma_wait3A_122, %dma_wait3A_123] : memref<10240x128xf32, #tpu.memory_space<hbm>> -> memref<10240x128xf32, #tpu.memory_space<hbm>>
          tpu.wait_indirect_dma semaphore(%arg10 : memref<!tpu.dma_semaphore, #tpu.memory_space<semaphore_mem>>) src(%dma_wait3A_124 : memref<10240x128xf32, #tpu.memory_space<hbm>>) dst(%dma_wait3A_118 : memref<128x128xf32, #tpu.memory_space<vmem>>)
          %dma_start3A_125 = arith.constant 0 : i32
          %dma_start3A_126 = arith.constant 0 : i32
          %dma_start3A_127 = arith.constant 0 : i32
          %dma_start3A_128 = tpu.memref_slice %arg8[%dma_start3A_125, %dma_start3A_126, %dma_start3A_127] : memref<2x128x128xf32, #tpu.memory_space<vmem>> -> memref<1x128x128xf32, #tpu.memory_space<vmem>>
          %dma_start3A_129 = tpu.memref_squeeze %dma_start3A_128 : memref<1x128x128xf32, #tpu.memory_space<vmem>> -> memref<128x128xf32, #tpu.memory_space<vmem>>
          %dma_start3A_130 = arith.constant 0 : i32
          %dma_start3A_131 = tpu.memref_slice %arg7[%scan3A_101, %dma_start3A_130] : memref<40x128xi32, #tpu.memory_space<vmem>> -> memref<1x128xi32, #tpu.memory_space<vmem>>
          %dma_start3A_132 = tpu.memref_squeeze %dma_start3A_131 : memref<1x128xi32, #tpu.memory_space<vmem>> -> memref<128xi32, #tpu.memory_space<vmem>>
          %dma_start3A_133 = arith.constant 0 : i32
          %dma_start3A_134 = arith.constant 0 : i32
          %dma_start3A_135 = tpu.memref_slice %arg9[%dma_start3A_133, %dma_start3A_134] : memref<10240x128xf32, #tpu.memory_space<vmem_shared>> -> memref<10240x128xf32, #tpu.memory_space<vmem_shared>>
          tpu.enqueue_indirect_dma source(%dma_start3A_129 : memref<128x128xf32, #tpu.memory_space<vmem>>) target(%dma_start3A_135 : memref<10240x128xf32, #tpu.memory_space<vmem_shared>>) offsets(%dma_start3A_132 : memref<128xi32, #tpu.memory_space<vmem>>) semaphore(%arg11 : memref<!tpu.dma_semaphore, #tpu.memory_space<semaphore_mem>>) {add = true}
          %add3A_136 = arith.constant 2 : i32
          %add3A_137 = arith.addi %scan3A_101, %add3A_136 : i32
          %lt3A = arith.constant 40 : i32
          %lt3A_138 = arith.cmpi slt, %add3A_137, %lt3A : i32
          %convert_element_type3A_139 = arith.extui %lt3A_138 : i1 to i32
          %cond3A_140 = arith.constant 0 : i32
          %cond3A_141 = arith.cmpi ne, %convert_element_type3A_139, %cond3A_140 : i32
          scf.if %cond3A_141 {
            %dma_wait3A_142 = arith.constant 0 : i32
            %dma_wait3A_143 = arith.constant 0 : i32
            %dma_wait3A_144 = arith.constant 0 : i32
            %dma_wait3A_145 = arith.constant 0 : i32
            %dma_wait3A_146 = tpu.memref_slice %arg8[%dma_wait3A_143, %dma_wait3A_144, %dma_wait3A_145] : memref<2x128x128xf32, #tpu.memory_space<vmem>> -> memref<1x128x128xf32, #tpu.memory_space<vmem>>
            %dma_wait3A_147 = tpu.memref_squeeze %dma_wait3A_146 : memref<1x128x128xf32, #tpu.memory_space<vmem>> -> memref<128x128xf32, #tpu.memory_space<vmem>>
            %dma_wait3A_148 = arith.constant 0 : i32
            %dma_wait3A_149 = tpu.memref_slice %arg6[%dma_wait3A_142, %dma_wait3A_148] : memref<40x128xi32, #tpu.memory_space<vmem>> -> memref<1x128xi32, #tpu.memory_space<vmem>>
            %dma_wait3A_150 = tpu.memref_squeeze %dma_wait3A_149 : memref<1x128xi32, #tpu.memory_space<vmem>> -> memref<128xi32, #tpu.memory_space<vmem>>
            %dma_wait3A_151 = arith.constant 0 : i32
            %dma_wait3A_152 = arith.constant 0 : i32
            %dma_wait3A_153 = tpu.memref_slice %arg2[%dma_wait3A_151, %dma_wait3A_152] : memref<10240x128xf32, #tpu.memory_space<hbm>> -> memref<10240x128xf32, #tpu.memory_space<hbm>>
            tpu.wait_indirect_dma semaphore(%arg11 : memref<!tpu.dma_semaphore, #tpu.memory_space<semaphore_mem>>) src(%dma_wait3A_153 : memref<10240x128xf32, #tpu.memory_space<hbm>>) dst(%dma_wait3A_147 : memref<128x128xf32, #tpu.memory_space<vmem>>)
            %dma_start3A_154 = arith.constant 0 : i32
            %dma_start3A_155 = arith.constant 0 : i32
            %dma_start3A_156 = arith.constant 0 : i32
            %dma_start3A_157 = tpu.memref_slice %arg8[%dma_start3A_154, %dma_start3A_155, %dma_start3A_156] : memref<2x128x128xf32, #tpu.memory_space<vmem>> -> memref<1x128x128xf32, #tpu.memory_space<vmem>>
            %dma_start3A_158 = tpu.memref_squeeze %dma_start3A_157 : memref<1x128x128xf32, #tpu.memory_space<vmem>> -> memref<128x128xf32, #tpu.memory_space<vmem>>
            %dma_start3A_159 = arith.constant 0 : i32
            %dma_start3A_160 = tpu.memref_slice %arg6[%add3A_137, %dma_start3A_159] : memref<40x128xi32, #tpu.memory_space<vmem>> -> memref<1x128xi32, #tpu.memory_space<vmem>>
            %dma_start3A_161 = tpu.memref_squeeze %dma_start3A_160 : memref<1x128xi32, #tpu.memory_space<vmem>> -> memref<128xi32, #tpu.memory_space<vmem>>
            %dma_start3A_162 = arith.constant 0 : i32
            %dma_start3A_163 = arith.constant 0 : i32
            %dma_start3A_164 = tpu.memref_slice %arg2[%dma_start3A_162, %dma_start3A_163] : memref<10240x128xf32, #tpu.memory_space<hbm>> -> memref<10240x128xf32, #tpu.memory_space<hbm>>
            tpu.enqueue_indirect_dma source(%dma_start3A_164 : memref<10240x128xf32, #tpu.memory_space<hbm>>) target(%dma_start3A_158 : memref<128x128xf32, #tpu.memory_space<vmem>>) offsets(%dma_start3A_161 : memref<128xi32, #tpu.memory_space<vmem>>) semaphore(%arg10 : memref<!tpu.dma_semaphore, #tpu.memory_space<semaphore_mem>>)
          } else {
          }
        } else {
        }
        %eq3A_108 = arith.constant 1 : i32
        %eq3A_109 = arith.cmpi eq, %rem3A_102, %eq3A_108 : i32
        %convert_element_type3A_110 = arith.extui %eq3A_109 : i1 to i32
        %cond3A_111 = arith.constant 0 : i32
        %cond3A_112 = arith.cmpi ne, %convert_element_type3A_110, %cond3A_111 : i32
        scf.if %cond3A_112 {
          %dma_wait3A_113 = arith.constant 0 : i32
          %dma_wait3A_114 = arith.constant 1 : i32
          %dma_wait3A_115 = arith.constant 0 : i32
          %dma_wait3A_116 = arith.constant 0 : i32
          %dma_wait3A_117 = tpu.memref_slice %arg8[%dma_wait3A_114, %dma_wait3A_115, %dma_wait3A_116] : memref<2x128x128xf32, #tpu.memory_space<vmem>> -> memref<1x128x128xf32, #tpu.memory_space<vmem>>
          %dma_wait3A_118 = tpu.memref_squeeze %dma_wait3A_117 : memref<1x128x128xf32, #tpu.memory_space<vmem>> -> memref<128x128xf32, #tpu.memory_space<vmem>>
          %dma_wait3A_119 = arith.constant 0 : i32
          %dma_wait3A_120 = tpu.memref_slice %arg6[%dma_wait3A_113, %dma_wait3A_119] : memref<40x128xi32, #tpu.memory_space<vmem>> -> memref<1x128xi32, #tpu.memory_space<vmem>>
          %dma_wait3A_121 = tpu.memref_squeeze %dma_wait3A_120 : memref<1x128xi32, #tpu.memory_space<vmem>> -> memref<128xi32, #tpu.memory_space<vmem>>
          %dma_wait3A_122 = arith.constant 0 : i32
          %dma_wait3A_123 = arith.constant 0 : i32
          %dma_wait3A_124 = tpu.memref_slice %arg2[%dma_wait3A_122, %dma_wait3A_123] : memref<10240x128xf32, #tpu.memory_space<hbm>> -> memref<10240x128xf32, #tpu.memory_space<hbm>>
          tpu.wait_indirect_dma semaphore(%arg10 : memref<!tpu.dma_semaphore, #tpu.memory_space<semaphore_mem>>) src(%dma_wait3A_124 : memref<10240x128xf32, #tpu.memory_space<hbm>>) dst(%dma_wait3A_118 : memref<128x128xf32, #tpu.memory_space<vmem>>)
          %dma_start3A_125 = arith.constant 1 : i32
          %dma_start3A_126 = arith.constant 0 : i32
          %dma_start3A_127 = arith.constant 0 : i32
          %dma_start3A_128 = tpu.memref_slice %arg8[%dma_start3A_125, %dma_start3A_126, %dma_start3A_127] : memref<2x128x128xf32, #tpu.memory_space<vmem>> -> memref<1x128x128xf32, #tpu.memory_space<vmem>>
          %dma_start3A_129 = tpu.memref_squeeze %dma_start3A_128 : memref<1x128x128xf32, #tpu.memory_space<vmem>> -> memref<128x128xf32, #tpu.memory_space<vmem>>
          %dma_start3A_130 = arith.constant 0 : i32
          %dma_start3A_131 = tpu.memref_slice %arg7[%scan3A_101, %dma_start3A_130] : memref<40x128xi32, #tpu.memory_space<vmem>> -> memref<1x128xi32, #tpu.memory_space<vmem>>
          %dma_start3A_132 = tpu.memref_squeeze %dma_start3A_131 : memref<1x128xi32, #tpu.memory_space<vmem>> -> memref<128xi32, #tpu.memory_space<vmem>>
          %dma_start3A_133 = arith.constant 0 : i32
          %dma_start3A_134 = arith.constant 0 : i32
          %dma_start3A_135 = tpu.memref_slice %arg9[%dma_start3A_133, %dma_start3A_134] : memref<10240x128xf32, #tpu.memory_space<vmem_shared>> -> memref<10240x128xf32, #tpu.memory_space<vmem_shared>>
          tpu.enqueue_indirect_dma source(%dma_start3A_129 : memref<128x128xf32, #tpu.memory_space<vmem>>) target(%dma_start3A_135 : memref<10240x128xf32, #tpu.memory_space<vmem_shared>>) offsets(%dma_start3A_132 : memref<128xi32, #tpu.memory_space<vmem>>) semaphore(%arg11 : memref<!tpu.dma_semaphore, #tpu.memory_space<semaphore_mem>>) {add = true}
          %add3A_136 = arith.constant 2 : i32
          %add3A_137 = arith.addi %scan3A_101, %add3A_136 : i32
          %lt3A = arith.constant 40 : i32
          %lt3A_138 = arith.cmpi slt, %add3A_137, %lt3A : i32
          %convert_element_type3A_139 = arith.extui %lt3A_138 : i1 to i32
          %cond3A_140 = arith.constant 0 : i32
          %cond3A_141 = arith.cmpi ne, %convert_element_type3A_139, %cond3A_140 : i32
          scf.if %cond3A_141 {
            %dma_wait3A_142 = arith.constant 0 : i32
            %dma_wait3A_143 = arith.constant 1 : i32
            %dma_wait3A_144 = arith.constant 0 : i32
            %dma_wait3A_145 = arith.constant 0 : i32
            %dma_wait3A_146 = tpu.memref_slice %arg8[%dma_wait3A_143, %dma_wait3A_144, %dma_wait3A_145] : memref<2x128x128xf32, #tpu.memory_space<vmem>> -> memref<1x128x128xf32, #tpu.memory_space<vmem>>
            %dma_wait3A_147 = tpu.memref_squeeze %dma_wait3A_146 : memref<1x128x128xf32, #tpu.memory_space<vmem>> -> memref<128x128xf32, #tpu.memory_space<vmem>>
            %dma_wait3A_148 = arith.constant 0 : i32
            %dma_wait3A_149 = tpu.memref_slice %arg6[%dma_wait3A_142, %dma_wait3A_148] : memref<40x128xi32, #tpu.memory_space<vmem>> -> memref<1x128xi32, #tpu.memory_space<vmem>>
            %dma_wait3A_150 = tpu.memref_squeeze %dma_wait3A_149 : memref<1x128xi32, #tpu.memory_space<vmem>> -> memref<128xi32, #tpu.memory_space<vmem>>
            %dma_wait3A_151 = arith.constant 0 : i32
            %dma_wait3A_152 = arith.constant 0 : i32
            %dma_wait3A_153 = tpu.memref_slice %arg2[%dma_wait3A_151, %dma_wait3A_152] : memref<10240x128xf32, #tpu.memory_space<hbm>> -> memref<10240x128xf32, #tpu.memory_space<hbm>>
            tpu.wait_indirect_dma semaphore(%arg11 : memref<!tpu.dma_semaphore, #tpu.memory_space<semaphore_mem>>) src(%dma_wait3A_153 : memref<10240x128xf32, #tpu.memory_space<hbm>>) dst(%dma_wait3A_147 : memref<128x128xf32, #tpu.memory_space<vmem>>)
            %dma_start3A_154 = arith.constant 1 : i32
            %dma_start3A_155 = arith.constant 0 : i32
            %dma_start3A_156 = arith.constant 0 : i32
            %dma_start3A_157 = tpu.memref_slice %arg8[%dma_start3A_154, %dma_start3A_155, %dma_start3A_156] : memref<2x128x128xf32, #tpu.memory_space<vmem>> -> memref<1x128x128xf32, #tpu.memory_space<vmem>>
            %dma_start3A_158 = tpu.memref_squeeze %dma_start3A_157 : memref<1x128x128xf32, #tpu.memory_space<vmem>> -> memref<128x128xf32, #tpu.memory_space<vmem>>
            %dma_start3A_159 = arith.constant 0 : i32
            %dma_start3A_160 = tpu.memref_slice %arg6[%add3A_137, %dma_start3A_159] : memref<40x128xi32, #tpu.memory_space<vmem>> -> memref<1x128xi32, #tpu.memory_space<vmem>>
            %dma_start3A_161 = tpu.memref_squeeze %dma_start3A_160 : memref<1x128xi32, #tpu.memory_space<vmem>> -> memref<128xi32, #tpu.memory_space<vmem>>
            %dma_start3A_162 = arith.constant 0 : i32
            %dma_start3A_163 = arith.constant 0 : i32
            %dma_start3A_164 = tpu.memref_slice %arg2[%dma_start3A_162, %dma_start3A_163] : memref<10240x128xf32, #tpu.memory_space<hbm>> -> memref<10240x128xf32, #tpu.memory_space<hbm>>
            tpu.enqueue_indirect_dma source(%dma_start3A_164 : memref<10240x128xf32, #tpu.memory_space<hbm>>) target(%dma_start3A_158 : memref<128x128xf32, #tpu.memory_space<vmem>>) offsets(%dma_start3A_161 : memref<128xi32, #tpu.memory_space<vmem>>) semaphore(%arg10 : memref<!tpu.dma_semaphore, #tpu.memory_space<semaphore_mem>>)
          } else {
          }
        } else {
        }
      }
      %scan3A_77 = arith.constant 40 : i32
      %dma_wait3A = arith.constant 0 : i32
      %dma_wait3A_78 = arith.constant 0 : i32
      %dma_wait3A_79 = arith.constant 0 : i32
      %dma_wait3A_80 = arith.constant 0 : i32
      %dma_wait3A_81 = tpu.memref_slice %arg8[%dma_wait3A_78, %dma_wait3A_79, %dma_wait3A_80] : memref<2x128x128xf32, #tpu.memory_space<vmem>> -> memref<1x128x128xf32, #tpu.memory_space<vmem>>
      %dma_wait3A_82 = tpu.memref_squeeze %dma_wait3A_81 : memref<1x128x128xf32, #tpu.memory_space<vmem>> -> memref<128x128xf32, #tpu.memory_space<vmem>>
      %dma_wait3A_83 = arith.constant 0 : i32
      %dma_wait3A_84 = tpu.memref_slice %arg6[%dma_wait3A, %dma_wait3A_83] : memref<40x128xi32, #tpu.memory_space<vmem>> -> memref<1x128xi32, #tpu.memory_space<vmem>>
      %dma_wait3A_85 = tpu.memref_squeeze %dma_wait3A_84 : memref<1x128xi32, #tpu.memory_space<vmem>> -> memref<128xi32, #tpu.memory_space<vmem>>
      %dma_wait3A_86 = arith.constant 0 : i32
      %dma_wait3A_87 = arith.constant 0 : i32
      %dma_wait3A_88 = tpu.memref_slice %arg2[%dma_wait3A_86, %dma_wait3A_87] : memref<10240x128xf32, #tpu.memory_space<hbm>> -> memref<10240x128xf32, #tpu.memory_space<hbm>>
      tpu.wait_indirect_dma semaphore(%arg11 : memref<!tpu.dma_semaphore, #tpu.memory_space<semaphore_mem>>) src(%dma_wait3A_88 : memref<10240x128xf32, #tpu.memory_space<hbm>>) dst(%dma_wait3A_82 : memref<128x128xf32, #tpu.memory_space<vmem>>)
      %dma_wait3A_89 = arith.constant 0 : i32
      %dma_wait3A_90 = arith.constant 0 : i32
      %dma_wait3A_91 = arith.constant 0 : i32
      %dma_wait3A_92 = arith.constant 0 : i32
      %dma_wait3A_93 = tpu.memref_slice %arg8[%dma_wait3A_90, %dma_wait3A_91, %dma_wait3A_92] : memref<2x128x128xf32, #tpu.memory_space<vmem>> -> memref<1x128x128xf32, #tpu.memory_space<vmem>>
      %dma_wait3A_94 = tpu.memref_squeeze %dma_wait3A_93 : memref<1x128x128xf32, #tpu.memory_space<vmem>> -> memref<128x128xf32, #tpu.memory_space<vmem>>
      %dma_wait3A_95 = arith.constant 0 : i32
      %dma_wait3A_96 = tpu.memref_slice %arg6[%dma_wait3A_89, %dma_wait3A_95] : memref<40x128xi32, #tpu.memory_space<vmem>> -> memref<1x128xi32, #tpu.memory_space<vmem>>
      %dma_wait3A_97 = tpu.memref_squeeze %dma_wait3A_96 : memref<1x128xi32, #tpu.memory_space<vmem>> -> memref<128xi32, #tpu.memory_space<vmem>>
      %dma_wait3A_98 = arith.constant 0 : i32
      %dma_wait3A_99 = arith.constant 0 : i32
      %dma_wait3A_100 = tpu.memref_slice %arg2[%dma_wait3A_98, %dma_wait3A_99] : memref<10240x128xf32, #tpu.memory_space<hbm>> -> memref<10240x128xf32, #tpu.memory_space<hbm>>
      tpu.wait_indirect_dma semaphore(%arg11 : memref<!tpu.dma_semaphore, #tpu.memory_space<semaphore_mem>>) src(%dma_wait3A_100 : memref<10240x128xf32, #tpu.memory_space<hbm>>) dst(%dma_wait3A_94 : memref<128x128xf32, #tpu.memory_space<vmem>>)
    } else {
    }
    %barrier3A_45 = arith.constant 0 : index
    tpu.barrier barrier_id(%barrier3A_45)
    %mul3A_46 = arith.constant 640 : i32
    %mul3A_47 = arith.muli %arg1, %mul3A_46 : i32
    "tpu.region"() ({
      %run_scoped3A_48 = tpu.sem_alloc : memref<!tpu.dma_semaphore, #tpu.memory_space<semaphore_mem>>
      %dma_start3A = arith.constant 0 : i32
      %dma_start3A_49 = tpu.memref_slice %arg5[%arg0, %mul3A_47, %dma_start3A] : memref<2x10240x128xf32, #tpu.memory_space<hbm>> -> memref<1x640x128xf32, #tpu.memory_space<hbm>>
      %dma_start3A_50 = tpu.memref_squeeze %dma_start3A_49 : memref<1x640x128xf32, #tpu.memory_space<hbm>> -> memref<640x128xf32, #tpu.memory_space<hbm>>
      %dma_start3A_51 = arith.constant 0 : i32
      %dma_start3A_52 = tpu.memref_slice %arg9[%mul3A_47, %dma_start3A_51] : memref<10240x128xf32, #tpu.memory_space<vmem_shared>> -> memref<640x128xf32, #tpu.memory_space<vmem_shared>>
      tpu.enqueue_dma source(%dma_start3A_52 : memref<640x128xf32, #tpu.memory_space<vmem_shared>>) target(%dma_start3A_50 : memref<640x128xf32, #tpu.memory_space<hbm>>) target_semaphore(%run_scoped3A_48 : memref<!tpu.dma_semaphore, #tpu.memory_space<semaphore_mem>>)
      %dma_wait3A = arith.constant 0 : i32
      %dma_wait3A_53 = tpu.memref_slice %arg5[%arg0, %mul3A_47, %dma_wait3A] : memref<2x10240x128xf32, #tpu.memory_space<hbm>> -> memref<1x640x128xf32, #tpu.memory_space<hbm>>
      %dma_wait3A_54 = tpu.memref_squeeze %dma_wait3A_53 : memref<1x640x128xf32, #tpu.memory_space<hbm>> -> memref<640x128xf32, #tpu.memory_space<hbm>>
      %dma_wait3A_55 = arith.constant 0 : i32
      %dma_wait3A_56 = tpu.memref_slice %arg9[%mul3A_47, %dma_wait3A_55] : memref<10240x128xf32, #tpu.memory_space<vmem_shared>> -> memref<640x128xf32, #tpu.memory_space<vmem_shared>>
      tpu.wait_dma2 semaphore(%run_scoped3A_48 : memref<!tpu.dma_semaphore, #tpu.memory_space<semaphore_mem>>) src(%dma_wait3A_56 : memref<640x128xf32, #tpu.memory_space<vmem_shared>>) dst(%dma_wait3A_54 : memref<640x128xf32, #tpu.memory_space<hbm>>)
      tpu.yield
    }) : () -> ()
    return
  }
}

#map = affine_map<(d0, d1) -> (0)>
#map1 = affine_map<(d0, d1) -> (0, 0)>
module attributes {stable_mosaic.version = 14 : i64} {
  func.func @_deg_body(%arg0: i32, %arg1: i32, %arg2: memref<327680xi32, #tpu.memory_space<hbm>>, %arg3: memref<2x10240xf32, #tpu.memory_space<hbm>>, %arg4: memref<10240xi32, #tpu.memory_space<vmem>>, %arg5: memref<10240xf32, #tpu.memory_space<vmem>>, %arg6: memref<16x640xf32, #tpu.memory_space<vmem>>, %arg7: memref<640xf32, #tpu.memory_space<vmem>>, %arg8: memref<16x10240xf32, #tpu.memory_space<vmem_shared>>, %arg9: memref<!tpu.dma_semaphore, #tpu.memory_space<semaphore_mem>>) attributes {dimension_semantics = [#tpu.dimension_semantics<core_parallel>, #tpu.dimension_semantics<subcore_parallel>], iteration_bounds = array<i64: 2, 16>, scalar_prefetch = 0 : i64, scratch_operands = 6 : i64, tpu.core_type = #tpu.core_type<sc_vector_subcore>, window_params = [{transform_indices = #map}, {transform_indices = #map1}]} {
    %broadcast_in_dim3A = arith.constant 0.000000e+00 : f32
    %broadcast_in_dim3A_0 = vector.broadcast %broadcast_in_dim3A : f32 to vector<16xf32>
    %scan3A = arith.constant 0 : i32
    %scan3A_1 = arith.constant 640 : i32
    %scan3A_2 = arith.addi %scan3A, %scan3A_1 : i32
    %scan3A_3 = arith.constant 1 : i32
    scf.for %scan3A_85 = %scan3A to %scan3A_2 step %scan3A_3  : i32 {
      %mul3A_86 = arith.constant 16 : i32
      %mul3A_87 = arith.muli %scan3A_85, %mul3A_86 : i32
      %swap3A = arith.index_cast %mul3A_87 : i32 to index
      %swap3A_88 = tpu.vector_load %arg5[%swap3A] {strides = array<i32>} : memref<10240xf32, #tpu.memory_space<vmem>>, vector<16xf32>,
      tpu.vector_store %arg5[%swap3A], %broadcast_in_dim3A_0 {strides = array<i32>} : memref<10240xf32, #tpu.memory_space<vmem>>, vector<16xf32>,
    }
    %scan3A_4 = arith.constant 640 : i32
    %mul3A = arith.constant 16 : i32
    %mul3A_5 = arith.muli %arg0, %mul3A : i32
    %add3A = arith.addi %mul3A_5, %arg1 : i32
    %mul3A_6 = arith.constant 10240 : i32
    %mul3A_7 = arith.muli %add3A, %mul3A_6 : i32
    "tpu.region"() ({
      %run_scoped3A_85 = tpu.sem_alloc : memref<!tpu.dma_semaphore, #tpu.memory_space<semaphore_mem>>
      %dma_start3A = tpu.memref_slice %arg2[%mul3A_7] : memref<327680xi32, #tpu.memory_space<hbm>> -> memref<10240xi32, #tpu.memory_space<hbm>>
      %dma_start3A_86 = tpu.memref_slice %arg2[%mul3A_7] : memref<327680xi32, #tpu.memory_space<hbm>> -> memref<10240xi32, #tpu.memory_space<hbm>>
      tpu.enqueue_dma source(%dma_start3A_86 : memref<10240xi32, #tpu.memory_space<hbm>>) target(%arg4 : memref<10240xi32, #tpu.memory_space<vmem>>) target_semaphore(%run_scoped3A_85 : memref<!tpu.dma_semaphore, #tpu.memory_space<semaphore_mem>>)
      %dma_wait3A = tpu.memref_slice %arg2[%mul3A_7] : memref<327680xi32, #tpu.memory_space<hbm>> -> memref<10240xi32, #tpu.memory_space<hbm>>
      %dma_wait3A_87 = tpu.memref_slice %arg2[%mul3A_7] : memref<327680xi32, #tpu.memory_space<hbm>> -> memref<10240xi32, #tpu.memory_space<hbm>>
      tpu.wait_dma2 semaphore(%run_scoped3A_85 : memref<!tpu.dma_semaphore, #tpu.memory_space<semaphore_mem>>) src(%dma_wait3A_87 : memref<10240xi32, #tpu.memory_space<hbm>>) dst(%arg4 : memref<10240xi32, #tpu.memory_space<vmem>>)
      tpu.yield
    }) : () -> ()
    %broadcast_in_dim3A_8 = arith.constant 1.000000e+00 : f32
    %broadcast_in_dim3A_9 = vector.broadcast %broadcast_in_dim3A_8 : f32 to vector<16xf32>
    %scan3A_10 = arith.constant 0 : i32
    %scan3A_11 = arith.constant 640 : i32
    %scan3A_12 = arith.addi %scan3A_10, %scan3A_11 : i32
    %scan3A_13 = arith.constant 1 : i32
    scf.for %scan3A_85 = %scan3A_10 to %scan3A_12 step %scan3A_13  : i32 {
      %mul3A_86 = arith.constant 16 : i32
      %mul3A_87 = arith.muli %scan3A_85, %mul3A_86 : i32
      %get3A = arith.index_cast %mul3A_87 : i32 to index
      %get3A_88 = tpu.vector_load %arg4[%get3A] {strides = array<i32>} : memref<10240xi32, #tpu.memory_space<vmem>>, vector<16xi32>,
      tpu.vector_store_idx %arg5[%get3A_88], %broadcast_in_dim3A_9 {add = true} : memref<10240xf32, #tpu.memory_space<vmem>>[vector<16xi32>], vector<16xf32>,
    }
    %scan3A_14 = arith.constant 640 : i32
    "tpu.region"() ({
      %run_scoped3A_85 = tpu.sem_alloc : memref<!tpu.dma_semaphore, #tpu.memory_space<semaphore_mem>>
      %dma_start3A = arith.constant 0 : i32
      %dma_start3A_86 = tpu.memref_slice %arg8[%arg1, %dma_start3A] : memref<16x10240xf32, #tpu.memory_space<vmem_shared>> -> memref<1x10240xf32, #tpu.memory_space<vmem_shared>>
      %dma_start3A_87 = tpu.memref_squeeze %dma_start3A_86 : memref<1x10240xf32, #tpu.memory_space<vmem_shared>> -> memref<10240xf32, #tpu.memory_space<vmem_shared>>
      %dma_start3A_88 = arith.constant 0 : i32
      %dma_start3A_89 = tpu.memref_slice %arg8[%arg1, %dma_start3A_88] : memref<16x10240xf32, #tpu.memory_space<vmem_shared>> -> memref<1x10240xf32, #tpu.memory_space<vmem_shared>>
      %dma_start3A_90 = tpu.memref_squeeze %dma_start3A_89 : memref<1x10240xf32, #tpu.memory_space<vmem_shared>> -> memref<10240xf32, #tpu.memory_space<vmem_shared>>
      tpu.enqueue_dma source(%arg5 : memref<10240xf32, #tpu.memory_space<vmem>>) target(%dma_start3A_90 : memref<10240xf32, #tpu.memory_space<vmem_shared>>) target_semaphore(%run_scoped3A_85 : memref<!tpu.dma_semaphore, #tpu.memory_space<semaphore_mem>>)
      %dma_wait3A = arith.constant 0 : i32
      %dma_wait3A_91 = tpu.memref_slice %arg8[%arg1, %dma_wait3A] : memref<16x10240xf32, #tpu.memory_space<vmem_shared>> -> memref<1x10240xf32, #tpu.memory_space<vmem_shared>>
      %dma_wait3A_92 = tpu.memref_squeeze %dma_wait3A_91 : memref<1x10240xf32, #tpu.memory_space<vmem_shared>> -> memref<10240xf32, #tpu.memory_space<vmem_shared>>
      %dma_wait3A_93 = arith.constant 0 : i32
      %dma_wait3A_94 = tpu.memref_slice %arg8[%arg1, %dma_wait3A_93] : memref<16x10240xf32, #tpu.memory_space<vmem_shared>> -> memref<1x10240xf32, #tpu.memory_space<vmem_shared>>
      %dma_wait3A_95 = tpu.memref_squeeze %dma_wait3A_94 : memref<1x10240xf32, #tpu.memory_space<vmem_shared>> -> memref<10240xf32, #tpu.memory_space<vmem_shared>>
      tpu.wait_dma2 semaphore(%run_scoped3A_85 : memref<!tpu.dma_semaphore, #tpu.memory_space<semaphore_mem>>) src(%arg5 : memref<10240xf32, #tpu.memory_space<vmem>>) dst(%dma_wait3A_95 : memref<10240xf32, #tpu.memory_space<vmem_shared>>)
      tpu.yield
    }) : () -> ()
    %barrier3A = arith.constant 0 : index
    tpu.barrier barrier_id(%barrier3A)
    %mul3A_15 = arith.constant 640 : i32
    %mul3A_16 = arith.muli %arg1, %mul3A_15 : i32
    %run_scoped3A = arith.constant 0 : i32
    %run_scoped3A_17 = arith.constant 0 : i32
    "tpu.region"() ({
      %run_scoped3A_85 = tpu.sem_alloc : memref<!tpu.dma_semaphore, #tpu.memory_space<semaphore_mem>>
      %dma_start3A = arith.constant 0 : i32
      %dma_start3A_86 = tpu.memref_slice %arg6[%run_scoped3A_17, %dma_start3A] : memref<16x640xf32, #tpu.memory_space<vmem>> -> memref<1x640xf32, #tpu.memory_space<vmem>>
      %dma_start3A_87 = tpu.memref_squeeze %dma_start3A_86 : memref<1x640xf32, #tpu.memory_space<vmem>> -> memref<640xf32, #tpu.memory_space<vmem>>
      %dma_start3A_88 = tpu.memref_slice %arg8[%run_scoped3A, %mul3A_16] : memref<16x10240xf32, #tpu.memory_space<vmem_shared>> -> memref<1x640xf32, #tpu.memory_space<vmem_shared>>
      %dma_start3A_89 = tpu.memref_squeeze %dma_start3A_88 : memref<1x640xf32, #tpu.memory_space<vmem_shared>> -> memref<640xf32, #tpu.memory_space<vmem_shared>>
      %dma_start3A_90 = arith.constant 0 : i32
      %dma_start3A_91 = tpu.memref_slice %arg6[%run_scoped3A_17, %dma_start3A_90] : memref<16x640xf32, #tpu.memory_space<vmem>> -> memref<1x640xf32, #tpu.memory_space<vmem>>
      %dma_start3A_92 = tpu.memref_squeeze %dma_start3A_91 : memref<1x640xf32, #tpu.memory_space<vmem>> -> memref<640xf32, #tpu.memory_space<vmem>>
      %dma_start3A_93 = tpu.memref_slice %arg8[%run_scoped3A, %mul3A_16] : memref<16x10240xf32, #tpu.memory_space<vmem_shared>> -> memref<1x640xf32, #tpu.memory_space<vmem_shared>>
      %dma_start3A_94 = tpu.memref_squeeze %dma_start3A_93 : memref<1x640xf32, #tpu.memory_space<vmem_shared>> -> memref<640xf32, #tpu.memory_space<vmem_shared>>
      tpu.enqueue_dma source(%dma_start3A_94 : memref<640xf32, #tpu.memory_space<vmem_shared>>) target(%dma_start3A_92 : memref<640xf32, #tpu.memory_space<vmem>>) target_semaphore(%run_scoped3A_85 : memref<!tpu.dma_semaphore, #tpu.memory_space<semaphore_mem>>)
      %dma_wait3A = arith.constant 0 : i32
      %dma_wait3A_95 = tpu.memref_slice %arg6[%run_scoped3A_17, %dma_wait3A] : memref<16x640xf32, #tpu.memory_space<vmem>> -> memref<1x640xf32, #tpu.memory_space<vmem>>
      %dma_wait3A_96 = tpu.memref_squeeze %dma_wait3A_95 : memref<1x640xf32, #tpu.memory_space<vmem>> -> memref<640xf32, #tpu.memory_space<vmem>>
      %dma_wait3A_97 = tpu.memref_slice %arg8[%run_scoped3A, %mul3A_16] : memref<16x10240xf32, #tpu.memory_space<vmem_shared>> -> memref<1x640xf32, #tpu.memory_space<vmem_shared>>
      %dma_wait3A_98 = tpu.memref_squeeze %dma_wait3A_97 : memref<1x640xf32, #tpu.memory_space<vmem_shared>> -> memref<640xf32, #tpu.memory_space<vmem_shared>>
      %dma_wait3A_99 = arith.constant 0 : i32
      %dma_wait3A_100 = tpu.memref_slice %arg6[%run_scoped3A_17, %dma_wait3A_99] : memref<16x640xf32, #tpu.memory_space<vmem>> -> memref<1x640xf32, #tpu.memory_space<vmem>>
      %dma_wait3A_101 = tpu.memref_squeeze %dma_wait3A_100 : memref<1x640xf32, #tpu.memory_space<vmem>> -> memref<640xf32, #tpu.memory_space<vmem>>
      %dma_wait3A_102 = tpu.memref_slice %arg8[%run_scoped3A, %mul3A_16] : memref<16x10240xf32, #tpu.memory_space<vmem_shared>> -> memref<1x640xf32, #tpu.memory_space<vmem_shared>>
      %dma_wait3A_103 = tpu.memref_squeeze %dma_wait3A_102 : memref<1x640xf32, #tpu.memory_space<vmem_shared>> -> memref<640xf32, #tpu.memory_space<vmem_shared>>
      tpu.wait_dma2 semaphore(%run_scoped3A_85 : memref<!tpu.dma_semaphore, #tpu.memory_space<semaphore_mem>>) src(%dma_wait3A_103 : memref<640xf32, #tpu.memory_space<vmem_shared>>) dst(%dma_wait3A_101 : memref<640xf32, #tpu.memory_space<vmem>>)
      tpu.yield
    }) : () -> ()
    %mul3A_18 = arith.constant 640 : i32
    %mul3A_19 = arith.muli %arg1, %mul3A_18 : i32
    %run_scoped3A_20 = arith.constant 1 : i32
    %run_scoped3A_21 = arith.constant 1 : i32
    "tpu.region"() ({
      %run_scoped3A_85 = tpu.sem_alloc : memref<!tpu.dma_semaphore, #tpu.memory_space<semaphore_mem>>
      %dma_start3A = arith.constant 0 : i32
      %dma_start3A_86 = tpu.memref_slice %arg6[%run_scoped3A_21, %dma_start3A] : memref<16x640xf32, #tpu.memory_space<vmem>> -> memref<1x640xf32, #tpu.memory_space<vmem>>
      %dma_start3A_87 = tpu.memref_squeeze %dma_start3A_86 : memref<1x640xf32, #tpu.memory_space<vmem>> -> memref<640xf32, #tpu.memory_space<vmem>>
      %dma_start3A_88 = tpu.memref_slice %arg8[%run_scoped3A_20, %mul3A_19] : memref<16x10240xf32, #tpu.memory_space<vmem_shared>> -> memref<1x640xf32, #tpu.memory_space<vmem_shared>>
      %dma_start3A_89 = tpu.memref_squeeze %dma_start3A_88 : memref<1x640xf32, #tpu.memory_space<vmem_shared>> -> memref<640xf32, #tpu.memory_space<vmem_shared>>
      %dma_start3A_90 = arith.constant 0 : i32
      %dma_start3A_91 = tpu.memref_slice %arg6[%run_scoped3A_21, %dma_start3A_90] : memref<16x640xf32, #tpu.memory_space<vmem>> -> memref<1x640xf32, #tpu.memory_space<vmem>>
      %dma_start3A_92 = tpu.memref_squeeze %dma_start3A_91 : memref<1x640xf32, #tpu.memory_space<vmem>> -> memref<640xf32, #tpu.memory_space<vmem>>
      %dma_start3A_93 = tpu.memref_slice %arg8[%run_scoped3A_20, %mul3A_19] : memref<16x10240xf32, #tpu.memory_space<vmem_shared>> -> memref<1x640xf32, #tpu.memory_space<vmem_shared>>
      %dma_start3A_94 = tpu.memref_squeeze %dma_start3A_93 : memref<1x640xf32, #tpu.memory_space<vmem_shared>> -> memref<640xf32, #tpu.memory_space<vmem_shared>>
      tpu.enqueue_dma source(%dma_start3A_94 : memref<640xf32, #tpu.memory_space<vmem_shared>>) target(%dma_start3A_92 : memref<640xf32, #tpu.memory_space<vmem>>) target_semaphore(%run_scoped3A_85 : memref<!tpu.dma_semaphore, #tpu.memory_space<semaphore_mem>>)
      %dma_wait3A = arith.constant 0 : i32
      %dma_wait3A_95 = tpu.memref_slice %arg6[%run_scoped3A_21, %dma_wait3A] : memref<16x640xf32, #tpu.memory_space<vmem>> -> memref<1x640xf32, #tpu.memory_space<vmem>>
      %dma_wait3A_96 = tpu.memref_squeeze %dma_wait3A_95 : memref<1x640xf32, #tpu.memory_space<vmem>> -> memref<640xf32, #tpu.memory_space<vmem>>
      %dma_wait3A_97 = tpu.memref_slice %arg8[%run_scoped3A_20, %mul3A_19] : memref<16x10240xf32, #tpu.memory_space<vmem_shared>> -> memref<1x640xf32, #tpu.memory_space<vmem_shared>>
      %dma_wait3A_98 = tpu.memref_squeeze %dma_wait3A_97 : memref<1x640xf32, #tpu.memory_space<vmem_shared>> -> memref<640xf32, #tpu.memory_space<vmem_shared>>
      %dma_wait3A_99 = arith.constant 0 : i32
      %dma_wait3A_100 = tpu.memref_slice %arg6[%run_scoped3A_21, %dma_wait3A_99] : memref<16x640xf32, #tpu.memory_space<vmem>> -> memref<1x640xf32, #tpu.memory_space<vmem>>
      %dma_wait3A_101 = tpu.memref_squeeze %dma_wait3A_100 : memref<1x640xf32, #tpu.memory_space<vmem>> -> memref<640xf32, #tpu.memory_space<vmem>>
      %dma_wait3A_102 = tpu.memref_slice %arg8[%run_scoped3A_20, %mul3A_19] : memref<16x10240xf32, #tpu.memory_space<vmem_shared>> -> memref<1x640xf32, #tpu.memory_space<vmem_shared>>
      %dma_wait3A_103 = tpu.memref_squeeze %dma_wait3A_102 : memref<1x640xf32, #tpu.memory_space<vmem_shared>> -> memref<640xf32, #tpu.memory_space<vmem_shared>>
      tpu.wait_dma2 semaphore(%run_scoped3A_85 : memref<!tpu.dma_semaphore, #tpu.memory_space<semaphore_mem>>) src(%dma_wait3A_103 : memref<640xf32, #tpu.memory_space<vmem_shared>>) dst(%dma_wait3A_101 : memref<640xf32, #tpu.memory_space<vmem>>)
      tpu.yield
    }) : () -> ()
    %mul3A_22 = arith.constant 640 : i32
    %mul3A_23 = arith.muli %arg1, %mul3A_22 : i32
    %run_scoped3A_24 = arith.constant 2 : i32
    %run_scoped3A_25 = arith.constant 2 : i32
    "tpu.region"() ({
      %run_scoped3A_85 = tpu.sem_alloc : memref<!tpu.dma_semaphore, #tpu.memory_space<semaphore_mem>>
      %dma_start3A = arith.constant 0 : i32
      %dma_start3A_86 = tpu.memref_slice %arg6[%run_scoped3A_25, %dma_start3A] : memref<16x640xf32, #tpu.memory_space<vmem>> -> memref<1x640xf32, #tpu.memory_space<vmem>>
      %dma_start3A_87 = tpu.memref_squeeze %dma_start3A_86 : memref<1x640xf32, #tpu.memory_space<vmem>> -> memref<640xf32, #tpu.memory_space<vmem>>
      %dma_start3A_88 = tpu.memref_slice %arg8[%run_scoped3A_24, %mul3A_23] : memref<16x10240xf32, #tpu.memory_space<vmem_shared>> -> memref<1x640xf32, #tpu.memory_space<vmem_shared>>
      %dma_start3A_89 = tpu.memref_squeeze %dma_start3A_88 : memref<1x640xf32, #tpu.memory_space<vmem_shared>> -> memref<640xf32, #tpu.memory_space<vmem_shared>>
      %dma_start3A_90 = arith.constant 0 : i32
      %dma_start3A_91 = tpu.memref_slice %arg6[%run_scoped3A_25, %dma_start3A_90] : memref<16x640xf32, #tpu.memory_space<vmem>> -> memref<1x640xf32, #tpu.memory_space<vmem>>
      %dma_start3A_92 = tpu.memref_squeeze %dma_start3A_91 : memref<1x640xf32, #tpu.memory_space<vmem>> -> memref<640xf32, #tpu.memory_space<vmem>>
      %dma_start3A_93 = tpu.memref_slice %arg8[%run_scoped3A_24, %mul3A_23] : memref<16x10240xf32, #tpu.memory_space<vmem_shared>> -> memref<1x640xf32, #tpu.memory_space<vmem_shared>>
      %dma_start3A_94 = tpu.memref_squeeze %dma_start3A_93 : memref<1x640xf32, #tpu.memory_space<vmem_shared>> -> memref<640xf32, #tpu.memory_space<vmem_shared>>
      tpu.enqueue_dma source(%dma_start3A_94 : memref<640xf32, #tpu.memory_space<vmem_shared>>) target(%dma_start3A_92 : memref<640xf32, #tpu.memory_space<vmem>>) target_semaphore(%run_scoped3A_85 : memref<!tpu.dma_semaphore, #tpu.memory_space<semaphore_mem>>)
      %dma_wait3A = arith.constant 0 : i32
      %dma_wait3A_95 = tpu.memref_slice %arg6[%run_scoped3A_25, %dma_wait3A] : memref<16x640xf32, #tpu.memory_space<vmem>> -> memref<1x640xf32, #tpu.memory_space<vmem>>
      %dma_wait3A_96 = tpu.memref_squeeze %dma_wait3A_95 : memref<1x640xf32, #tpu.memory_space<vmem>> -> memref<640xf32, #tpu.memory_space<vmem>>
      %dma_wait3A_97 = tpu.memref_slice %arg8[%run_scoped3A_24, %mul3A_23] : memref<16x10240xf32, #tpu.memory_space<vmem_shared>> -> memref<1x640xf32, #tpu.memory_space<vmem_shared>>
      %dma_wait3A_98 = tpu.memref_squeeze %dma_wait3A_97 : memref<1x640xf32, #tpu.memory_space<vmem_shared>> -> memref<640xf32, #tpu.memory_space<vmem_shared>>
      %dma_wait3A_99 = arith.constant 0 : i32
      %dma_wait3A_100 = tpu.memref_slice %arg6[%run_scoped3A_25, %dma_wait3A_99] : memref<16x640xf32, #tpu.memory_space<vmem>> -> memref<1x640xf32, #tpu.memory_space<vmem>>
      %dma_wait3A_101 = tpu.memref_squeeze %dma_wait3A_100 : memref<1x640xf32, #tpu.memory_space<vmem>> -> memref<640xf32, #tpu.memory_space<vmem>>
      %dma_wait3A_102 = tpu.memref_slice %arg8[%run_scoped3A_24, %mul3A_23] : memref<16x10240xf32, #tpu.memory_space<vmem_shared>> -> memref<1x640xf32, #tpu.memory_space<vmem_shared>>
      %dma_wait3A_103 = tpu.memref_squeeze %dma_wait3A_102 : memref<1x640xf32, #tpu.memory_space<vmem_shared>> -> memref<640xf32, #tpu.memory_space<vmem_shared>>
      tpu.wait_dma2 semaphore(%run_scoped3A_85 : memref<!tpu.dma_semaphore, #tpu.memory_space<semaphore_mem>>) src(%dma_wait3A_103 : memref<640xf32, #tpu.memory_space<vmem_shared>>) dst(%dma_wait3A_101 : memref<640xf32, #tpu.memory_space<vmem>>)
      tpu.yield
    }) : () -> ()
    %mul3A_26 = arith.constant 640 : i32
    %mul3A_27 = arith.muli %arg1, %mul3A_26 : i32
    %run_scoped3A_28 = arith.constant 3 : i32
    %run_scoped3A_29 = arith.constant 3 : i32
    "tpu.region"() ({
      %run_scoped3A_85 = tpu.sem_alloc : memref<!tpu.dma_semaphore, #tpu.memory_space<semaphore_mem>>
      %dma_start3A = arith.constant 0 : i32
      %dma_start3A_86 = tpu.memref_slice %arg6[%run_scoped3A_29, %dma_start3A] : memref<16x640xf32, #tpu.memory_space<vmem>> -> memref<1x640xf32, #tpu.memory_space<vmem>>
      %dma_start3A_87 = tpu.memref_squeeze %dma_start3A_86 : memref<1x640xf32, #tpu.memory_space<vmem>> -> memref<640xf32, #tpu.memory_space<vmem>>
      %dma_start3A_88 = tpu.memref_slice %arg8[%run_scoped3A_28, %mul3A_27] : memref<16x10240xf32, #tpu.memory_space<vmem_shared>> -> memref<1x640xf32, #tpu.memory_space<vmem_shared>>
      %dma_start3A_89 = tpu.memref_squeeze %dma_start3A_88 : memref<1x640xf32, #tpu.memory_space<vmem_shared>> -> memref<640xf32, #tpu.memory_space<vmem_shared>>
      %dma_start3A_90 = arith.constant 0 : i32
      %dma_start3A_91 = tpu.memref_slice %arg6[%run_scoped3A_29, %dma_start3A_90] : memref<16x640xf32, #tpu.memory_space<vmem>> -> memref<1x640xf32, #tpu.memory_space<vmem>>
      %dma_start3A_92 = tpu.memref_squeeze %dma_start3A_91 : memref<1x640xf32, #tpu.memory_space<vmem>> -> memref<640xf32, #tpu.memory_space<vmem>>
      %dma_start3A_93 = tpu.memref_slice %arg8[%run_scoped3A_28, %mul3A_27] : memref<16x10240xf32, #tpu.memory_space<vmem_shared>> -> memref<1x640xf32, #tpu.memory_space<vmem_shared>>
      %dma_start3A_94 = tpu.memref_squeeze %dma_start3A_93 : memref<1x640xf32, #tpu.memory_space<vmem_shared>> -> memref<640xf32, #tpu.memory_space<vmem_shared>>
      tpu.enqueue_dma source(%dma_start3A_94 : memref<640xf32, #tpu.memory_space<vmem_shared>>) target(%dma_start3A_92 : memref<640xf32, #tpu.memory_space<vmem>>) target_semaphore(%run_scoped3A_85 : memref<!tpu.dma_semaphore, #tpu.memory_space<semaphore_mem>>)
      %dma_wait3A = arith.constant 0 : i32
      %dma_wait3A_95 = tpu.memref_slice %arg6[%run_scoped3A_29, %dma_wait3A] : memref<16x640xf32, #tpu.memory_space<vmem>> -> memref<1x640xf32, #tpu.memory_space<vmem>>
      %dma_wait3A_96 = tpu.memref_squeeze %dma_wait3A_95 : memref<1x640xf32, #tpu.memory_space<vmem>> -> memref<640xf32, #tpu.memory_space<vmem>>
      %dma_wait3A_97 = tpu.memref_slice %arg8[%run_scoped3A_28, %mul3A_27] : memref<16x10240xf32, #tpu.memory_space<vmem_shared>> -> memref<1x640xf32, #tpu.memory_space<vmem_shared>>
      %dma_wait3A_98 = tpu.memref_squeeze %dma_wait3A_97 : memref<1x640xf32, #tpu.memory_space<vmem_shared>> -> memref<640xf32, #tpu.memory_space<vmem_shared>>
      %dma_wait3A_99 = arith.constant 0 : i32
      %dma_wait3A_100 = tpu.memref_slice %arg6[%run_scoped3A_29, %dma_wait3A_99] : memref<16x640xf32, #tpu.memory_space<vmem>> -> memref<1x640xf32, #tpu.memory_space<vmem>>
      %dma_wait3A_101 = tpu.memref_squeeze %dma_wait3A_100 : memref<1x640xf32, #tpu.memory_space<vmem>> -> memref<640xf32, #tpu.memory_space<vmem>>
      %dma_wait3A_102 = tpu.memref_slice %arg8[%run_scoped3A_28, %mul3A_27] : memref<16x10240xf32, #tpu.memory_space<vmem_shared>> -> memref<1x640xf32, #tpu.memory_space<vmem_shared>>
      %dma_wait3A_103 = tpu.memref_squeeze %dma_wait3A_102 : memref<1x640xf32, #tpu.memory_space<vmem_shared>> -> memref<640xf32, #tpu.memory_space<vmem_shared>>
      tpu.wait_dma2 semaphore(%run_scoped3A_85 : memref<!tpu.dma_semaphore, #tpu.memory_space<semaphore_mem>>) src(%dma_wait3A_103 : memref<640xf32, #tpu.memory_space<vmem_shared>>) dst(%dma_wait3A_101 : memref<640xf32, #tpu.memory_space<vmem>>)
      tpu.yield
    }) : () -> ()
    %mul3A_30 = arith.constant 640 : i32
    %mul3A_31 = arith.muli %arg1, %mul3A_30 : i32
    %run_scoped3A_32 = arith.constant 4 : i32
    %run_scoped3A_33 = arith.constant 4 : i32
    "tpu.region"() ({
      %run_scoped3A_85 = tpu.sem_alloc : memref<!tpu.dma_semaphore, #tpu.memory_space<semaphore_mem>>
      %dma_start3A = arith.constant 0 : i32
      %dma_start3A_86 = tpu.memref_slice %arg6[%run_scoped3A_33, %dma_start3A] : memref<16x640xf32, #tpu.memory_space<vmem>> -> memref<1x640xf32, #tpu.memory_space<vmem>>
      %dma_start3A_87 = tpu.memref_squeeze %dma_start3A_86 : memref<1x640xf32, #tpu.memory_space<vmem>> -> memref<640xf32, #tpu.memory_space<vmem>>
      %dma_start3A_88 = tpu.memref_slice %arg8[%run_scoped3A_32, %mul3A_31] : memref<16x10240xf32, #tpu.memory_space<vmem_shared>> -> memref<1x640xf32, #tpu.memory_space<vmem_shared>>
      %dma_start3A_89 = tpu.memref_squeeze %dma_start3A_88 : memref<1x640xf32, #tpu.memory_space<vmem_shared>> -> memref<640xf32, #tpu.memory_space<vmem_shared>>
      %dma_start3A_90 = arith.constant 0 : i32
      %dma_start3A_91 = tpu.memref_slice %arg6[%run_scoped3A_33, %dma_start3A_90] : memref<16x640xf32, #tpu.memory_space<vmem>> -> memref<1x640xf32, #tpu.memory_space<vmem>>
      %dma_start3A_92 = tpu.memref_squeeze %dma_start3A_91 : memref<1x640xf32, #tpu.memory_space<vmem>> -> memref<640xf32, #tpu.memory_space<vmem>>
      %dma_start3A_93 = tpu.memref_slice %arg8[%run_scoped3A_32, %mul3A_31] : memref<16x10240xf32, #tpu.memory_space<vmem_shared>> -> memref<1x640xf32, #tpu.memory_space<vmem_shared>>
      %dma_start3A_94 = tpu.memref_squeeze %dma_start3A_93 : memref<1x640xf32, #tpu.memory_space<vmem_shared>> -> memref<640xf32, #tpu.memory_space<vmem_shared>>
      tpu.enqueue_dma source(%dma_start3A_94 : memref<640xf32, #tpu.memory_space<vmem_shared>>) target(%dma_start3A_92 : memref<640xf32, #tpu.memory_space<vmem>>) target_semaphore(%run_scoped3A_85 : memref<!tpu.dma_semaphore, #tpu.memory_space<semaphore_mem>>)
      %dma_wait3A = arith.constant 0 : i32
      %dma_wait3A_95 = tpu.memref_slice %arg6[%run_scoped3A_33, %dma_wait3A] : memref<16x640xf32, #tpu.memory_space<vmem>> -> memref<1x640xf32, #tpu.memory_space<vmem>>
      %dma_wait3A_96 = tpu.memref_squeeze %dma_wait3A_95 : memref<1x640xf32, #tpu.memory_space<vmem>> -> memref<640xf32, #tpu.memory_space<vmem>>
      %dma_wait3A_97 = tpu.memref_slice %arg8[%run_scoped3A_32, %mul3A_31] : memref<16x10240xf32, #tpu.memory_space<vmem_shared>> -> memref<1x640xf32, #tpu.memory_space<vmem_shared>>
      %dma_wait3A_98 = tpu.memref_squeeze %dma_wait3A_97 : memref<1x640xf32, #tpu.memory_space<vmem_shared>> -> memref<640xf32, #tpu.memory_space<vmem_shared>>
      %dma_wait3A_99 = arith.constant 0 : i32
      %dma_wait3A_100 = tpu.memref_slice %arg6[%run_scoped3A_33, %dma_wait3A_99] : memref<16x640xf32, #tpu.memory_space<vmem>> -> memref<1x640xf32, #tpu.memory_space<vmem>>
      %dma_wait3A_101 = tpu.memref_squeeze %dma_wait3A_100 : memref<1x640xf32, #tpu.memory_space<vmem>> -> memref<640xf32, #tpu.memory_space<vmem>>
      %dma_wait3A_102 = tpu.memref_slice %arg8[%run_scoped3A_32, %mul3A_31] : memref<16x10240xf32, #tpu.memory_space<vmem_shared>> -> memref<1x640xf32, #tpu.memory_space<vmem_shared>>
      %dma_wait3A_103 = tpu.memref_squeeze %dma_wait3A_102 : memref<1x640xf32, #tpu.memory_space<vmem_shared>> -> memref<640xf32, #tpu.memory_space<vmem_shared>>
      tpu.wait_dma2 semaphore(%run_scoped3A_85 : memref<!tpu.dma_semaphore, #tpu.memory_space<semaphore_mem>>) src(%dma_wait3A_103 : memref<640xf32, #tpu.memory_space<vmem_shared>>) dst(%dma_wait3A_101 : memref<640xf32, #tpu.memory_space<vmem>>)
      tpu.yield
    }) : () -> ()
    %mul3A_34 = arith.constant 640 : i32
    %mul3A_35 = arith.muli %arg1, %mul3A_34 : i32
    %run_scoped3A_36 = arith.constant 5 : i32
    %run_scoped3A_37 = arith.constant 5 : i32
    "tpu.region"() ({
      %run_scoped3A_85 = tpu.sem_alloc : memref<!tpu.dma_semaphore, #tpu.memory_space<semaphore_mem>>
      %dma_start3A = arith.constant 0 : i32
      %dma_start3A_86 = tpu.memref_slice %arg6[%run_scoped3A_37, %dma_start3A] : memref<16x640xf32, #tpu.memory_space<vmem>> -> memref<1x640xf32, #tpu.memory_space<vmem>>
      %dma_start3A_87 = tpu.memref_squeeze %dma_start3A_86 : memref<1x640xf32, #tpu.memory_space<vmem>> -> memref<640xf32, #tpu.memory_space<vmem>>
      %dma_start3A_88 = tpu.memref_slice %arg8[%run_scoped3A_36, %mul3A_35] : memref<16x10240xf32, #tpu.memory_space<vmem_shared>> -> memref<1x640xf32, #tpu.memory_space<vmem_shared>>
      %dma_start3A_89 = tpu.memref_squeeze %dma_start3A_88 : memref<1x640xf32, #tpu.memory_space<vmem_shared>> -> memref<640xf32, #tpu.memory_space<vmem_shared>>
      %dma_start3A_90 = arith.constant 0 : i32
      %dma_start3A_91 = tpu.memref_slice %arg6[%run_scoped3A_37, %dma_start3A_90] : memref<16x640xf32, #tpu.memory_space<vmem>> -> memref<1x640xf32, #tpu.memory_space<vmem>>
      %dma_start3A_92 = tpu.memref_squeeze %dma_start3A_91 : memref<1x640xf32, #tpu.memory_space<vmem>> -> memref<640xf32, #tpu.memory_space<vmem>>
      %dma_start3A_93 = tpu.memref_slice %arg8[%run_scoped3A_36, %mul3A_35] : memref<16x10240xf32, #tpu.memory_space<vmem_shared>> -> memref<1x640xf32, #tpu.memory_space<vmem_shared>>
      %dma_start3A_94 = tpu.memref_squeeze %dma_start3A_93 : memref<1x640xf32, #tpu.memory_space<vmem_shared>> -> memref<640xf32, #tpu.memory_space<vmem_shared>>
      tpu.enqueue_dma source(%dma_start3A_94 : memref<640xf32, #tpu.memory_space<vmem_shared>>) target(%dma_start3A_92 : memref<640xf32, #tpu.memory_space<vmem>>) target_semaphore(%run_scoped3A_85 : memref<!tpu.dma_semaphore, #tpu.memory_space<semaphore_mem>>)
      %dma_wait3A = arith.constant 0 : i32
      %dma_wait3A_95 = tpu.memref_slice %arg6[%run_scoped3A_37, %dma_wait3A] : memref<16x640xf32, #tpu.memory_space<vmem>> -> memref<1x640xf32, #tpu.memory_space<vmem>>
      %dma_wait3A_96 = tpu.memref_squeeze %dma_wait3A_95 : memref<1x640xf32, #tpu.memory_space<vmem>> -> memref<640xf32, #tpu.memory_space<vmem>>
      %dma_wait3A_97 = tpu.memref_slice %arg8[%run_scoped3A_36, %mul3A_35] : memref<16x10240xf32, #tpu.memory_space<vmem_shared>> -> memref<1x640xf32, #tpu.memory_space<vmem_shared>>
      %dma_wait3A_98 = tpu.memref_squeeze %dma_wait3A_97 : memref<1x640xf32, #tpu.memory_space<vmem_shared>> -> memref<640xf32, #tpu.memory_space<vmem_shared>>
      %dma_wait3A_99 = arith.constant 0 : i32
      %dma_wait3A_100 = tpu.memref_slice %arg6[%run_scoped3A_37, %dma_wait3A_99] : memref<16x640xf32, #tpu.memory_space<vmem>> -> memref<1x640xf32, #tpu.memory_space<vmem>>
      %dma_wait3A_101 = tpu.memref_squeeze %dma_wait3A_100 : memref<1x640xf32, #tpu.memory_space<vmem>> -> memref<640xf32, #tpu.memory_space<vmem>>
      %dma_wait3A_102 = tpu.memref_slice %arg8[%run_scoped3A_36, %mul3A_35] : memref<16x10240xf32, #tpu.memory_space<vmem_shared>> -> memref<1x640xf32, #tpu.memory_space<vmem_shared>>
      %dma_wait3A_103 = tpu.memref_squeeze %dma_wait3A_102 : memref<1x640xf32, #tpu.memory_space<vmem_shared>> -> memref<640xf32, #tpu.memory_space<vmem_shared>>
      tpu.wait_dma2 semaphore(%run_scoped3A_85 : memref<!tpu.dma_semaphore, #tpu.memory_space<semaphore_mem>>) src(%dma_wait3A_103 : memref<640xf32, #tpu.memory_space<vmem_shared>>) dst(%dma_wait3A_101 : memref<640xf32, #tpu.memory_space<vmem>>)
      tpu.yield
    }) : () -> ()
    %mul3A_38 = arith.constant 640 : i32
    %mul3A_39 = arith.muli %arg1, %mul3A_38 : i32
    %run_scoped3A_40 = arith.constant 6 : i32
    %run_scoped3A_41 = arith.constant 6 : i32
    "tpu.region"() ({
      %run_scoped3A_85 = tpu.sem_alloc : memref<!tpu.dma_semaphore, #tpu.memory_space<semaphore_mem>>
      %dma_start3A = arith.constant 0 : i32
      %dma_start3A_86 = tpu.memref_slice %arg6[%run_scoped3A_41, %dma_start3A] : memref<16x640xf32, #tpu.memory_space<vmem>> -> memref<1x640xf32, #tpu.memory_space<vmem>>
      %dma_start3A_87 = tpu.memref_squeeze %dma_start3A_86 : memref<1x640xf32, #tpu.memory_space<vmem>> -> memref<640xf32, #tpu.memory_space<vmem>>
      %dma_start3A_88 = tpu.memref_slice %arg8[%run_scoped3A_40, %mul3A_39] : memref<16x10240xf32, #tpu.memory_space<vmem_shared>> -> memref<1x640xf32, #tpu.memory_space<vmem_shared>>
      %dma_start3A_89 = tpu.memref_squeeze %dma_start3A_88 : memref<1x640xf32, #tpu.memory_space<vmem_shared>> -> memref<640xf32, #tpu.memory_space<vmem_shared>>
      %dma_start3A_90 = arith.constant 0 : i32
      %dma_start3A_91 = tpu.memref_slice %arg6[%run_scoped3A_41, %dma_start3A_90] : memref<16x640xf32, #tpu.memory_space<vmem>> -> memref<1x640xf32, #tpu.memory_space<vmem>>
      %dma_start3A_92 = tpu.memref_squeeze %dma_start3A_91 : memref<1x640xf32, #tpu.memory_space<vmem>> -> memref<640xf32, #tpu.memory_space<vmem>>
      %dma_start3A_93 = tpu.memref_slice %arg8[%run_scoped3A_40, %mul3A_39] : memref<16x10240xf32, #tpu.memory_space<vmem_shared>> -> memref<1x640xf32, #tpu.memory_space<vmem_shared>>
      %dma_start3A_94 = tpu.memref_squeeze %dma_start3A_93 : memref<1x640xf32, #tpu.memory_space<vmem_shared>> -> memref<640xf32, #tpu.memory_space<vmem_shared>>
      tpu.enqueue_dma source(%dma_start3A_94 : memref<640xf32, #tpu.memory_space<vmem_shared>>) target(%dma_start3A_92 : memref<640xf32, #tpu.memory_space<vmem>>) target_semaphore(%run_scoped3A_85 : memref<!tpu.dma_semaphore, #tpu.memory_space<semaphore_mem>>)
      %dma_wait3A = arith.constant 0 : i32
      %dma_wait3A_95 = tpu.memref_slice %arg6[%run_scoped3A_41, %dma_wait3A] : memref<16x640xf32, #tpu.memory_space<vmem>> -> memref<1x640xf32, #tpu.memory_space<vmem>>
      %dma_wait3A_96 = tpu.memref_squeeze %dma_wait3A_95 : memref<1x640xf32, #tpu.memory_space<vmem>> -> memref<640xf32, #tpu.memory_space<vmem>>
      %dma_wait3A_97 = tpu.memref_slice %arg8[%run_scoped3A_40, %mul3A_39] : memref<16x10240xf32, #tpu.memory_space<vmem_shared>> -> memref<1x640xf32, #tpu.memory_space<vmem_shared>>
      %dma_wait3A_98 = tpu.memref_squeeze %dma_wait3A_97 : memref<1x640xf32, #tpu.memory_space<vmem_shared>> -> memref<640xf32, #tpu.memory_space<vmem_shared>>
      %dma_wait3A_99 = arith.constant 0 : i32
      %dma_wait3A_100 = tpu.memref_slice %arg6[%run_scoped3A_41, %dma_wait3A_99] : memref<16x640xf32, #tpu.memory_space<vmem>> -> memref<1x640xf32, #tpu.memory_space<vmem>>
      %dma_wait3A_101 = tpu.memref_squeeze %dma_wait3A_100 : memref<1x640xf32, #tpu.memory_space<vmem>> -> memref<640xf32, #tpu.memory_space<vmem>>
      %dma_wait3A_102 = tpu.memref_slice %arg8[%run_scoped3A_40, %mul3A_39] : memref<16x10240xf32, #tpu.memory_space<vmem_shared>> -> memref<1x640xf32, #tpu.memory_space<vmem_shared>>
      %dma_wait3A_103 = tpu.memref_squeeze %dma_wait3A_102 : memref<1x640xf32, #tpu.memory_space<vmem_shared>> -> memref<640xf32, #tpu.memory_space<vmem_shared>>
      tpu.wait_dma2 semaphore(%run_scoped3A_85 : memref<!tpu.dma_semaphore, #tpu.memory_space<semaphore_mem>>) src(%dma_wait3A_103 : memref<640xf32, #tpu.memory_space<vmem_shared>>) dst(%dma_wait3A_101 : memref<640xf32, #tpu.memory_space<vmem>>)
      tpu.yield
    }) : () -> ()
    %mul3A_42 = arith.constant 640 : i32
    %mul3A_43 = arith.muli %arg1, %mul3A_42 : i32
    %run_scoped3A_44 = arith.constant 7 : i32
    %run_scoped3A_45 = arith.constant 7 : i32
    "tpu.region"() ({
      %run_scoped3A_85 = tpu.sem_alloc : memref<!tpu.dma_semaphore, #tpu.memory_space<semaphore_mem>>
      %dma_start3A = arith.constant 0 : i32
      %dma_start3A_86 = tpu.memref_slice %arg6[%run_scoped3A_45, %dma_start3A] : memref<16x640xf32, #tpu.memory_space<vmem>> -> memref<1x640xf32, #tpu.memory_space<vmem>>
      %dma_start3A_87 = tpu.memref_squeeze %dma_start3A_86 : memref<1x640xf32, #tpu.memory_space<vmem>> -> memref<640xf32, #tpu.memory_space<vmem>>
      %dma_start3A_88 = tpu.memref_slice %arg8[%run_scoped3A_44, %mul3A_43] : memref<16x10240xf32, #tpu.memory_space<vmem_shared>> -> memref<1x640xf32, #tpu.memory_space<vmem_shared>>
      %dma_start3A_89 = tpu.memref_squeeze %dma_start3A_88 : memref<1x640xf32, #tpu.memory_space<vmem_shared>> -> memref<640xf32, #tpu.memory_space<vmem_shared>>
      %dma_start3A_90 = arith.constant 0 : i32
      %dma_start3A_91 = tpu.memref_slice %arg6[%run_scoped3A_45, %dma_start3A_90] : memref<16x640xf32, #tpu.memory_space<vmem>> -> memref<1x640xf32, #tpu.memory_space<vmem>>
      %dma_start3A_92 = tpu.memref_squeeze %dma_start3A_91 : memref<1x640xf32, #tpu.memory_space<vmem>> -> memref<640xf32, #tpu.memory_space<vmem>>
      %dma_start3A_93 = tpu.memref_slice %arg8[%run_scoped3A_44, %mul3A_43] : memref<16x10240xf32, #tpu.memory_space<vmem_shared>> -> memref<1x640xf32, #tpu.memory_space<vmem_shared>>
      %dma_start3A_94 = tpu.memref_squeeze %dma_start3A_93 : memref<1x640xf32, #tpu.memory_space<vmem_shared>> -> memref<640xf32, #tpu.memory_space<vmem_shared>>
      tpu.enqueue_dma source(%dma_start3A_94 : memref<640xf32, #tpu.memory_space<vmem_shared>>) target(%dma_start3A_92 : memref<640xf32, #tpu.memory_space<vmem>>) target_semaphore(%run_scoped3A_85 : memref<!tpu.dma_semaphore, #tpu.memory_space<semaphore_mem>>)
      %dma_wait3A = arith.constant 0 : i32
      %dma_wait3A_95 = tpu.memref_slice %arg6[%run_scoped3A_45, %dma_wait3A] : memref<16x640xf32, #tpu.memory_space<vmem>> -> memref<1x640xf32, #tpu.memory_space<vmem>>
      %dma_wait3A_96 = tpu.memref_squeeze %dma_wait3A_95 : memref<1x640xf32, #tpu.memory_space<vmem>> -> memref<640xf32, #tpu.memory_space<vmem>>
      %dma_wait3A_97 = tpu.memref_slice %arg8[%run_scoped3A_44, %mul3A_43] : memref<16x10240xf32, #tpu.memory_space<vmem_shared>> -> memref<1x640xf32, #tpu.memory_space<vmem_shared>>
      %dma_wait3A_98 = tpu.memref_squeeze %dma_wait3A_97 : memref<1x640xf32, #tpu.memory_space<vmem_shared>> -> memref<640xf32, #tpu.memory_space<vmem_shared>>
      %dma_wait3A_99 = arith.constant 0 : i32
      %dma_wait3A_100 = tpu.memref_slice %arg6[%run_scoped3A_45, %dma_wait3A_99] : memref<16x640xf32, #tpu.memory_space<vmem>> -> memref<1x640xf32, #tpu.memory_space<vmem>>
      %dma_wait3A_101 = tpu.memref_squeeze %dma_wait3A_100 : memref<1x640xf32, #tpu.memory_space<vmem>> -> memref<640xf32, #tpu.memory_space<vmem>>
      %dma_wait3A_102 = tpu.memref_slice %arg8[%run_scoped3A_44, %mul3A_43] : memref<16x10240xf32, #tpu.memory_space<vmem_shared>> -> memref<1x640xf32, #tpu.memory_space<vmem_shared>>
      %dma_wait3A_103 = tpu.memref_squeeze %dma_wait3A_102 : memref<1x640xf32, #tpu.memory_space<vmem_shared>> -> memref<640xf32, #tpu.memory_space<vmem_shared>>
      tpu.wait_dma2 semaphore(%run_scoped3A_85 : memref<!tpu.dma_semaphore, #tpu.memory_space<semaphore_mem>>) src(%dma_wait3A_103 : memref<640xf32, #tpu.memory_space<vmem_shared>>) dst(%dma_wait3A_101 : memref<640xf32, #tpu.memory_space<vmem>>)
      tpu.yield
    }) : () -> ()
    %mul3A_46 = arith.constant 640 : i32
    %mul3A_47 = arith.muli %arg1, %mul3A_46 : i32
    %run_scoped3A_48 = arith.constant 8 : i32
    %run_scoped3A_49 = arith.constant 8 : i32
    "tpu.region"() ({
      %run_scoped3A_85 = tpu.sem_alloc : memref<!tpu.dma_semaphore, #tpu.memory_space<semaphore_mem>>
      %dma_start3A = arith.constant 0 : i32
      %dma_start3A_86 = tpu.memref_slice %arg6[%run_scoped3A_49, %dma_start3A] : memref<16x640xf32, #tpu.memory_space<vmem>> -> memref<1x640xf32, #tpu.memory_space<vmem>>
      %dma_start3A_87 = tpu.memref_squeeze %dma_start3A_86 : memref<1x640xf32, #tpu.memory_space<vmem>> -> memref<640xf32, #tpu.memory_space<vmem>>
      %dma_start3A_88 = tpu.memref_slice %arg8[%run_scoped3A_48, %mul3A_47] : memref<16x10240xf32, #tpu.memory_space<vmem_shared>> -> memref<1x640xf32, #tpu.memory_space<vmem_shared>>
      %dma_start3A_89 = tpu.memref_squeeze %dma_start3A_88 : memref<1x640xf32, #tpu.memory_space<vmem_shared>> -> memref<640xf32, #tpu.memory_space<vmem_shared>>
      %dma_start3A_90 = arith.constant 0 : i32
      %dma_start3A_91 = tpu.memref_slice %arg6[%run_scoped3A_49, %dma_start3A_90] : memref<16x640xf32, #tpu.memory_space<vmem>> -> memref<1x640xf32, #tpu.memory_space<vmem>>
      %dma_start3A_92 = tpu.memref_squeeze %dma_start3A_91 : memref<1x640xf32, #tpu.memory_space<vmem>> -> memref<640xf32, #tpu.memory_space<vmem>>
      %dma_start3A_93 = tpu.memref_slice %arg8[%run_scoped3A_48, %mul3A_47] : memref<16x10240xf32, #tpu.memory_space<vmem_shared>> -> memref<1x640xf32, #tpu.memory_space<vmem_shared>>
      %dma_start3A_94 = tpu.memref_squeeze %dma_start3A_93 : memref<1x640xf32, #tpu.memory_space<vmem_shared>> -> memref<640xf32, #tpu.memory_space<vmem_shared>>
      tpu.enqueue_dma source(%dma_start3A_94 : memref<640xf32, #tpu.memory_space<vmem_shared>>) target(%dma_start3A_92 : memref<640xf32, #tpu.memory_space<vmem>>) target_semaphore(%run_scoped3A_85 : memref<!tpu.dma_semaphore, #tpu.memory_space<semaphore_mem>>)
      %dma_wait3A = arith.constant 0 : i32
      %dma_wait3A_95 = tpu.memref_slice %arg6[%run_scoped3A_49, %dma_wait3A] : memref<16x640xf32, #tpu.memory_space<vmem>> -> memref<1x640xf32, #tpu.memory_space<vmem>>
      %dma_wait3A_96 = tpu.memref_squeeze %dma_wait3A_95 : memref<1x640xf32, #tpu.memory_space<vmem>> -> memref<640xf32, #tpu.memory_space<vmem>>
      %dma_wait3A_97 = tpu.memref_slice %arg8[%run_scoped3A_48, %mul3A_47] : memref<16x10240xf32, #tpu.memory_space<vmem_shared>> -> memref<1x640xf32, #tpu.memory_space<vmem_shared>>
      %dma_wait3A_98 = tpu.memref_squeeze %dma_wait3A_97 : memref<1x640xf32, #tpu.memory_space<vmem_shared>> -> memref<640xf32, #tpu.memory_space<vmem_shared>>
      %dma_wait3A_99 = arith.constant 0 : i32
      %dma_wait3A_100 = tpu.memref_slice %arg6[%run_scoped3A_49, %dma_wait3A_99] : memref<16x640xf32, #tpu.memory_space<vmem>> -> memref<1x640xf32, #tpu.memory_space<vmem>>
      %dma_wait3A_101 = tpu.memref_squeeze %dma_wait3A_100 : memref<1x640xf32, #tpu.memory_space<vmem>> -> memref<640xf32, #tpu.memory_space<vmem>>
      %dma_wait3A_102 = tpu.memref_slice %arg8[%run_scoped3A_48, %mul3A_47] : memref<16x10240xf32, #tpu.memory_space<vmem_shared>> -> memref<1x640xf32, #tpu.memory_space<vmem_shared>>
      %dma_wait3A_103 = tpu.memref_squeeze %dma_wait3A_102 : memref<1x640xf32, #tpu.memory_space<vmem_shared>> -> memref<640xf32, #tpu.memory_space<vmem_shared>>
      tpu.wait_dma2 semaphore(%run_scoped3A_85 : memref<!tpu.dma_semaphore, #tpu.memory_space<semaphore_mem>>) src(%dma_wait3A_103 : memref<640xf32, #tpu.memory_space<vmem_shared>>) dst(%dma_wait3A_101 : memref<640xf32, #tpu.memory_space<vmem>>)
      tpu.yield
    }) : () -> ()
    %mul3A_50 = arith.constant 640 : i32
    %mul3A_51 = arith.muli %arg1, %mul3A_50 : i32
    %run_scoped3A_52 = arith.constant 9 : i32
    %run_scoped3A_53 = arith.constant 9 : i32
    "tpu.region"() ({
      %run_scoped3A_85 = tpu.sem_alloc : memref<!tpu.dma_semaphore, #tpu.memory_space<semaphore_mem>>
      %dma_start3A = arith.constant 0 : i32
      %dma_start3A_86 = tpu.memref_slice %arg6[%run_scoped3A_53, %dma_start3A] : memref<16x640xf32, #tpu.memory_space<vmem>> -> memref<1x640xf32, #tpu.memory_space<vmem>>
      %dma_start3A_87 = tpu.memref_squeeze %dma_start3A_86 : memref<1x640xf32, #tpu.memory_space<vmem>> -> memref<640xf32, #tpu.memory_space<vmem>>
      %dma_start3A_88 = tpu.memref_slice %arg8[%run_scoped3A_52, %mul3A_51] : memref<16x10240xf32, #tpu.memory_space<vmem_shared>> -> memref<1x640xf32, #tpu.memory_space<vmem_shared>>
      %dma_start3A_89 = tpu.memref_squeeze %dma_start3A_88 : memref<1x640xf32, #tpu.memory_space<vmem_shared>> -> memref<640xf32, #tpu.memory_space<vmem_shared>>
      %dma_start3A_90 = arith.constant 0 : i32
      %dma_start3A_91 = tpu.memref_slice %arg6[%run_scoped3A_53, %dma_start3A_90] : memref<16x640xf32, #tpu.memory_space<vmem>> -> memref<1x640xf32, #tpu.memory_space<vmem>>
      %dma_start3A_92 = tpu.memref_squeeze %dma_start3A_91 : memref<1x640xf32, #tpu.memory_space<vmem>> -> memref<640xf32, #tpu.memory_space<vmem>>
      %dma_start3A_93 = tpu.memref_slice %arg8[%run_scoped3A_52, %mul3A_51] : memref<16x10240xf32, #tpu.memory_space<vmem_shared>> -> memref<1x640xf32, #tpu.memory_space<vmem_shared>>
      %dma_start3A_94 = tpu.memref_squeeze %dma_start3A_93 : memref<1x640xf32, #tpu.memory_space<vmem_shared>> -> memref<640xf32, #tpu.memory_space<vmem_shared>>
      tpu.enqueue_dma source(%dma_start3A_94 : memref<640xf32, #tpu.memory_space<vmem_shared>>) target(%dma_start3A_92 : memref<640xf32, #tpu.memory_space<vmem>>) target_semaphore(%run_scoped3A_85 : memref<!tpu.dma_semaphore, #tpu.memory_space<semaphore_mem>>)
      %dma_wait3A = arith.constant 0 : i32
      %dma_wait3A_95 = tpu.memref_slice %arg6[%run_scoped3A_53, %dma_wait3A] : memref<16x640xf32, #tpu.memory_space<vmem>> -> memref<1x640xf32, #tpu.memory_space<vmem>>
      %dma_wait3A_96 = tpu.memref_squeeze %dma_wait3A_95 : memref<1x640xf32, #tpu.memory_space<vmem>> -> memref<640xf32, #tpu.memory_space<vmem>>
      %dma_wait3A_97 = tpu.memref_slice %arg8[%run_scoped3A_52, %mul3A_51] : memref<16x10240xf32, #tpu.memory_space<vmem_shared>> -> memref<1x640xf32, #tpu.memory_space<vmem_shared>>
      %dma_wait3A_98 = tpu.memref_squeeze %dma_wait3A_97 : memref<1x640xf32, #tpu.memory_space<vmem_shared>> -> memref<640xf32, #tpu.memory_space<vmem_shared>>
      %dma_wait3A_99 = arith.constant 0 : i32
      %dma_wait3A_100 = tpu.memref_slice %arg6[%run_scoped3A_53, %dma_wait3A_99] : memref<16x640xf32, #tpu.memory_space<vmem>> -> memref<1x640xf32, #tpu.memory_space<vmem>>
      %dma_wait3A_101 = tpu.memref_squeeze %dma_wait3A_100 : memref<1x640xf32, #tpu.memory_space<vmem>> -> memref<640xf32, #tpu.memory_space<vmem>>
      %dma_wait3A_102 = tpu.memref_slice %arg8[%run_scoped3A_52, %mul3A_51] : memref<16x10240xf32, #tpu.memory_space<vmem_shared>> -> memref<1x640xf32, #tpu.memory_space<vmem_shared>>
      %dma_wait3A_103 = tpu.memref_squeeze %dma_wait3A_102 : memref<1x640xf32, #tpu.memory_space<vmem_shared>> -> memref<640xf32, #tpu.memory_space<vmem_shared>>
      tpu.wait_dma2 semaphore(%run_scoped3A_85 : memref<!tpu.dma_semaphore, #tpu.memory_space<semaphore_mem>>) src(%dma_wait3A_103 : memref<640xf32, #tpu.memory_space<vmem_shared>>) dst(%dma_wait3A_101 : memref<640xf32, #tpu.memory_space<vmem>>)
      tpu.yield
    }) : () -> ()
    %mul3A_54 = arith.constant 640 : i32
    %mul3A_55 = arith.muli %arg1, %mul3A_54 : i32
    %run_scoped3A_56 = arith.constant 10 : i32
    %run_scoped3A_57 = arith.constant 10 : i32
    "tpu.region"() ({
      %run_scoped3A_85 = tpu.sem_alloc : memref<!tpu.dma_semaphore, #tpu.memory_space<semaphore_mem>>
      %dma_start3A = arith.constant 0 : i32
      %dma_start3A_86 = tpu.memref_slice %arg6[%run_scoped3A_57, %dma_start3A] : memref<16x640xf32, #tpu.memory_space<vmem>> -> memref<1x640xf32, #tpu.memory_space<vmem>>
      %dma_start3A_87 = tpu.memref_squeeze %dma_start3A_86 : memref<1x640xf32, #tpu.memory_space<vmem>> -> memref<640xf32, #tpu.memory_space<vmem>>
      %dma_start3A_88 = tpu.memref_slice %arg8[%run_scoped3A_56, %mul3A_55] : memref<16x10240xf32, #tpu.memory_space<vmem_shared>> -> memref<1x640xf32, #tpu.memory_space<vmem_shared>>
      %dma_start3A_89 = tpu.memref_squeeze %dma_start3A_88 : memref<1x640xf32, #tpu.memory_space<vmem_shared>> -> memref<640xf32, #tpu.memory_space<vmem_shared>>
      %dma_start3A_90 = arith.constant 0 : i32
      %dma_start3A_91 = tpu.memref_slice %arg6[%run_scoped3A_57, %dma_start3A_90] : memref<16x640xf32, #tpu.memory_space<vmem>> -> memref<1x640xf32, #tpu.memory_space<vmem>>
      %dma_start3A_92 = tpu.memref_squeeze %dma_start3A_91 : memref<1x640xf32, #tpu.memory_space<vmem>> -> memref<640xf32, #tpu.memory_space<vmem>>
      %dma_start3A_93 = tpu.memref_slice %arg8[%run_scoped3A_56, %mul3A_55] : memref<16x10240xf32, #tpu.memory_space<vmem_shared>> -> memref<1x640xf32, #tpu.memory_space<vmem_shared>>
      %dma_start3A_94 = tpu.memref_squeeze %dma_start3A_93 : memref<1x640xf32, #tpu.memory_space<vmem_shared>> -> memref<640xf32, #tpu.memory_space<vmem_shared>>
      tpu.enqueue_dma source(%dma_start3A_94 : memref<640xf32, #tpu.memory_space<vmem_shared>>) target(%dma_start3A_92 : memref<640xf32, #tpu.memory_space<vmem>>) target_semaphore(%run_scoped3A_85 : memref<!tpu.dma_semaphore, #tpu.memory_space<semaphore_mem>>)
      %dma_wait3A = arith.constant 0 : i32
      %dma_wait3A_95 = tpu.memref_slice %arg6[%run_scoped3A_57, %dma_wait3A] : memref<16x640xf32, #tpu.memory_space<vmem>> -> memref<1x640xf32, #tpu.memory_space<vmem>>
      %dma_wait3A_96 = tpu.memref_squeeze %dma_wait3A_95 : memref<1x640xf32, #tpu.memory_space<vmem>> -> memref<640xf32, #tpu.memory_space<vmem>>
      %dma_wait3A_97 = tpu.memref_slice %arg8[%run_scoped3A_56, %mul3A_55] : memref<16x10240xf32, #tpu.memory_space<vmem_shared>> -> memref<1x640xf32, #tpu.memory_space<vmem_shared>>
      %dma_wait3A_98 = tpu.memref_squeeze %dma_wait3A_97 : memref<1x640xf32, #tpu.memory_space<vmem_shared>> -> memref<640xf32, #tpu.memory_space<vmem_shared>>
      %dma_wait3A_99 = arith.constant 0 : i32
      %dma_wait3A_100 = tpu.memref_slice %arg6[%run_scoped3A_57, %dma_wait3A_99] : memref<16x640xf32, #tpu.memory_space<vmem>> -> memref<1x640xf32, #tpu.memory_space<vmem>>
      %dma_wait3A_101 = tpu.memref_squeeze %dma_wait3A_100 : memref<1x640xf32, #tpu.memory_space<vmem>> -> memref<640xf32, #tpu.memory_space<vmem>>
      %dma_wait3A_102 = tpu.memref_slice %arg8[%run_scoped3A_56, %mul3A_55] : memref<16x10240xf32, #tpu.memory_space<vmem_shared>> -> memref<1x640xf32, #tpu.memory_space<vmem_shared>>
      %dma_wait3A_103 = tpu.memref_squeeze %dma_wait3A_102 : memref<1x640xf32, #tpu.memory_space<vmem_shared>> -> memref<640xf32, #tpu.memory_space<vmem_shared>>
      tpu.wait_dma2 semaphore(%run_scoped3A_85 : memref<!tpu.dma_semaphore, #tpu.memory_space<semaphore_mem>>) src(%dma_wait3A_103 : memref<640xf32, #tpu.memory_space<vmem_shared>>) dst(%dma_wait3A_101 : memref<640xf32, #tpu.memory_space<vmem>>)
      tpu.yield
    }) : () -> ()
    %mul3A_58 = arith.constant 640 : i32
    %mul3A_59 = arith.muli %arg1, %mul3A_58 : i32
    %run_scoped3A_60 = arith.constant 11 : i32
    %run_scoped3A_61 = arith.constant 11 : i32
    "tpu.region"() ({
      %run_scoped3A_85 = tpu.sem_alloc : memref<!tpu.dma_semaphore, #tpu.memory_space<semaphore_mem>>
      %dma_start3A = arith.constant 0 : i32
      %dma_start3A_86 = tpu.memref_slice %arg6[%run_scoped3A_61, %dma_start3A] : memref<16x640xf32, #tpu.memory_space<vmem>> -> memref<1x640xf32, #tpu.memory_space<vmem>>
      %dma_start3A_87 = tpu.memref_squeeze %dma_start3A_86 : memref<1x640xf32, #tpu.memory_space<vmem>> -> memref<640xf32, #tpu.memory_space<vmem>>
      %dma_start3A_88 = tpu.memref_slice %arg8[%run_scoped3A_60, %mul3A_59] : memref<16x10240xf32, #tpu.memory_space<vmem_shared>> -> memref<1x640xf32, #tpu.memory_space<vmem_shared>>
      %dma_start3A_89 = tpu.memref_squeeze %dma_start3A_88 : memref<1x640xf32, #tpu.memory_space<vmem_shared>> -> memref<640xf32, #tpu.memory_space<vmem_shared>>
      %dma_start3A_90 = arith.constant 0 : i32
      %dma_start3A_91 = tpu.memref_slice %arg6[%run_scoped3A_61, %dma_start3A_90] : memref<16x640xf32, #tpu.memory_space<vmem>> -> memref<1x640xf32, #tpu.memory_space<vmem>>
      %dma_start3A_92 = tpu.memref_squeeze %dma_start3A_91 : memref<1x640xf32, #tpu.memory_space<vmem>> -> memref<640xf32, #tpu.memory_space<vmem>>
      %dma_start3A_93 = tpu.memref_slice %arg8[%run_scoped3A_60, %mul3A_59] : memref<16x10240xf32, #tpu.memory_space<vmem_shared>> -> memref<1x640xf32, #tpu.memory_space<vmem_shared>>
      %dma_start3A_94 = tpu.memref_squeeze %dma_start3A_93 : memref<1x640xf32, #tpu.memory_space<vmem_shared>> -> memref<640xf32, #tpu.memory_space<vmem_shared>>
      tpu.enqueue_dma source(%dma_start3A_94 : memref<640xf32, #tpu.memory_space<vmem_shared>>) target(%dma_start3A_92 : memref<640xf32, #tpu.memory_space<vmem>>) target_semaphore(%run_scoped3A_85 : memref<!tpu.dma_semaphore, #tpu.memory_space<semaphore_mem>>)
      %dma_wait3A = arith.constant 0 : i32
      %dma_wait3A_95 = tpu.memref_slice %arg6[%run_scoped3A_61, %dma_wait3A] : memref<16x640xf32, #tpu.memory_space<vmem>> -> memref<1x640xf32, #tpu.memory_space<vmem>>
      %dma_wait3A_96 = tpu.memref_squeeze %dma_wait3A_95 : memref<1x640xf32, #tpu.memory_space<vmem>> -> memref<640xf32, #tpu.memory_space<vmem>>
      %dma_wait3A_97 = tpu.memref_slice %arg8[%run_scoped3A_60, %mul3A_59] : memref<16x10240xf32, #tpu.memory_space<vmem_shared>> -> memref<1x640xf32, #tpu.memory_space<vmem_shared>>
      %dma_wait3A_98 = tpu.memref_squeeze %dma_wait3A_97 : memref<1x640xf32, #tpu.memory_space<vmem_shared>> -> memref<640xf32, #tpu.memory_space<vmem_shared>>
      %dma_wait3A_99 = arith.constant 0 : i32
      %dma_wait3A_100 = tpu.memref_slice %arg6[%run_scoped3A_61, %dma_wait3A_99] : memref<16x640xf32, #tpu.memory_space<vmem>> -> memref<1x640xf32, #tpu.memory_space<vmem>>
      %dma_wait3A_101 = tpu.memref_squeeze %dma_wait3A_100 : memref<1x640xf32, #tpu.memory_space<vmem>> -> memref<640xf32, #tpu.memory_space<vmem>>
      %dma_wait3A_102 = tpu.memref_slice %arg8[%run_scoped3A_60, %mul3A_59] : memref<16x10240xf32, #tpu.memory_space<vmem_shared>> -> memref<1x640xf32, #tpu.memory_space<vmem_shared>>
      %dma_wait3A_103 = tpu.memref_squeeze %dma_wait3A_102 : memref<1x640xf32, #tpu.memory_space<vmem_shared>> -> memref<640xf32, #tpu.memory_space<vmem_shared>>
      tpu.wait_dma2 semaphore(%run_scoped3A_85 : memref<!tpu.dma_semaphore, #tpu.memory_space<semaphore_mem>>) src(%dma_wait3A_103 : memref<640xf32, #tpu.memory_space<vmem_shared>>) dst(%dma_wait3A_101 : memref<640xf32, #tpu.memory_space<vmem>>)
      tpu.yield
    }) : () -> ()
    %mul3A_62 = arith.constant 640 : i32
    %mul3A_63 = arith.muli %arg1, %mul3A_62 : i32
    %run_scoped3A_64 = arith.constant 12 : i32
    %run_scoped3A_65 = arith.constant 12 : i32
    "tpu.region"() ({
      %run_scoped3A_85 = tpu.sem_alloc : memref<!tpu.dma_semaphore, #tpu.memory_space<semaphore_mem>>
      %dma_start3A = arith.constant 0 : i32
      %dma_start3A_86 = tpu.memref_slice %arg6[%run_scoped3A_65, %dma_start3A] : memref<16x640xf32, #tpu.memory_space<vmem>> -> memref<1x640xf32, #tpu.memory_space<vmem>>
      %dma_start3A_87 = tpu.memref_squeeze %dma_start3A_86 : memref<1x640xf32, #tpu.memory_space<vmem>> -> memref<640xf32, #tpu.memory_space<vmem>>
      %dma_start3A_88 = tpu.memref_slice %arg8[%run_scoped3A_64, %mul3A_63] : memref<16x10240xf32, #tpu.memory_space<vmem_shared>> -> memref<1x640xf32, #tpu.memory_space<vmem_shared>>
      %dma_start3A_89 = tpu.memref_squeeze %dma_start3A_88 : memref<1x640xf32, #tpu.memory_space<vmem_shared>> -> memref<640xf32, #tpu.memory_space<vmem_shared>>
      %dma_start3A_90 = arith.constant 0 : i32
      %dma_start3A_91 = tpu.memref_slice %arg6[%run_scoped3A_65, %dma_start3A_90] : memref<16x640xf32, #tpu.memory_space<vmem>> -> memref<1x640xf32, #tpu.memory_space<vmem>>
      %dma_start3A_92 = tpu.memref_squeeze %dma_start3A_91 : memref<1x640xf32, #tpu.memory_space<vmem>> -> memref<640xf32, #tpu.memory_space<vmem>>
      %dma_start3A_93 = tpu.memref_slice %arg8[%run_scoped3A_64, %mul3A_63] : memref<16x10240xf32, #tpu.memory_space<vmem_shared>> -> memref<1x640xf32, #tpu.memory_space<vmem_shared>>
      %dma_start3A_94 = tpu.memref_squeeze %dma_start3A_93 : memref<1x640xf32, #tpu.memory_space<vmem_shared>> -> memref<640xf32, #tpu.memory_space<vmem_shared>>
      tpu.enqueue_dma source(%dma_start3A_94 : memref<640xf32, #tpu.memory_space<vmem_shared>>) target(%dma_start3A_92 : memref<640xf32, #tpu.memory_space<vmem>>) target_semaphore(%run_scoped3A_85 : memref<!tpu.dma_semaphore, #tpu.memory_space<semaphore_mem>>)
      %dma_wait3A = arith.constant 0 : i32
      %dma_wait3A_95 = tpu.memref_slice %arg6[%run_scoped3A_65, %dma_wait3A] : memref<16x640xf32, #tpu.memory_space<vmem>> -> memref<1x640xf32, #tpu.memory_space<vmem>>
      %dma_wait3A_96 = tpu.memref_squeeze %dma_wait3A_95 : memref<1x640xf32, #tpu.memory_space<vmem>> -> memref<640xf32, #tpu.memory_space<vmem>>
      %dma_wait3A_97 = tpu.memref_slice %arg8[%run_scoped3A_64, %mul3A_63] : memref<16x10240xf32, #tpu.memory_space<vmem_shared>> -> memref<1x640xf32, #tpu.memory_space<vmem_shared>>
      %dma_wait3A_98 = tpu.memref_squeeze %dma_wait3A_97 : memref<1x640xf32, #tpu.memory_space<vmem_shared>> -> memref<640xf32, #tpu.memory_space<vmem_shared>>
      %dma_wait3A_99 = arith.constant 0 : i32
      %dma_wait3A_100 = tpu.memref_slice %arg6[%run_scoped3A_65, %dma_wait3A_99] : memref<16x640xf32, #tpu.memory_space<vmem>> -> memref<1x640xf32, #tpu.memory_space<vmem>>
      %dma_wait3A_101 = tpu.memref_squeeze %dma_wait3A_100 : memref<1x640xf32, #tpu.memory_space<vmem>> -> memref<640xf32, #tpu.memory_space<vmem>>
      %dma_wait3A_102 = tpu.memref_slice %arg8[%run_scoped3A_64, %mul3A_63] : memref<16x10240xf32, #tpu.memory_space<vmem_shared>> -> memref<1x640xf32, #tpu.memory_space<vmem_shared>>
      %dma_wait3A_103 = tpu.memref_squeeze %dma_wait3A_102 : memref<1x640xf32, #tpu.memory_space<vmem_shared>> -> memref<640xf32, #tpu.memory_space<vmem_shared>>
      tpu.wait_dma2 semaphore(%run_scoped3A_85 : memref<!tpu.dma_semaphore, #tpu.memory_space<semaphore_mem>>) src(%dma_wait3A_103 : memref<640xf32, #tpu.memory_space<vmem_shared>>) dst(%dma_wait3A_101 : memref<640xf32, #tpu.memory_space<vmem>>)
      tpu.yield
    }) : () -> ()
    %mul3A_66 = arith.constant 640 : i32
    %mul3A_67 = arith.muli %arg1, %mul3A_66 : i32
    %run_scoped3A_68 = arith.constant 13 : i32
    %run_scoped3A_69 = arith.constant 13 : i32
    "tpu.region"() ({
      %run_scoped3A_85 = tpu.sem_alloc : memref<!tpu.dma_semaphore, #tpu.memory_space<semaphore_mem>>
      %dma_start3A = arith.constant 0 : i32
      %dma_start3A_86 = tpu.memref_slice %arg6[%run_scoped3A_69, %dma_start3A] : memref<16x640xf32, #tpu.memory_space<vmem>> -> memref<1x640xf32, #tpu.memory_space<vmem>>
      %dma_start3A_87 = tpu.memref_squeeze %dma_start3A_86 : memref<1x640xf32, #tpu.memory_space<vmem>> -> memref<640xf32, #tpu.memory_space<vmem>>
      %dma_start3A_88 = tpu.memref_slice %arg8[%run_scoped3A_68, %mul3A_67] : memref<16x10240xf32, #tpu.memory_space<vmem_shared>> -> memref<1x640xf32, #tpu.memory_space<vmem_shared>>
      %dma_start3A_89 = tpu.memref_squeeze %dma_start3A_88 : memref<1x640xf32, #tpu.memory_space<vmem_shared>> -> memref<640xf32, #tpu.memory_space<vmem_shared>>
      %dma_start3A_90 = arith.constant 0 : i32
      %dma_start3A_91 = tpu.memref_slice %arg6[%run_scoped3A_69, %dma_start3A_90] : memref<16x640xf32, #tpu.memory_space<vmem>> -> memref<1x640xf32, #tpu.memory_space<vmem>>
      %dma_start3A_92 = tpu.memref_squeeze %dma_start3A_91 : memref<1x640xf32, #tpu.memory_space<vmem>> -> memref<640xf32, #tpu.memory_space<vmem>>
      %dma_start3A_93 = tpu.memref_slice %arg8[%run_scoped3A_68, %mul3A_67] : memref<16x10240xf32, #tpu.memory_space<vmem_shared>> -> memref<1x640xf32, #tpu.memory_space<vmem_shared>>
      %dma_start3A_94 = tpu.memref_squeeze %dma_start3A_93 : memref<1x640xf32, #tpu.memory_space<vmem_shared>> -> memref<640xf32, #tpu.memory_space<vmem_shared>>
      tpu.enqueue_dma source(%dma_start3A_94 : memref<640xf32, #tpu.memory_space<vmem_shared>>) target(%dma_start3A_92 : memref<640xf32, #tpu.memory_space<vmem>>) target_semaphore(%run_scoped3A_85 : memref<!tpu.dma_semaphore, #tpu.memory_space<semaphore_mem>>)
      %dma_wait3A = arith.constant 0 : i32
      %dma_wait3A_95 = tpu.memref_slice %arg6[%run_scoped3A_69, %dma_wait3A] : memref<16x640xf32, #tpu.memory_space<vmem>> -> memref<1x640xf32, #tpu.memory_space<vmem>>
      %dma_wait3A_96 = tpu.memref_squeeze %dma_wait3A_95 : memref<1x640xf32, #tpu.memory_space<vmem>> -> memref<640xf32, #tpu.memory_space<vmem>>
      %dma_wait3A_97 = tpu.memref_slice %arg8[%run_scoped3A_68, %mul3A_67] : memref<16x10240xf32, #tpu.memory_space<vmem_shared>> -> memref<1x640xf32, #tpu.memory_space<vmem_shared>>
      %dma_wait3A_98 = tpu.memref_squeeze %dma_wait3A_97 : memref<1x640xf32, #tpu.memory_space<vmem_shared>> -> memref<640xf32, #tpu.memory_space<vmem_shared>>
      %dma_wait3A_99 = arith.constant 0 : i32
      %dma_wait3A_100 = tpu.memref_slice %arg6[%run_scoped3A_69, %dma_wait3A_99] : memref<16x640xf32, #tpu.memory_space<vmem>> -> memref<1x640xf32, #tpu.memory_space<vmem>>
      %dma_wait3A_101 = tpu.memref_squeeze %dma_wait3A_100 : memref<1x640xf32, #tpu.memory_space<vmem>> -> memref<640xf32, #tpu.memory_space<vmem>>
      %dma_wait3A_102 = tpu.memref_slice %arg8[%run_scoped3A_68, %mul3A_67] : memref<16x10240xf32, #tpu.memory_space<vmem_shared>> -> memref<1x640xf32, #tpu.memory_space<vmem_shared>>
      %dma_wait3A_103 = tpu.memref_squeeze %dma_wait3A_102 : memref<1x640xf32, #tpu.memory_space<vmem_shared>> -> memref<640xf32, #tpu.memory_space<vmem_shared>>
      tpu.wait_dma2 semaphore(%run_scoped3A_85 : memref<!tpu.dma_semaphore, #tpu.memory_space<semaphore_mem>>) src(%dma_wait3A_103 : memref<640xf32, #tpu.memory_space<vmem_shared>>) dst(%dma_wait3A_101 : memref<640xf32, #tpu.memory_space<vmem>>)
      tpu.yield
    }) : () -> ()
    %mul3A_70 = arith.constant 640 : i32
    %mul3A_71 = arith.muli %arg1, %mul3A_70 : i32
    %run_scoped3A_72 = arith.constant 14 : i32
    %run_scoped3A_73 = arith.constant 14 : i32
    "tpu.region"() ({
      %run_scoped3A_85 = tpu.sem_alloc : memref<!tpu.dma_semaphore, #tpu.memory_space<semaphore_mem>>
      %dma_start3A = arith.constant 0 : i32
      %dma_start3A_86 = tpu.memref_slice %arg6[%run_scoped3A_73, %dma_start3A] : memref<16x640xf32, #tpu.memory_space<vmem>> -> memref<1x640xf32, #tpu.memory_space<vmem>>
      %dma_start3A_87 = tpu.memref_squeeze %dma_start3A_86 : memref<1x640xf32, #tpu.memory_space<vmem>> -> memref<640xf32, #tpu.memory_space<vmem>>
      %dma_start3A_88 = tpu.memref_slice %arg8[%run_scoped3A_72, %mul3A_71] : memref<16x10240xf32, #tpu.memory_space<vmem_shared>> -> memref<1x640xf32, #tpu.memory_space<vmem_shared>>
      %dma_start3A_89 = tpu.memref_squeeze %dma_start3A_88 : memref<1x640xf32, #tpu.memory_space<vmem_shared>> -> memref<640xf32, #tpu.memory_space<vmem_shared>>
      %dma_start3A_90 = arith.constant 0 : i32
      %dma_start3A_91 = tpu.memref_slice %arg6[%run_scoped3A_73, %dma_start3A_90] : memref<16x640xf32, #tpu.memory_space<vmem>> -> memref<1x640xf32, #tpu.memory_space<vmem>>
      %dma_start3A_92 = tpu.memref_squeeze %dma_start3A_91 : memref<1x640xf32, #tpu.memory_space<vmem>> -> memref<640xf32, #tpu.memory_space<vmem>>
      %dma_start3A_93 = tpu.memref_slice %arg8[%run_scoped3A_72, %mul3A_71] : memref<16x10240xf32, #tpu.memory_space<vmem_shared>> -> memref<1x640xf32, #tpu.memory_space<vmem_shared>>
      %dma_start3A_94 = tpu.memref_squeeze %dma_start3A_93 : memref<1x640xf32, #tpu.memory_space<vmem_shared>> -> memref<640xf32, #tpu.memory_space<vmem_shared>>
      tpu.enqueue_dma source(%dma_start3A_94 : memref<640xf32, #tpu.memory_space<vmem_shared>>) target(%dma_start3A_92 : memref<640xf32, #tpu.memory_space<vmem>>) target_semaphore(%run_scoped3A_85 : memref<!tpu.dma_semaphore, #tpu.memory_space<semaphore_mem>>)
      %dma_wait3A = arith.constant 0 : i32
      %dma_wait3A_95 = tpu.memref_slice %arg6[%run_scoped3A_73, %dma_wait3A] : memref<16x640xf32, #tpu.memory_space<vmem>> -> memref<1x640xf32, #tpu.memory_space<vmem>>
      %dma_wait3A_96 = tpu.memref_squeeze %dma_wait3A_95 : memref<1x640xf32, #tpu.memory_space<vmem>> -> memref<640xf32, #tpu.memory_space<vmem>>
      %dma_wait3A_97 = tpu.memref_slice %arg8[%run_scoped3A_72, %mul3A_71] : memref<16x10240xf32, #tpu.memory_space<vmem_shared>> -> memref<1x640xf32, #tpu.memory_space<vmem_shared>>
      %dma_wait3A_98 = tpu.memref_squeeze %dma_wait3A_97 : memref<1x640xf32, #tpu.memory_space<vmem_shared>> -> memref<640xf32, #tpu.memory_space<vmem_shared>>
      %dma_wait3A_99 = arith.constant 0 : i32
      %dma_wait3A_100 = tpu.memref_slice %arg6[%run_scoped3A_73, %dma_wait3A_99] : memref<16x640xf32, #tpu.memory_space<vmem>> -> memref<1x640xf32, #tpu.memory_space<vmem>>
      %dma_wait3A_101 = tpu.memref_squeeze %dma_wait3A_100 : memref<1x640xf32, #tpu.memory_space<vmem>> -> memref<640xf32, #tpu.memory_space<vmem>>
      %dma_wait3A_102 = tpu.memref_slice %arg8[%run_scoped3A_72, %mul3A_71] : memref<16x10240xf32, #tpu.memory_space<vmem_shared>> -> memref<1x640xf32, #tpu.memory_space<vmem_shared>>
      %dma_wait3A_103 = tpu.memref_squeeze %dma_wait3A_102 : memref<1x640xf32, #tpu.memory_space<vmem_shared>> -> memref<640xf32, #tpu.memory_space<vmem_shared>>
      tpu.wait_dma2 semaphore(%run_scoped3A_85 : memref<!tpu.dma_semaphore, #tpu.memory_space<semaphore_mem>>) src(%dma_wait3A_103 : memref<640xf32, #tpu.memory_space<vmem_shared>>) dst(%dma_wait3A_101 : memref<640xf32, #tpu.memory_space<vmem>>)
      tpu.yield
    }) : () -> ()
    %mul3A_74 = arith.constant 640 : i32
    %mul3A_75 = arith.muli %arg1, %mul3A_74 : i32
    %run_scoped3A_76 = arith.constant 15 : i32
    %run_scoped3A_77 = arith.constant 15 : i32
    "tpu.region"() ({
      %run_scoped3A_85 = tpu.sem_alloc : memref<!tpu.dma_semaphore, #tpu.memory_space<semaphore_mem>>
      %dma_start3A = arith.constant 0 : i32
      %dma_start3A_86 = tpu.memref_slice %arg6[%run_scoped3A_77, %dma_start3A] : memref<16x640xf32, #tpu.memory_space<vmem>> -> memref<1x640xf32, #tpu.memory_space<vmem>>
      %dma_start3A_87 = tpu.memref_squeeze %dma_start3A_86 : memref<1x640xf32, #tpu.memory_space<vmem>> -> memref<640xf32, #tpu.memory_space<vmem>>
      %dma_start3A_88 = tpu.memref_slice %arg8[%run_scoped3A_76, %mul3A_75] : memref<16x10240xf32, #tpu.memory_space<vmem_shared>> -> memref<1x640xf32, #tpu.memory_space<vmem_shared>>
      %dma_start3A_89 = tpu.memref_squeeze %dma_start3A_88 : memref<1x640xf32, #tpu.memory_space<vmem_shared>> -> memref<640xf32, #tpu.memory_space<vmem_shared>>
      %dma_start3A_90 = arith.constant 0 : i32
      %dma_start3A_91 = tpu.memref_slice %arg6[%run_scoped3A_77, %dma_start3A_90] : memref<16x640xf32, #tpu.memory_space<vmem>> -> memref<1x640xf32, #tpu.memory_space<vmem>>
      %dma_start3A_92 = tpu.memref_squeeze %dma_start3A_91 : memref<1x640xf32, #tpu.memory_space<vmem>> -> memref<640xf32, #tpu.memory_space<vmem>>
      %dma_start3A_93 = tpu.memref_slice %arg8[%run_scoped3A_76, %mul3A_75] : memref<16x10240xf32, #tpu.memory_space<vmem_shared>> -> memref<1x640xf32, #tpu.memory_space<vmem_shared>>
      %dma_start3A_94 = tpu.memref_squeeze %dma_start3A_93 : memref<1x640xf32, #tpu.memory_space<vmem_shared>> -> memref<640xf32, #tpu.memory_space<vmem_shared>>
      tpu.enqueue_dma source(%dma_start3A_94 : memref<640xf32, #tpu.memory_space<vmem_shared>>) target(%dma_start3A_92 : memref<640xf32, #tpu.memory_space<vmem>>) target_semaphore(%run_scoped3A_85 : memref<!tpu.dma_semaphore, #tpu.memory_space<semaphore_mem>>)
      %dma_wait3A = arith.constant 0 : i32
      %dma_wait3A_95 = tpu.memref_slice %arg6[%run_scoped3A_77, %dma_wait3A] : memref<16x640xf32, #tpu.memory_space<vmem>> -> memref<1x640xf32, #tpu.memory_space<vmem>>
      %dma_wait3A_96 = tpu.memref_squeeze %dma_wait3A_95 : memref<1x640xf32, #tpu.memory_space<vmem>> -> memref<640xf32, #tpu.memory_space<vmem>>
      %dma_wait3A_97 = tpu.memref_slice %arg8[%run_scoped3A_76, %mul3A_75] : memref<16x10240xf32, #tpu.memory_space<vmem_shared>> -> memref<1x640xf32, #tpu.memory_space<vmem_shared>>
      %dma_wait3A_98 = tpu.memref_squeeze %dma_wait3A_97 : memref<1x640xf32, #tpu.memory_space<vmem_shared>> -> memref<640xf32, #tpu.memory_space<vmem_shared>>
      %dma_wait3A_99 = arith.constant 0 : i32
      %dma_wait3A_100 = tpu.memref_slice %arg6[%run_scoped3A_77, %dma_wait3A_99] : memref<16x640xf32, #tpu.memory_space<vmem>> -> memref<1x640xf32, #tpu.memory_space<vmem>>
      %dma_wait3A_101 = tpu.memref_squeeze %dma_wait3A_100 : memref<1x640xf32, #tpu.memory_space<vmem>> -> memref<640xf32, #tpu.memory_space<vmem>>
      %dma_wait3A_102 = tpu.memref_slice %arg8[%run_scoped3A_76, %mul3A_75] : memref<16x10240xf32, #tpu.memory_space<vmem_shared>> -> memref<1x640xf32, #tpu.memory_space<vmem_shared>>
      %dma_wait3A_103 = tpu.memref_squeeze %dma_wait3A_102 : memref<1x640xf32, #tpu.memory_space<vmem_shared>> -> memref<640xf32, #tpu.memory_space<vmem_shared>>
      tpu.wait_dma2 semaphore(%run_scoped3A_85 : memref<!tpu.dma_semaphore, #tpu.memory_space<semaphore_mem>>) src(%dma_wait3A_103 : memref<640xf32, #tpu.memory_space<vmem_shared>>) dst(%dma_wait3A_101 : memref<640xf32, #tpu.memory_space<vmem>>)
      tpu.yield
    }) : () -> ()
    %scan3A_78 = arith.constant 0 : i32
    %scan3A_79 = arith.constant 40 : i32
    %scan3A_80 = arith.addi %scan3A_78, %scan3A_79 : i32
    %scan3A_81 = arith.constant 1 : i32
    scf.for %scan3A_85 = %scan3A_78 to %scan3A_80 step %scan3A_81  : i32 {
      %mul3A_86 = arith.constant 16 : i32
      %mul3A_87 = arith.muli %scan3A_85, %mul3A_86 : i32
      %get3A = arith.constant 0 : i32
      %get3A_88 = arith.index_cast %get3A : i32 to index
      %get3A_89 = arith.index_cast %mul3A_87 : i32 to index
      %get3A_90 = tpu.vector_load %arg6[%get3A_88, %get3A_89] {strides = array<i32>} : memref<16x640xf32, #tpu.memory_space<vmem>>, vector<16xf32>,
      %mul3A_91 = arith.constant 16 : i32
      %mul3A_92 = arith.muli %scan3A_85, %mul3A_91 : i32
      %get3A_93 = arith.constant 1 : i32
      %get3A_94 = arith.index_cast %get3A_93 : i32 to index
      %get3A_95 = arith.index_cast %mul3A_92 : i32 to index
      %get3A_96 = tpu.vector_load %arg6[%get3A_94, %get3A_95] {strides = array<i32>} : memref<16x640xf32, #tpu.memory_space<vmem>>, vector<16xf32>,
      %add3A_97 = arith.addf %get3A_90, %get3A_96 : vector<16xf32>
      %mul3A_98 = arith.constant 16 : i32
      %mul3A_99 = arith.muli %scan3A_85, %mul3A_98 : i32
      %get3A_100 = arith.constant 2 : i32
      %get3A_101 = arith.index_cast %get3A_100 : i32 to index
      %get3A_102 = arith.index_cast %mul3A_99 : i32 to index
      %get3A_103 = tpu.vector_load %arg6[%get3A_101, %get3A_102] {strides = array<i32>} : memref<16x640xf32, #tpu.memory_space<vmem>>, vector<16xf32>,
      %add3A_104 = arith.addf %add3A_97, %get3A_103 : vector<16xf32>
      %mul3A_105 = arith.constant 16 : i32
      %mul3A_106 = arith.muli %scan3A_85, %mul3A_105 : i32
      %get3A_107 = arith.constant 3 : i32
      %get3A_108 = arith.index_cast %get3A_107 : i32 to index
      %get3A_109 = arith.index_cast %mul3A_106 : i32 to index
      %get3A_110 = tpu.vector_load %arg6[%get3A_108, %get3A_109] {strides = array<i32>} : memref<16x640xf32, #tpu.memory_space<vmem>>, vector<16xf32>,
      %add3A_111 = arith.addf %add3A_104, %get3A_110 : vector<16xf32>
      %mul3A_112 = arith.constant 16 : i32
      %mul3A_113 = arith.muli %scan3A_85, %mul3A_112 : i32
      %get3A_114 = arith.constant 4 : i32
      %get3A_115 = arith.index_cast %get3A_114 : i32 to index
      %get3A_116 = arith.index_cast %mul3A_113 : i32 to index
      %get3A_117 = tpu.vector_load %arg6[%get3A_115, %get3A_116] {strides = array<i32>} : memref<16x640xf32, #tpu.memory_space<vmem>>, vector<16xf32>,
      %add3A_118 = arith.addf %add3A_111, %get3A_117 : vector<16xf32>
      %mul3A_119 = arith.constant 16 : i32
      %mul3A_120 = arith.muli %scan3A_85, %mul3A_119 : i32
      %get3A_121 = arith.constant 5 : i32
      %get3A_122 = arith.index_cast %get3A_121 : i32 to index
      %get3A_123 = arith.index_cast %mul3A_120 : i32 to index
      %get3A_124 = tpu.vector_load %arg6[%get3A_122, %get3A_123] {strides = array<i32>} : memref<16x640xf32, #tpu.memory_space<vmem>>, vector<16xf32>,
      %add3A_125 = arith.addf %add3A_118, %get3A_124 : vector<16xf32>
      %mul3A_126 = arith.constant 16 : i32
      %mul3A_127 = arith.muli %scan3A_85, %mul3A_126 : i32
      %get3A_128 = arith.constant 6 : i32
      %get3A_129 = arith.index_cast %get3A_128 : i32 to index
      %get3A_130 = arith.index_cast %mul3A_127 : i32 to index
      %get3A_131 = tpu.vector_load %arg6[%get3A_129, %get3A_130] {strides = array<i32>} : memref<16x640xf32, #tpu.memory_space<vmem>>, vector<16xf32>,
      %add3A_132 = arith.addf %add3A_125, %get3A_131 : vector<16xf32>
      %mul3A_133 = arith.constant 16 : i32
      %mul3A_134 = arith.muli %scan3A_85, %mul3A_133 : i32
      %get3A_135 = arith.constant 7 : i32
      %get3A_136 = arith.index_cast %get3A_135 : i32 to index
      %get3A_137 = arith.index_cast %mul3A_134 : i32 to index
      %get3A_138 = tpu.vector_load %arg6[%get3A_136, %get3A_137] {strides = array<i32>} : memref<16x640xf32, #tpu.memory_space<vmem>>, vector<16xf32>,
      %add3A_139 = arith.addf %add3A_132, %get3A_138 : vector<16xf32>
      %mul3A_140 = arith.constant 16 : i32
      %mul3A_141 = arith.muli %scan3A_85, %mul3A_140 : i32
      %get3A_142 = arith.constant 8 : i32
      %get3A_143 = arith.index_cast %get3A_142 : i32 to index
      %get3A_144 = arith.index_cast %mul3A_141 : i32 to index
      %get3A_145 = tpu.vector_load %arg6[%get3A_143, %get3A_144] {strides = array<i32>} : memref<16x640xf32, #tpu.memory_space<vmem>>, vector<16xf32>,
      %add3A_146 = arith.addf %add3A_139, %get3A_145 : vector<16xf32>
      %mul3A_147 = arith.constant 16 : i32
      %mul3A_148 = arith.muli %scan3A_85, %mul3A_147 : i32
      %get3A_149 = arith.constant 9 : i32
      %get3A_150 = arith.index_cast %get3A_149 : i32 to index
      %get3A_151 = arith.index_cast %mul3A_148 : i32 to index
      %get3A_152 = tpu.vector_load %arg6[%get3A_150, %get3A_151] {strides = array<i32>} : memref<16x640xf32, #tpu.memory_space<vmem>>, vector<16xf32>,
      %add3A_153 = arith.addf %add3A_146, %get3A_152 : vector<16xf32>
      %mul3A_154 = arith.constant 16 : i32
      %mul3A_155 = arith.muli %scan3A_85, %mul3A_154 : i32
      %get3A_156 = arith.constant 10 : i32
      %get3A_157 = arith.index_cast %get3A_156 : i32 to index
      %get3A_158 = arith.index_cast %mul3A_155 : i32 to index
      %get3A_159 = tpu.vector_load %arg6[%get3A_157, %get3A_158] {strides = array<i32>} : memref<16x640xf32, #tpu.memory_space<vmem>>, vector<16xf32>,
      %add3A_160 = arith.addf %add3A_153, %get3A_159 : vector<16xf32>
      %mul3A_161 = arith.constant 16 : i32
      %mul3A_162 = arith.muli %scan3A_85, %mul3A_161 : i32
      %get3A_163 = arith.constant 11 : i32
      %get3A_164 = arith.index_cast %get3A_163 : i32 to index
      %get3A_165 = arith.index_cast %mul3A_162 : i32 to index
      %get3A_166 = tpu.vector_load %arg6[%get3A_164, %get3A_165] {strides = array<i32>} : memref<16x640xf32, #tpu.memory_space<vmem>>, vector<16xf32>,
      %add3A_167 = arith.addf %add3A_160, %get3A_166 : vector<16xf32>
      %mul3A_168 = arith.constant 16 : i32
      %mul3A_169 = arith.muli %scan3A_85, %mul3A_168 : i32
      %get3A_170 = arith.constant 12 : i32
      %get3A_171 = arith.index_cast %get3A_170 : i32 to index
      %get3A_172 = arith.index_cast %mul3A_169 : i32 to index
      %get3A_173 = tpu.vector_load %arg6[%get3A_171, %get3A_172] {strides = array<i32>} : memref<16x640xf32, #tpu.memory_space<vmem>>, vector<16xf32>,
      %add3A_174 = arith.addf %add3A_167, %get3A_173 : vector<16xf32>
      %mul3A_175 = arith.constant 16 : i32
      %mul3A_176 = arith.muli %scan3A_85, %mul3A_175 : i32
      %get3A_177 = arith.constant 13 : i32
      %get3A_178 = arith.index_cast %get3A_177 : i32 to index
      %get3A_179 = arith.index_cast %mul3A_176 : i32 to index
      %get3A_180 = tpu.vector_load %arg6[%get3A_178, %get3A_179] {strides = array<i32>} : memref<16x640xf32, #tpu.memory_space<vmem>>, vector<16xf32>,
      %add3A_181 = arith.addf %add3A_174, %get3A_180 : vector<16xf32>
      %mul3A_182 = arith.constant 16 : i32
      %mul3A_183 = arith.muli %scan3A_85, %mul3A_182 : i32
      %get3A_184 = arith.constant 14 : i32
      %get3A_185 = arith.index_cast %get3A_184 : i32 to index
      %get3A_186 = arith.index_cast %mul3A_183 : i32 to index
      %get3A_187 = tpu.vector_load %arg6[%get3A_185, %get3A_186] {strides = array<i32>} : memref<16x640xf32, #tpu.memory_space<vmem>>, vector<16xf32>,
      %add3A_188 = arith.addf %add3A_181, %get3A_187 : vector<16xf32>
      %mul3A_189 = arith.constant 16 : i32
      %mul3A_190 = arith.muli %scan3A_85, %mul3A_189 : i32
      %get3A_191 = arith.constant 15 : i32
      %get3A_192 = arith.index_cast %get3A_191 : i32 to index
      %get3A_193 = arith.index_cast %mul3A_190 : i32 to index
      %get3A_194 = tpu.vector_load %arg6[%get3A_192, %get3A_193] {strides = array<i32>} : memref<16x640xf32, #tpu.memory_space<vmem>>, vector<16xf32>,
      %add3A_195 = arith.addf %add3A_188, %get3A_194 : vector<16xf32>
      %mul3A_196 = arith.constant 16 : i32
      %mul3A_197 = arith.muli %scan3A_85, %mul3A_196 : i32
      %swap3A = arith.index_cast %mul3A_197 : i32 to index
      %swap3A_198 = tpu.vector_load %arg7[%swap3A] {strides = array<i32>} : memref<640xf32, #tpu.memory_space<vmem>>, vector<16xf32>,
      tpu.vector_store %arg7[%swap3A], %add3A_195 {strides = array<i32>} : memref<640xf32, #tpu.memory_space<vmem>>, vector<16xf32>,
    }
    %scan3A_82 = arith.constant 40 : i32
    %mul3A_83 = arith.constant 640 : i32
    %mul3A_84 = arith.muli %arg1, %mul3A_83 : i32
    "tpu.region"() ({
      %run_scoped3A_85 = tpu.sem_alloc : memref<!tpu.dma_semaphore, #tpu.memory_space<semaphore_mem>>
      %dma_start3A = tpu.memref_slice %arg3[%arg0, %mul3A_84] : memref<2x10240xf32, #tpu.memory_space<hbm>> -> memref<1x640xf32, #tpu.memory_space<hbm>>
      %dma_start3A_86 = tpu.memref_squeeze %dma_start3A : memref<1x640xf32, #tpu.memory_space<hbm>> -> memref<640xf32, #tpu.memory_space<hbm>>
      %dma_start3A_87 = tpu.memref_slice %arg3[%arg0, %mul3A_84] : memref<2x10240xf32, #tpu.memory_space<hbm>> -> memref<1x640xf32, #tpu.memory_space<hbm>>
      %dma_start3A_88 = tpu.memref_squeeze %dma_start3A_87 : memref<1x640xf32, #tpu.memory_space<hbm>> -> memref<640xf32, #tpu.memory_space<hbm>>
      tpu.enqueue_dma source(%arg7 : memref<640xf32, #tpu.memory_space<vmem>>) target(%dma_start3A_88 : memref<640xf32, #tpu.memory_space<hbm>>) target_semaphore(%run_scoped3A_85 : memref<!tpu.dma_semaphore, #tpu.memory_space<semaphore_mem>>)
      %dma_wait3A = tpu.memref_slice %arg3[%arg0, %mul3A_84] : memref<2x10240xf32, #tpu.memory_space<hbm>> -> memref<1x640xf32, #tpu.memory_space<hbm>>
      %dma_wait3A_89 = tpu.memref_squeeze %dma_wait3A : memref<1x640xf32, #tpu.memory_space<hbm>> -> memref<640xf32, #tpu.memory_space<hbm>>
      %dma_wait3A_90 = tpu.memref_slice %arg3[%arg0, %mul3A_84] : memref<2x10240xf32, #tpu.memory_space<hbm>> -> memref<1x640xf32, #tpu.memory_space<hbm>>
      %dma_wait3A_91 = tpu.memref_squeeze %dma_wait3A_90 : memref<1x640xf32, #tpu.memory_space<hbm>> -> memref<640xf32, #tpu.memory_space<hbm>>
      tpu.wait_dma2 semaphore(%run_scoped3A_85 : memref<!tpu.dma_semaphore, #tpu.memory_space<semaphore_mem>>) src(%arg7 : memref<640xf32, #tpu.memory_space<vmem>>) dst(%dma_wait3A_91 : memref<640xf32, #tpu.memory_space<hbm>>)
      tpu.yield
    }) : () -> ()
    return
  }
}

module attributes {stable_mosaic.version = 14 : i64} {
  func.func @_proj_body(%arg0: i32, %arg1: memref<512x128xf32, #tpu.memory_space<vmem>>, %arg2: memref<128x128xf32, #tpu.memory_space<vmem>>, %arg3: memref<2x512x1xf32, #tpu.memory_space<vmem>>, %arg4: memref<512x128xf32, #tpu.memory_space<vmem>>) attributes {dimension_semantics = [#tpu.dimension_semantics<arbitrary>], iteration_bounds = array<i64: 20>, scalar_prefetch = 0 : i64, scratch_operands = 0 : i64, tpu.core_type = #tpu.core_type<tc>, window_params = [{transform_indices = @transform_0, window_bounds = array<i64: 512, 128>}, {pipeline_mode = #tpu.pipeline_mode<synchronous>, transform_indices = @transform_1, window_bounds = array<i64: 128, 128>}, {transform_indices = @transform_2, window_bounds = array<i64: 2, 512, 1>}, {transform_indices = @transform_3, window_bounds = array<i64: 512, 128>}]} {
    %get3A = arith.constant 0 : index
    %get3A_0 = arith.constant 0 : index
    %get3A_1 = arith.constant 0 : index
    %get3A_2 = vector.load %arg3[%get3A, %get3A_0, %get3A_1] : memref<2x512x1xf32, #tpu.memory_space<vmem>>, vector<1x512x1xf32>
    %get3A_3 = vector.shape_cast %get3A_2 : vector<1x512x1xf32> to vector<512x1xf32>
    %get3A_4 = arith.constant 1 : index
    %get3A_5 = arith.constant 0 : index
    %get3A_6 = arith.constant 0 : index
    %get3A_7 = vector.load %arg3[%get3A_4, %get3A_5, %get3A_6] : memref<2x512x1xf32, #tpu.memory_space<vmem>>, vector<1x512x1xf32>
    %get3A_8 = vector.shape_cast %get3A_7 : vector<1x512x1xf32> to vector<512x1xf32>
    %add3A = arith.addf %get3A_3, %get3A_8 : vector<512x1xf32>
    %add3A_9 = arith.constant 9.99999997E-7 : f32
    %add3A_10 = vector.broadcast %add3A_9 : f32 to vector<512x1xf32>
    %add3A_11 = arith.addf %add3A, %add3A_10 : vector<512x1xf32>
    %rsqrt3A = math.rsqrt %add3A_11 : vector<512x1xf32>
    %get3A_12 = arith.constant 0 : index
    %get3A_13 = arith.constant 0 : index
    %get3A_14 = vector.load %arg1[%get3A_12, %get3A_13] : memref<512x128xf32, #tpu.memory_space<vmem>>, vector<512x128xf32>
    %get3A_15 = arith.constant 0 : index
    %get3A_16 = arith.constant 0 : index
    %get3A_17 = vector.load %arg2[%get3A_15, %get3A_16] : memref<128x128xf32, #tpu.memory_space<vmem>>, vector<128x128xf32>
    %dot_general3A = arith.constant dense<0.000000e+00> : vector<512x128xf32>
    %dot_general3A_18 = tpu.matmul %get3A_14, %get3A_17, %dot_general3A {dimension_numbers = #tpu.dot_dimension_numbers<[1], [0], [0], [1], [0, 0, 1, 1], [], []>, transpose_lhs_hint = false} : vector<512x128xf32>, vector<128x128xf32>, vector<512x128xf32> -> vector<512x128xf32>
    %mul3A = vector.broadcast %rsqrt3A : vector<512x1xf32> to vector<512x128xf32>
    %mul3A_19 = arith.mulf %dot_general3A_18, %mul3A : vector<512x128xf32>
    %swap3A = arith.constant 0 : index
    %swap3A_20 = arith.constant 0 : index
    %swap3A_21 = vector.load %arg4[%swap3A, %swap3A_20] : memref<512x128xf32, #tpu.memory_space<vmem>>, vector<512x128xf32>
    tpu.vector_store %arg4[%swap3A, %swap3A_20], %mul3A_19 {strides = array<i32>} : memref<512x128xf32, #tpu.memory_space<vmem>>, vector<512x128xf32>,
    return
  }
  func.func @transform_0(%arg0: i32) -> (i32, i32) {
    %c0_i32 = arith.constant 0 : i32
    %c0_i32_0 = arith.constant 0 : i32
    return %arg0, %c0_i32 : i32, i32
  }
  func.func @transform_1(%arg0: i32) -> (i32, i32) {
    %c0_i32 = arith.constant 0 : i32
    %c0_i32_0 = arith.constant 0 : i32
    %c0_i32_1 = arith.constant 0 : i32
    return %c0_i32, %c0_i32_0 : i32, i32
  }
  func.func @transform_2(%arg0: i32) -> (i32, i32, i32) {
    %c0_i32 = arith.constant 0 : i32
    %c0_i32_0 = arith.constant 0 : i32
    %c0_i32_1 = arith.constant 0 : i32
    return %c0_i32, %arg0, %c0_i32_0 : i32, i32, i32
  }
  func.func @transform_3(%arg0: i32) -> (i32, i32) {
    %c0_i32 = arith.constant 0 : i32
    %c0_i32_0 = arith.constant 0 : i32
    return %arg0, %c0_i32 : i32, i32
  }
}

module attributes {stable_mosaic.version = 14 : i64} {
  func.func @_out_body(%arg0: i32, %arg1: memref<512x128xf32, #tpu.memory_space<vmem>>, %arg2: memref<128x128xf32, #tpu.memory_space<vmem>>, %arg3: memref<128x128xf32, #tpu.memory_space<vmem>>, %arg4: memref<1x128xf32, #tpu.memory_space<vmem>>, %arg5: memref<2x512x128xf32, #tpu.memory_space<vmem>>, %arg6: memref<2x512x1xf32, #tpu.memory_space<vmem>>, %arg7: memref<512x128xf32, #tpu.memory_space<vmem>>) attributes {dimension_semantics = [#tpu.dimension_semantics<arbitrary>], iteration_bounds = array<i64: 20>, scalar_prefetch = 0 : i64, scratch_operands = 0 : i64, tpu.core_type = #tpu.core_type<tc>, window_params = [{transform_indices = @transform_0, window_bounds = array<i64: 512, 128>}, {pipeline_mode = #tpu.pipeline_mode<synchronous>, transform_indices = @transform_1, window_bounds = array<i64: 128, 128>}, {pipeline_mode = #tpu.pipeline_mode<synchronous>, transform_indices = @transform_2, window_bounds = array<i64: 128, 128>}, {pipeline_mode = #tpu.pipeline_mode<synchronous>, transform_indices = @transform_3, window_bounds = array<i64: 1, 128>}, {transform_indices = @transform_4, window_bounds = array<i64: 2, 512, 128>}, {transform_indices = @transform_5, window_bounds = array<i64: 2, 512, 1>}, {transform_indices = @transform_6, window_bounds = array<i64: 512, 128>}]} {
    %get3A = arith.constant 0 : index
    %get3A_0 = arith.constant 0 : index
    %get3A_1 = arith.constant 0 : index
    %get3A_2 = vector.load %arg6[%get3A, %get3A_0, %get3A_1] : memref<2x512x1xf32, #tpu.memory_space<vmem>>, vector<1x512x1xf32>
    %get3A_3 = vector.shape_cast %get3A_2 : vector<1x512x1xf32> to vector<512x1xf32>
    %get3A_4 = arith.constant 1 : index
    %get3A_5 = arith.constant 0 : index
    %get3A_6 = arith.constant 0 : index
    %get3A_7 = vector.load %arg6[%get3A_4, %get3A_5, %get3A_6] : memref<2x512x1xf32, #tpu.memory_space<vmem>>, vector<1x512x1xf32>
    %get3A_8 = vector.shape_cast %get3A_7 : vector<1x512x1xf32> to vector<512x1xf32>
    %add3A = arith.addf %get3A_3, %get3A_8 : vector<512x1xf32>
    %add3A_9 = arith.constant 9.99999997E-7 : f32
    %add3A_10 = vector.broadcast %add3A_9 : f32 to vector<512x1xf32>
    %add3A_11 = arith.addf %add3A, %add3A_10 : vector<512x1xf32>
    %rsqrt3A = math.rsqrt %add3A_11 : vector<512x1xf32>
    %get3A_12 = arith.constant 0 : index
    %get3A_13 = arith.constant 0 : index
    %get3A_14 = vector.load %arg1[%get3A_12, %get3A_13] : memref<512x128xf32, #tpu.memory_space<vmem>>, vector<512x128xf32>
    %get3A_15 = arith.constant 0 : index
    %get3A_16 = arith.constant 0 : index
    %get3A_17 = arith.constant 0 : index
    %get3A_18 = vector.load %arg5[%get3A_15, %get3A_16, %get3A_17] : memref<2x512x128xf32, #tpu.memory_space<vmem>>, vector<1x512x128xf32>
    %get3A_19 = vector.shape_cast %get3A_18 : vector<1x512x128xf32> to vector<512x128xf32>
    %get3A_20 = arith.constant 1 : index
    %get3A_21 = arith.constant 0 : index
    %get3A_22 = arith.constant 0 : index
    %get3A_23 = vector.load %arg5[%get3A_20, %get3A_21, %get3A_22] : memref<2x512x128xf32, #tpu.memory_space<vmem>>, vector<1x512x128xf32>
    %get3A_24 = vector.shape_cast %get3A_23 : vector<1x512x128xf32> to vector<512x128xf32>
    %add3A_25 = arith.addf %get3A_19, %get3A_24 : vector<512x128xf32>
    %mul3A = vector.broadcast %rsqrt3A : vector<512x1xf32> to vector<512x128xf32>
    %mul3A_26 = arith.mulf %add3A_25, %mul3A : vector<512x128xf32>
    %get3A_27 = arith.constant 0 : index
    %get3A_28 = arith.constant 0 : index
    %get3A_29 = vector.load %arg2[%get3A_27, %get3A_28] : memref<128x128xf32, #tpu.memory_space<vmem>>, vector<128x128xf32>
    %dot_general3A = arith.constant dense<0.000000e+00> : vector<512x128xf32>
    %dot_general3A_30 = tpu.matmul %get3A_14, %get3A_29, %dot_general3A {dimension_numbers = #tpu.dot_dimension_numbers<[1], [0], [0], [1], [0, 0, 1, 1], [], []>, transpose_lhs_hint = false} : vector<512x128xf32>, vector<128x128xf32>, vector<512x128xf32> -> vector<512x128xf32>
    %get3A_31 = arith.constant 0 : index
    %get3A_32 = arith.constant 0 : index
    %get3A_33 = vector.load %arg3[%get3A_31, %get3A_32] : memref<128x128xf32, #tpu.memory_space<vmem>>, vector<128x128xf32>
    %dot_general3A_34 = arith.constant dense<0.000000e+00> : vector<512x128xf32>
    %dot_general3A_35 = tpu.matmul %get3A_14, %get3A_33, %dot_general3A_34 {dimension_numbers = #tpu.dot_dimension_numbers<[1], [0], [0], [1], [0, 0, 1, 1], [], []>, transpose_lhs_hint = false} : vector<512x128xf32>, vector<128x128xf32>, vector<512x128xf32> -> vector<512x128xf32>
    %get3A_36 = arith.constant 0 : index
    %get3A_37 = arith.constant 0 : index
    %get3A_38 = vector.load %arg4[%get3A_36, %get3A_37] : memref<1x128xf32, #tpu.memory_space<vmem>>, vector<1x128xf32>
    %add3A_39 = vector.broadcast %get3A_38 : vector<1x128xf32> to vector<512x128xf32>
    %add3A_40 = arith.addf %dot_general3A_35, %add3A_39 : vector<512x128xf32>
    %logistic3A = arith.negf %add3A_40 : vector<512x128xf32>
    %logistic3A_41 = math.exp %logistic3A : vector<512x128xf32>
    %logistic3A_42 = arith.constant 1.000000e+00 : f32
    %logistic3A_43 = vector.broadcast %logistic3A_42 : f32 to vector<512x128xf32>
    %logistic3A_44 = arith.addf %logistic3A_43, %logistic3A_41 : vector<512x128xf32>
    %logistic3A_45 = arith.divf %logistic3A_43, %logistic3A_44 : vector<512x128xf32>
    %mul3A_46 = arith.mulf %logistic3A_45, %mul3A_26 : vector<512x128xf32>
    %sub3A = arith.constant 1.000000e+00 : f32
    %sub3A_47 = vector.broadcast %sub3A : f32 to vector<512x128xf32>
    %sub3A_48 = arith.subf %sub3A_47, %logistic3A_45 : vector<512x128xf32>
    %mul3A_49 = arith.mulf %sub3A_48, %dot_general3A_30 : vector<512x128xf32>
    %add3A_50 = arith.addf %mul3A_46, %mul3A_49 : vector<512x128xf32>
    %gt3A = arith.constant 0.000000e+00 : f32
    %gt3A_51 = vector.broadcast %gt3A : f32 to vector<512x128xf32>
    %gt3A_52 = arith.cmpf ogt, %add3A_50, %gt3A_51 : vector<512x128xf32>
    %min3A = arith.constant 0.000000e+00 : f32
    %min3A_53 = vector.broadcast %min3A : f32 to vector<512x128xf32>
    %min3A_54 = arith.minimumf %add3A_50, %min3A_53 : vector<512x128xf32>
    %exp3A = math.exp %min3A_54 : vector<512x128xf32>
    %sub3A_55 = arith.constant 1.000000e+00 : f32
    %sub3A_56 = vector.broadcast %sub3A_55 : f32 to vector<512x128xf32>
    %sub3A_57 = arith.subf %exp3A, %sub3A_56 : vector<512x128xf32>
    %select_n3A = arith.select %gt3A_52, %add3A_50, %sub3A_57 : vector<512x128xi1>, vector<512x128xf32>
    %swap3A = arith.constant 0 : index
    %swap3A_58 = arith.constant 0 : index
    %swap3A_59 = vector.load %arg7[%swap3A, %swap3A_58] : memref<512x128xf32, #tpu.memory_space<vmem>>, vector<512x128xf32>
    tpu.vector_store %arg7[%swap3A, %swap3A_58], %select_n3A {strides = array<i32>} : memref<512x128xf32, #tpu.memory_space<vmem>>, vector<512x128xf32>,
    return
  }
  func.func @transform_0(%arg0: i32) -> (i32, i32) {
    %c0_i32 = arith.constant 0 : i32
    %c0_i32_0 = arith.constant 0 : i32
    return %arg0, %c0_i32 : i32, i32
  }
  func.func @transform_1(%arg0: i32) -> (i32, i32) {
    %c0_i32 = arith.constant 0 : i32
    %c0_i32_0 = arith.constant 0 : i32
    %c0_i32_1 = arith.constant 0 : i32
    return %c0_i32, %c0_i32_0 : i32, i32
  }
  func.func @transform_2(%arg0: i32) -> (i32, i32) {
    %c0_i32 = arith.constant 0 : i32
    %c0_i32_0 = arith.constant 0 : i32
    %c0_i32_1 = arith.constant 0 : i32
    return %c0_i32, %c0_i32_0 : i32, i32
  }
  func.func @transform_3(%arg0: i32) -> (i32, i32) {
    %c0_i32 = arith.constant 0 : i32
    %c0_i32_0 = arith.constant 0 : i32
    %c0_i32_1 = arith.constant 0 : i32
    return %c0_i32, %c0_i32_0 : i32, i32
  }
  func.func @transform_4(%arg0: i32) -> (i32, i32, i32) {
    %c0_i32 = arith.constant 0 : i32
    %c0_i32_0 = arith.constant 0 : i32
    %c0_i32_1 = arith.constant 0 : i32
    return %c0_i32, %arg0, %c0_i32_0 : i32, i32, i32
  }
  func.func @transform_5(%arg0: i32) -> (i32, i32, i32) {
    %c0_i32 = arith.constant 0 : i32
    %c0_i32_0 = arith.constant 0 : i32
    %c0_i32_1 = arith.constant 0 : i32
    return %c0_i32, %arg0, %c0_i32_0 : i32, i32, i32
  }
  func.func @transform_6(%arg0: i32) -> (i32, i32) {
    %c0_i32 = arith.constant 0 : i32
    %c0_i32_0 = arith.constant 0 : i32
    return %arg0, %c0_i32 : i32, i32
  }
}

</mosaic_0001>

<sc_bundles>
// kernel: kernel.6.cloned.1.call-start
scs
__scs_entry_jumppad:
0x0: {  	(pc) =	sbr.rel $0x88, $3  }
0x1: {  	(tag) =	ssettag $0x0;
	lr =	simm.s32 $0x1  }
0x2: {  	[smem:$0x3F9B] =	sst lr;
	_ =	strace $0xD0000000  }
0x3: {  	_ = 	snop  }
0x4: {  	_ = 	snop  }
0x5: {  	_ = 	snop  }
0x6: {  	_ = 	snop  }
0x7: {  	_ = 	snop  }
__scs_overlays_trampoline_lowered:
0x8: {  	[smem:$0x3FAA] =	sst s0  }
0x9: {  	[smem:$0x3FAB] =	sst s1  }
0xa: {  	[smem:$0x3FAC] =	sst s2  }
0xb: {  	[smem:$0x3FAD] =	sst s3  }
0xc: {  	[smem:$0x3FAE] =	sst s4  }
0xd: {  	[smem:$0x3FAF] =	sst s5  }
0xe: {  	[smem:$0x3FB0] =	sst s6  }
0xf: {  	[smem:$0x3FB1] =	sst s7  }
0x10: {  	[smem:$0x3FB2] =	sst s8  }
0x11: {  	[smem:$0x3FB3] =	sst s9;
	s0 =	simm.s32 @!p0 $0x0  }
0x12: {  	s1 =	sld [smem:$0x3F99];
	s0 =	simm.s32 @p0 $0x1  }
0x13: {  	[smem:$0x3FB4] =	sst s0;
	s0 =	simm.s32 @!p1 $0x0  }
0x14: {  	s2 =	sld [smem:$0x3F98];
	s0 =	simm.s32 @p1 $0x1  }
0x15: {  	[smem:$0x3FB5] =	sst s0;
	s0 =	simm.s32 @!p2 $0x0  }
0x16: {  	s3 =	sld [smem:$0x3FDB];
	s0 =	simm.s32 @p2 $0x1  }
0x17: {  	s4 =	simm.s32 $0x1BF5;
	[smem:$0x3FB7] =	sst s0  }
0x18: {  	s0 =	sld [smem:$0x3F9A];
	_ =	swait.ge [sflag:s4], $0x0  }
0x19: {  	s7 =	sld [smem:$0x3F9B]  }
0x1a: {  	s8 =	sadd.s32 $0xFFFFE003, lr  }
0x1b: {  	s9 =	sadd.s32 $0xFFFFFEF7, lr;
	s5 =	simm.s32 $0xFFFFFFFF;
	p2 =	slt.u32 s8, $0xFFFFF086  }
0x1c: {  	p1 =	slt.u32 s9, $0xF7A;
	s5 =	simm.s32 @!p2 $0x0  }
0x1d: {  	s5 =	simm.s32 @p1 $0x1;
	p0 =	seq.s32 s7, s2  }
0x1e: {  	s7 =	smul.u32 @!p0 $0xF7A, s2;
	p2 =	seq.s32 @!p0 s5, $0x0  }
0x1f: {  	s9 =	smul.u32 $0xF7A, s1;
	s8 =	simm.s32 @!p0 $0x1BF5;
	p2 =	por !p2, p0  }
0x20: {  	[sflag:s8] =	ssyncset.s32 @!p0 $0xFFFFF086;
	s6 =	sadd.s32 @!p0 s3, s7;
	s7 =	simm.s32 @!p0 $0x108  }
0x21: {  	s3 =	sadd.s32 s3, s9;
	s6 =	sadd.s32 @!p0 $0x88, s6;
	s7 =	simm.s32 @p2 $0x1082  }
0x22: {  	[simem:s7], [sflag:s8] =	dma.local @!p0 [hbm:s6], $0xF7A  }
0x23: {  	s9 =	sor.u32 $0xD0000000, s2;
	s6 =	simm.s32 $0x108;
	_ =	swait.ge @!p0 [sflag:s8], $0x0  }
0x24: {  	s3 =	sadd.s32 $0x88, s3;
	s6 =	simm.s32 @!p1 $0x1082;
	[sflag:s4] =	ssyncset.s32 $0xFFFFF086  }
0x25: {  	[simem:s6], [sflag:s4] =	dma.local [hbm:s3], $0xF7A  }
0x26: {  	[smem:$0x3F9B] =	sst s1;
	(tag) =	ssettag s2;
	_ =	strace s9  }
0x27: {  	s1 =	sld [smem:$0x3FAB]  }
0x28: {  	s2 =	sld [smem:$0x3FAC]  }
0x29: {  	s4 =	sld [smem:$0x3FAE]  }
0x2a: {  	p0 =	seq.s32 s5, $0x0;
	s5 =	sld [smem:$0x3FAF]  }
0x2b: {  	s6 =	sld [smem:$0x3FB0]  }
0x2c: {  	s7 =	sld [smem:$0x3FB1]  }
0x2d: {  	s3 =	simm.s32 $0x108;
	s8 =	sld [smem:$0x3FB2]  }
0x2e: {  	s3 =	simm.s32 @!p0 $0x1082;
	s9 =	sld [smem:$0x3FB3]  }
0x2f: {  	lr =	sadd.s32 s0, s3;
	s0 =	sld [smem:$0x3FAA]  }
0x30: {  	s3 =	sld [smem:$0x3FAD]  }
0x31: {  	[smem:$0x3FB6] =	sst s10  }
0x32: {  	s10 =	sld [smem:$0x3FB4];
	_ =	sdelay $0x3  }
0x33: {  	p0 =	seq.s32 s10, $0x1;
	s10 =	sld [smem:$0x3FB6];
	_ =	sdelay $0x3  }
0x34: {  	[smem:$0x3FB6] =	sst s10  }
0x35: {  	s10 =	sld [smem:$0x3FB5];
	_ =	sdelay $0x3  }
0x36: {  	p1 =	seq.s32 s10, $0x1;
	s10 =	sld [smem:$0x3FB6];
	_ =	sdelay $0x3  }
0x37: {  	[smem:$0x3FB6] =	sst s10  }
0x38: {  	s10 =	sld [smem:$0x3FB7]  }
0x39: {  	_ = 	snop;
	(pc) =	sbr.ind lr, $3  }
0x3a: {  	_ = 	snop  }
0x3b: {  	_ = 	snop  }
0x3c: {  	p2 =	seq.s32 s10, $0x1;
	s10 =	sld [smem:$0x3FB6]  }
0x3d: {  	_ =	shalt  }
0x3e: {  	_ =	shalt  }
0x3f: {  	_ =	shalt  }
0x40: {  	_ =	shalt  }
0x41: {  	_ =	shalt  }
0x42: {  	_ =	shalt  }
0x43: {  	_ =	shalt  }
0x44: {  	_ =	shalt  }
0x45: {  	_ =	shalt  }
0x46: {  	_ =	shalt  }
0x47: {  	_ =	shalt  }
0x48: {  	_ =	shalt  }
0x49: {  	_ =	shalt  }
0x4a: {  	_ =	shalt  }
0x4b: {  	_ =	shalt  }
0x4c: {  	_ =	shalt  }
0x4d: {  	_ =	shalt  }
0x4e: {  	_ =	shalt  }
0x4f: {  	_ =	shalt  }
0x50: {  	_ =	shalt  }
0x51: {  	_ =	shalt  }
0x52: {  	_ =	shalt  }
0x53: {  	_ =	shalt  }
0x54: {  	_ =	shalt  }
0x55: {  	_ =	shalt  }
0x56: {  	_ =	shalt  }
0x57: {  	_ =	shalt  }
0x58: {  	_ =	shalt  }
0x59: {  	_ =	shalt  }
0x5a: {  	_ =	shalt  }
0x5b: {  	_ =	shalt  }
0x5c: {  	_ =	shalt  }
0x5d: {  	_ =	shalt  }
0x5e: {  	_ =	shalt  }
0x5f: {  	_ =	shalt  }
0x60: {  	_ =	shalt  }
0x61: {  	_ =	shalt  }
0x62: {  	_ =	shalt  }
0x63: {  	_ =	shalt  }
0x64: {  	_ =	shalt  }
0x65: {  	_ =	shalt  }
0x66: {  	_ =	shalt  }
0x67: {  	_ =	shalt  }
0x68: {  	_ =	shalt  }
0x69: {  	_ =	shalt  }
0x6a: {  	_ =	shalt  }
0x6b: {  	_ =	shalt  }
0x6c: {  	_ =	shalt  }
0x6d: {  	_ =	shalt  }
0x6e: {  	_ =	shalt  }
0x6f: {  	_ =	shalt  }
0x70: {  	_ =	shalt  }
0x71: {  	_ =	shalt  }
0x72: {  	_ =	shalt  }
0x73: {  	_ =	shalt  }
0x74: {  	_ =	shalt  }
0x75: {  	_ =	shalt  }
0x76: {  	_ =	shalt  }
0x77: {  	_ =	shalt  }
0x78: {  	_ =	shalt  }
0x79: {  	_ =	shalt  }
0x7a: {  	_ =	shalt  }
0x7b: {  	_ =	shalt  }
0x7c: {  	_ =	shalt  }
0x7d: {  	_ =	shalt  }
0x7e: {  	_ =	shalt  }
0x7f: {  	_ =	shalt  }
0x80: {  	_ =	shalt  }
0x81: {  	_ =	shalt  }
0x82: {  	_ =	shalt  }
0x83: {  	_ =	shalt  }
0x84: {  	_ =	shalt  }
0x85: {  	_ =	shalt  }
0x86: {  	_ =	shalt  }
0x87: {  	_ =	shalt  }
.Lfunc_end0:
.L_simem_size_0:
called_computation_lowered:
.L_overlay_start_0:
0x88: {  	s2 =	sld [smem:$0x3FD9]  }
0x89: {  	s3 =	sld [smem:$0x3FFE];
	_ =	sdelay $0x1  }
0x8a: {  	s1 =	srdreg.scid  }
0x8b: {  	s0 =	sand.u32 $0x1, s1  }
0x8c: {  	s16 =	sshll.u32 s0, $0xA;
	s2 =	sadd.s32 s3, s2  }
0x8d: {  	s2 =	sadd.s32 s2, s16  }
0x8e: {  	[smem:$0x3FC2] =	sst s2  }
0x8f: {  	_ = 	snop  }
0x90: {  	(tm) =	ssettm $0x1  }
0x91: {  	s17 =	sld [smem:$0x3FFB];
	_ =	sdelay $0x3  }
0x92: {  	_ =	strace s17  }
0x93: {  	s2 =	sld [smem:$0x3FFC];
	_ =	sdelay $0x3  }
0x94: {  	_ =	strace s2  }
0x95: {  	s2 =	sld [smem:$0x3FFD];
	_ =	sdelay $0x3  }
0x96: {  	_ =	strace s2  }
0x97: {  	_ =	strace $0x8FFFFFFF  }
0x98: {  	s18 =	sld [smem:$0x3FDB];
	_ =	sdelay $0x1  }
0x99: {  	s19 =	simm.s32 $_scs_section_size  }
0x9a: {  	s4 =	simm.s32 $_size__tile_overlayer_lowered;
	s5 =	simm.s32 $_tile_overlayer_lowered  }
0x9b: {  	s22 =	simm.s32 $0x1BFF;
	s21 =	sshll.u32 s5, $0x1;
	s2 =	sadd.s32 s19, s18  }
0x9c: {  	s6 =	simm.s32 $0x0;
	s20 =	sshll.u32 s4, $0x1;
	s4 =	sadd.s32 s21, s2  }
0x9d: {  	[timem:s6], [sflag:s22] =	dma.local [hbm:s4], s20  }
0x9e: {  	_ =	swait.ge [sflag:s22], s20  }
0x9f: {  	s3 =	ssub.s32 $0x0, s20;
	[sflag:s22] =	ssyncset.done $0x0  }
0xa0: {  	[sflag:s22] =	ssyncadd.s32 s3;
	_ =	sdelay $0x1  }
0xa1: {  	s23 =	simm.s32 $0x1B8B  }
0xa2: {  	_ =	swait.ge [sflag:s23], $0x1  }
0xa3: {  	[sflag:s23] =	ssyncset.done $0x0  }
0xa4: {  	s25 =	simm.s32 $0x1B8E;
	s24 =	sld [smem:$0x3FFE];
	[sflag:s23] =	ssyncadd.s32 $0xFFFFFFFF  }
0xa5: {  	s26 =	simm.s32 $execute0_lowered;
	[smem:$0x3FD2] =	sst s25  }
0xa6: {  	s4 =	sshll.u32 s26, $0x1;
	_ =	strace $0x80000046;
	[dreg:$0x1] =	wrdreg $0xFFFFFFFF  }
0xa7: {  	s28 =	simm.s32 $_size_execute0_lowered;
	s2 =	sadd.s32 s2, s4;
	[dreg:$0x0] =	wrdreg $0x0  }
0xa8: {  	s4 =	sshll.u32 s28, $0x1;
	[dreg:$0x2] =	wrdreg s2  }
0xa9: {  	[dreg:$0x3] =	wrdreg s4  }
0xaa: {  	[dreg:$0x4] =	wrdreg $0xC0  }
0xab: {  	_ =	task [dreg:s6], $0x5FFFF  }
0xac: {  	[dreg:$0x1] =	wrdreg $0xFFFFFFFF  }
0xad: {  	[dreg:$0x0] =	wrdreg $0x60  }
0xae: {  	[dreg:$0x2] =	wrdreg s24  }
0xaf: {  	[dreg:$0x3] =	wrdreg $0x7A800  }
0xb0: {  	[dreg:$0x4] =	wrdreg $0x9  }
0xb1: {  	_ =	task.clear_ibuf [dreg:s6], $0x5FFFF;
	_ =	strace $0x90000046  }
0xb2: {  	s29 =	simm.s32 $0x9;
	_ =	strace $0x80000048  }
0xb3: {  	_ =	swait.ge [sflag:s29], $0x1  }
0xb4: {  	[sflag:s29] =	ssyncadd.s32 $0xFFFFFFFF  }
0xb5: {  	_ =	strace $0x90000048  }
0xb6: {  	_ =	sfence  }
0xb7: {  	s30 =	sld [smem:$0x0];
	_ =	sdelay $0x2  }
0xb8: {  	s31 =	sshll.u32 s1, $0xD;
	s1 =	sshrl.u32 s1, $0x2  }
0xb9: {  	s3 =	sand.u32 $0x4000, s31;
	s1 =	sadd.s32 s1, s30  }
0xba: {  	s0 =	sor.u32 s3, s0;
	s1 =	sshll.u32 s1, $0x11  }
0xbb: {  	s0 =	sor.u32 s1, s0  }
0xbc: {  	s0 =	sadd.s32 $0x8F2B, s0  }
0xbd: {  	[sflag:s0] =	ssyncadd.remote.s32 $0x1  }
0xbe: {  	_ =	sfence.sel $0xFFFF  }
0xbf: {  	[dreg:$0x0] =	wrdreg $0xFFFFFFFF;
	(pc) =	sbr.abs _section_cstart, $3  }
0xc0: {  	[dreg:$0x1] =	wrdreg $0xFFFFFFFF  }
0xc1: {  	_ =	task.clear_ibuf [dreg:s6], $0x2FFFF;
	_ =	strace $0x9FFFFFFF  }
0xc2: {  	(tm) =	ssettm $0x7FFFFFFF  }
0xc3: {  	_ =	shalt  }
tec
execute0_lowered:
.L_overlay_start_1:
0x0: {  	(tag) =	ssettag $0x1  }
0x1: {  	s1 =	rddreg [dreg:$0x0]  }
0x2: {  	s0 =	srdreg.scid;
	s3 =	rddreg [dreg:$0x1]  }
0x3: {  	s9 =	stileid.u32;
	s2 =	simm.s32 $0x0;
	s0 =	sand.u32 $0x1, s0  }
0x4: {  	[smem:$0x7FF] =	sst s2;
	s5 =	smul.u32 $0x500, s9;
	s7 =	sshrl.u32 s9, $0x3  }
0x5: {  	s8 =	smul.u32 $0x5000, s9;
	s10 =	sshll.u32 s9, $0x7;
	s4 =	sshll.u32 s0, $0x4  }
0x6: {  	_ =	strace $0x80000047;
	s6 =	sshll.u32 s0, $0x7;
	s0 =	ssub.s32 $0x2, s0  }
0x7: {  	s25 =	smul.u32 $0x50000, s7;
	s13 =	sand.u32 $0x380, s10;
	s4 =	sor.u32 s9, s4  }
0x8: {  	s5 =	sor.u32 s6, s5;
	s26 =	sshrl.u32 s0, $0x1;
	s4 =	smul.u32 $0x500, s4  }
0x9: {  	s5 =	sshrl.u32 s5, $0x3;
	s0 =	ssub.s32 s0, s26;
	s11 =	sshrl.u32 s25, $0x2  }
0xa: {  	s0 =	smax.u32 s0, $0x1;
	s4 =	sadd.s32 s4, s1;
	s1 =	sadd.s32 s5, s1  }
0xb: {  	s5 =	sadd.s32 s11, s3;
	[dreg:$0x15] =	wrdreg s0;
	s4 =	sadd.s32 $0x2200, s4  }
0xc: {  	s12 =	sshrl.u32 s8, $0x2;
	s14 =	sadd.s32 s13, s5;
	[dreg:$0x3] =	wrdreg s4  }
0xd: {  	s1 =	sadd.s32 $0xC200, s1;
	s4 =	sadd.s32 s12, s3;
	[dreg:$0x4] =	wrdreg s14  }
0xe: {  	[dreg:$0x14] =	wrdreg s1;
	s15 =	sadd.s32 $0x80, s4  }
0xf: {  	s16 =	sadd.s32 $0x100, s4;
	[dreg:$0x5] =	wrdreg s15  }
0x10: {  	s17 =	sadd.s32 $0x180, s4;
	[dreg:$0x6] =	wrdreg s16  }
0x11: {  	s18 =	sadd.s32 $0x200, s4;
	[dreg:$0x7] =	wrdreg s17  }
0x12: {  	s19 =	sadd.s32 $0x280, s4;
	[dreg:$0x8] =	wrdreg s18  }
0x13: {  	s20 =	sadd.s32 $0x300, s4;
	[dreg:$0x9] =	wrdreg s19  }
0x14: {  	s21 =	sadd.s32 $0x380, s4;
	[dreg:$0xa] =	wrdreg s20  }
0x15: {  	s22 =	sadd.s32 $0x14000, s4;
	[dreg:$0xb] =	wrdreg s21  }
0x16: {  	s23 =	sadd.s32 $0x14080, s4;
	[dreg:$0xc] =	wrdreg s22  }
0x17: {  	s24 =	sadd.s32 $0x14100, s4;
	[dreg:$0xd] =	wrdreg s23  }
0x18: {  	s25 =	sadd.s32 $0x14180, s4;
	[dreg:$0xe] =	wrdreg s24  }
0x19: {  	s26 =	sadd.s32 $0x14200, s4;
	[dreg:$0xf] =	wrdreg s25  }
0x1a: {  	s5 =	sadd.s32 $0x14280, s4;
	[dreg:$0x10] =	wrdreg s26  }
0x1b: {  	s6 =	sadd.s32 $0x14300, s4;
	[dreg:$0x11] =	wrdreg s5  }
0x1c: {  	s7 =	sadd.s32 $0x14380, s4;
	[dreg:$0x12] =	wrdreg s6  }
0x1d: {  	s8 =	sadd.s32 $0x400, s4;
	[dreg:$0x13] =	wrdreg s7  }
0x1e: {  	s9 =	sadd.s32 $0x800, s4;
	[dreg:$0x16] =	wrdreg s8  }
0x1f: {  	s10 =	sadd.s32 $0xC00, s4;
	[dreg:$0x17] =	wrdreg s9  }
0x20: {  	s11 =	sadd.s32 $0x1000, s4;
	[dreg:$0x18] =	wrdreg s10  }
0x21: {  	s12 =	sadd.s32 $0x480, s4;
	[dreg:$0x19] =	wrdreg s11  }
0x22: {  	s13 =	sadd.s32 $0x880, s4;
	[dreg:$0x1a] =	wrdreg s12  }
0x23: {  	s14 =	sadd.s32 $0xC80, s4;
	[dreg:$0x1b] =	wrdreg s13  }
0x24: {  	s1 =	sadd.s32 $0x1200, s4;
	[dreg:$0x1c] =	wrdreg s14  }
0x25: {  	s3 =	sadd.s32 $0x680, s4;
	[smem:$0x7E6] =	sst s1  }
0x26: {  	s15 =	sadd.s32 $0x1080, s4;
	[smem:$0x7E7] =	sst s3  }
0x27: {  	s16 =	sadd.s32 $0x500, s4;
	[dreg:$0x1d] =	wrdreg s15  }
0x28: {  	s17 =	sadd.s32 $0x900, s4;
	[dreg:$0x1e] =	wrdreg s16  }
0x29: {  	s18 =	sadd.s32 $0xD00, s4;
	[dreg:$0x1f] =	wrdreg s17  }
0x2a: {  	s19 =	sadd.s32 $0x1100, s4;
	[smem:$0x7DD] =	sst s18  }
0x2b: {  	s20 =	sadd.s32 $0x580, s4;
	[smem:$0x7DE] =	sst s19  }
0x2c: {  	s21 =	sadd.s32 $0x980, s4;
	[smem:$0x7DF] =	sst s20  }
0x2d: {  	s22 =	sadd.s32 $0xD80, s4;
	[smem:$0x7E0] =	sst s21  }
0x2e: {  	s23 =	sadd.s32 $0x1180, s4;
	[smem:$0x7E1] =	sst s22  }
0x2f: {  	s24 =	sadd.s32 $0x600, s4;
	[smem:$0x7E2] =	sst s23  }
0x30: {  	s25 =	sadd.s32 $0xA00, s4;
	[smem:$0x7E3] =	sst s24  }
0x31: {  	s26 =	sadd.s32 $0xE00, s4;
	[smem:$0x7E4] =	sst s25  }
0x32: {  	s5 =	sadd.s32 $0xA80, s4;
	[smem:$0x7E5] =	sst s26  }
0x33: {  	s6 =	sadd.s32 $0xE80, s4;
	[smem:$0x7E8] =	sst s5  }
0x34: {  	s7 =	sadd.s32 $0x1280, s4;
	[smem:$0x7E9] =	sst s6  }
0x35: {  	s8 =	sadd.s32 $0x700, s4;
	[smem:$0x7EA] =	sst s7  }
0x36: {  	s9 =	sadd.s32 $0xB00, s4;
	[smem:$0x7EB] =	sst s8  }
0x37: {  	s10 =	sadd.s32 $0xF00, s4;
	[smem:$0x7EC] =	sst s9  }
0x38: {  	s11 =	sadd.s32 $0x1300, s4;
	[smem:$0x7ED] =	sst s10  }
0x39: {  	s12 =	sadd.s32 $0x780, s4;
	[smem:$0x7EE] =	sst s11  }
0x3a: {  	s13 =	sadd.s32 $0xB80, s4;
	[smem:$0x7EF] =	sst s12  }
0x3b: {  	s14 =	sadd.s32 $0xF80, s4;
	[smem:$0x7F0] =	sst s13  }
0x3c: {  	[smem:$0x7F1] =	sst s14;
	s15 =	sadd.s32 $0x1380, s4  }
0x3d: {  	s16 =	sadd.s32 $0x14400, s4;
	[smem:$0x7F2] =	sst s15  }
0x3e: {  	s30 =	simm.s32 $0x1;
	s17 =	sadd.s32 $0x14800, s4;
	[smem:$0x7F3] =	sst s16  }
0x3f: {  	s31 =	simm.s32 $0x2800;
	s18 =	sadd.s32 $0x14C00, s4;
	[smem:$0x7F4] =	sst s17  }
0x40: {  	s0 =	simm.s32 $0x80;
	s19 =	sadd.s32 $0x15000, s4;
	[smem:$0x7F5] =	sst s18  }
0x41: {  	s28 =	sadd.s32 $0x14F80, s4;
	s20 =	sadd.s32 $0x14480, s4;
	[smem:$0x7F6] =	sst s19  }
0x42: {  	s29 =	sadd.s32 $0x15380, s4;
	s21 =	sadd.s32 $0x14880, s4;
	[smem:$0x7F7] =	sst s20  }
0x43: {  	s22 =	sadd.s32 $0x14C80, s4;
	s23 =	sadd.s32 $0x15080, s4;
	[smem:$0x7F8] =	sst s21  }
0x44: {  	s24 =	sadd.s32 $0x14500, s4;
	s25 =	sadd.s32 $0x14900, s4;
	[smem:$0x7F9] =	sst s22  }
0x45: {  	s26 =	sadd.s32 $0x14D00, s4;
	s8 =	sadd.s32 $0x15100, s4;
	[smem:$0x7FA] =	sst s23  }
0x46: {  	s9 =	sadd.s32 $0x14580, s4;
	s10 =	sadd.s32 $0x14980, s4;
	[smem:$0x7FB] =	sst s24  }
0x47: {  	s11 =	sadd.s32 $0x14D80, s4;
	s12 =	sadd.s32 $0x15180, s4;
	[smem:$0x7FC] =	sst s25  }
0x48: {  	s13 =	sadd.s32 $0x14600, s4;
	s14 =	sadd.s32 $0x14A00, s4;
	[smem:$0x7FD] =	sst s26  }
0x49: {  	s15 =	sadd.s32 $0x14E00, s4;
	s16 =	sadd.s32 $0x15200, s4;
	s17 =	sadd.s32 $0x14680, s4  }
0x4a: {  	s18 =	sadd.s32 $0x14A80, s4;
	s19 =	sadd.s32 $0x14E80, s4;
	s20 =	sadd.s32 $0x15280, s4  }
0x4b: {  	s21 =	sadd.s32 $0x14700, s4;
	s22 =	sadd.s32 $0x14B00, s4;
	s23 =	sadd.s32 $0x14F00, s4  }
0x4c: {  	v0 =	vimm.f32 $0.0e+00;
	v1 =	vimm.f32 $1.000000000e+00;
	s24 =	sadd.s32 $0x15300, s4;
	s25 =	sadd.s32 $0x14780, s4;
	s26 =	sadd.s32 $0x14B80, s4  }
.LBB2_1:
0x4d: {  	s1 =	simm.s32 $0x40;
	s3 =	simm.s32 $0x0  }
.LBB2_2:
0x4e: {  	p0 =	sne.s32 s1, $0x9FC0;
	[tilespmem:s3+$0x2800] =	vst v0;
	s3 =	smov.u32 s1;
	s1 =	sadd.s32 $0x40, s1  }
.Ltmp0:
0x4f: {  	(pc) =	sbr.rel @p0 .LBB2_2-.Ltmp0, $2  }
0x50: {  	_ =	sdelay $0x2  }
0x51: {  	s3 =	sshra.s32 s3, $0x2  }
0x52: {  	[tilespmem:s3+$0x2800] =	vst v0;
	s1 =	simm.s32 $0x0;
	s7 =	rddreg [dreg:$0x3]  }
0x53: {  	[tilespmem:s1], [sflag:$0x1] =	stream.linear.gather [hbm4b:s7+s1], $0x2800, $0x38;
	[tilespmem:$0xA280] =	vst v63  }
0x54: {  	_ =	swait.ge [sflag:s30], $0x2800  }
0x55: {  	[sflag:s30] =	ssyncset.done $0x0  }
0x56: {  	s3 =	simm.s32 $0x0;
	s1 =	simm.s32 $0x40;
	[sflag:s30] =	ssyncadd.s32 $0xFFFFD800  }
.LBB2_4:
0x57: {  	p0 =	sne.s32 s1, $0x9FC0;
	v2 =	vld [tilespmem:s3+$0x0];
	_ =	sdelay $0x3  }
.Ltmp1:
0x58: {  	(pc) =	sbr.rel @p0 .LBB2_4-.Ltmp1, $2  }
0x59: {  	_ =	sdelay $0x2  }
0x5a: {  	s3 =	sshra.s32 s1, $0x2;
	s1 =	sadd.s32 $0x40, s1;
	[tilespmem:v2+s31+$0x0] =	vst.idx.add.f32.msk $0xffff, v1  }
0x5b: {  	v2 =	vld [tilespmem:s3+$0x0];
	_ =	sdelay $0x7  }
0x5c: {  	s1 =	rddreg [dreg:$0x4];
	s7 =	simm.s32 $0x400;
	[tilespmem:v2+s31+$0x0] =	vst.idx.add.f32.msk $0xffff, v1  }
0x5d: {  	[spmem:s1] =	stream.strided.scatter [tilespmem:s31], [sflag:$0x1], $0x2800, s7, s0, $0x38;
	[tilespmem:$0xA280] =	vst v63  }
0x5e: {  	_ =	swait.ge [sflag:s30], $0x2800  }
0x5f: {  	[sflag:s30] =	ssyncset.done $0x0  }
0x60: {  	[sflag:s30] =	ssyncadd.s32 $0xFFFFD800  }
0x61: {  	s5 =	simm.s32 $0x5000;
	[bflag:$0x0] =	sbarrier.arrive $0xFFFF  }
0x62: {  	[tilespmem:s5], [sflag:$0x1] =	stream.linear.gather [spmem:s4], $0x80, $0x38;
	[tilespmem:$0xA280] =	vst v63  }
0x63: {  	s7 =	simm.s32 $0x5400;
	s6 =	rddreg [dreg:$0x16]  }
0x64: {  	[tilespmem:s7], [sflag:$0x1] =	stream.linear.gather [spmem:s6], $0x80, $0x38;
	[tilespmem:$0xA280] =	vst v63  }
0x65: {  	s3 =	rddreg [dreg:$0x17];
	s5 =	simm.s32 $0x5800  }
0x66: {  	[tilespmem:s5], [sflag:$0x1] =	stream.linear.gather [spmem:s3], $0x80, $0x38;
	[tilespmem:$0xA280] =	vst v63  }
0x67: {  	s6 =	rddreg [dreg:$0x18];
	s7 =	simm.s32 $0x5C00  }
0x68: {  	[tilespmem:s7], [sflag:$0x1] =	stream.linear.gather [spmem:s6], $0x80, $0x38;
	[tilespmem:$0xA280] =	vst v63  }
0x69: {  	s3 =	rddreg [dreg:$0x19];
	s5 =	simm.s32 $0x6000  }
0x6a: {  	[tilespmem:s5], [sflag:$0x1] =	stream.linear.gather [spmem:s3], $0x80, $0x38;
	[tilespmem:$0xA280] =	vst v63  }
0x6b: {  	_ =	swait.ge [sflag:s30], $0x280  }
0x6c: {  	[sflag:s30] =	ssyncset.done $0x0  }
0x6d: {  	s7 =	simm.s32 $0x5080;
	s6 =	rddreg [dreg:$0x5];
	[sflag:s30] =	ssyncadd.s32 $0xFFFFFD80  }
0x6e: {  	[tilespmem:s7], [sflag:$0x1] =	stream.linear.gather [spmem:s6], $0x80, $0x38;
	[tilespmem:$0xA280] =	vst v63  }
0x6f: {  	s5 =	simm.s32 $0x5480;
	s3 =	rddreg [dreg:$0x1a]  }
0x70: {  	[tilespmem:s5], [sflag:$0x1] =	stream.linear.gather [spmem:s3], $0x80, $0x38;
	[tilespmem:$0xA280] =	vst v63  }
0x71: {  	s6 =	rddreg [dreg:$0x1b];
	s7 =	simm.s32 $0x5880  }
0x72: {  	[tilespmem:s7], [sflag:$0x1] =	stream.linear.gather [spmem:s6], $0x80, $0x38;
	[tilespmem:$0xA280] =	vst v63  }
0x73: {  	s3 =	rddreg [dreg:$0x1c];
	s5 =	simm.s32 $0x5C80  }
0x74: {  	[tilespmem:s5], [sflag:$0x1] =	stream.linear.gather [spmem:s3], $0x80, $0x38;
	[tilespmem:$0xA280] =	vst v63  }
0x75: {  	s6 =	rddreg [dreg:$0x1d];
	s7 =	simm.s32 $0x6080  }
0x76: {  	[tilespmem:s7], [sflag:$0x1] =	stream.linear.gather [spmem:s6], $0x80, $0x38;
	[tilespmem:$0xA280] =	vst v63  }
0x77: {  	_ =	swait.ge [sflag:s30], $0x280  }
0x78: {  	[sflag:s30] =	ssyncset.done $0x0;
	s3 =	rddreg [dreg:$0x6]  }
0x79: {  	s5 =	simm.s32 $0x5100;
	s6 =	rddreg [dreg:$0x1e];
	[sflag:s30] =	ssyncadd.s32 $0xFFFFFD80  }
0x7a: {  	[tilespmem:s5], [sflag:$0x1] =	stream.linear.gather [spmem:s3], $0x80, $0x38;
	[tilespmem:$0xA280] =	vst v63  }
0x7b: {  	s7 =	simm.s32 $0x5500;
	s3 =	rddreg [dreg:$0x1f]  }
0x7c: {  	[tilespmem:s7], [sflag:$0x1] =	stream.linear.gather [spmem:s6], $0x80, $0x38;
	[tilespmem:$0xA280] =	vst v63  }
0x7d: {  	s5 =	simm.s32 $0x5900;
	s6 =	sld [smem:$0x7DD]  }
0x7e: {  	[tilespmem:s5], [sflag:$0x1] =	stream.linear.gather [spmem:s3], $0x80, $0x38;
	[tilespmem:$0xA280] =	vst v63  }
0x7f: {  	s7 =	simm.s32 $0x5D00;
	s3 =	sld [smem:$0x7DE]  }
0x80: {  	[tilespmem:s7], [sflag:$0x1] =	stream.linear.gather [spmem:s6], $0x80, $0x38;
	[tilespmem:$0xA280] =	vst v63  }
0x81: {  	s5 =	simm.s32 $0x6100  }
0x82: {  	[tilespmem:s5], [sflag:$0x1] =	stream.linear.gather [spmem:s3], $0x80, $0x38;
	[tilespmem:$0xA280] =	vst v63  }
0x83: {  	_ =	swait.ge [sflag:s30], $0x280  }
0x84: {  	[sflag:s30] =	ssyncset.done $0x0;
	s6 =	rddreg [dreg:$0x7]  }
0x85: {  	s7 =	simm.s32 $0x5180;
	s3 =	sld [smem:$0x7DF];
	[sflag:s30] =	ssyncadd.s32 $0xFFFFFD80  }
0x86: {  	[tilespmem:s7], [sflag:$0x1] =	stream.linear.gather [spmem:s6], $0x80, $0x38;
	[tilespmem:$0xA280] =	vst v63  }
0x87: {  	s5 =	simm.s32 $0x5580;
	s6 =	sld [smem:$0x7E0]  }
0x88: {  	[tilespmem:s5], [sflag:$0x1] =	stream.linear.gather [spmem:s3], $0x80, $0x38;
	[tilespmem:$0xA280] =	vst v63  }
0x89: {  	s7 =	simm.s32 $0x5980;
	s3 =	sld [smem:$0x7E1]  }
0x8a: {  	[tilespmem:s7], [sflag:$0x1] =	stream.linear.gather [spmem:s6], $0x80, $0x38;
	[tilespmem:$0xA280] =	vst v63  }
0x8b: {  	s5 =	simm.s32 $0x5D80;
	s6 =	sld [smem:$0x7E2]  }
0x8c: {  	[tilespmem:s5], [sflag:$0x1] =	stream.linear.gather [spmem:s3], $0x80, $0x38;
	[tilespmem:$0xA280] =	vst v63  }
0x8d: {  	s7 =	simm.s32 $0x6180  }
0x8e: {  	[tilespmem:s7], [sflag:$0x1] =	stream.linear.gather [spmem:s6], $0x80, $0x38;
	[tilespmem:$0xA280] =	vst v63  }
0x8f: {  	_ =	swait.ge [sflag:s30], $0x280  }
0x90: {  	[sflag:s30] =	ssyncset.done $0x0;
	s3 =	rddreg [dreg:$0x8]  }
0x91: {  	s5 =	simm.s32 $0x5200;
	s6 =	sld [smem:$0x7E3];
	[sflag:s30] =	ssyncadd.s32 $0xFFFFFD80  }
0x92: {  	[tilespmem:s5], [sflag:$0x1] =	stream.linear.gather [spmem:s3], $0x80, $0x38;
	[tilespmem:$0xA280] =	vst v63  }
0x93: {  	s7 =	simm.s32 $0x5600;
	s3 =	sld [smem:$0x7E4]  }
0x94: {  	[tilespmem:s7], [sflag:$0x1] =	stream.linear.gather [spmem:s6], $0x80, $0x38;
	[tilespmem:$0xA280] =	vst v63  }
0x95: {  	s5 =	simm.s32 $0x5A00;
	s6 =	sld [smem:$0x7E5]  }
0x96: {  	[tilespmem:s5], [sflag:$0x1] =	stream.linear.gather [spmem:s3], $0x80, $0x38;
	[tilespmem:$0xA280] =	vst v63  }
0x97: {  	s7 =	simm.s32 $0x5E00;
	s3 =	sld [smem:$0x7E6]  }
0x98: {  	[tilespmem:s7], [sflag:$0x1] =	stream.linear.gather [spmem:s6], $0x80, $0x38;
	[tilespmem:$0xA280] =	vst v63  }
0x99: {  	s5 =	simm.s32 $0x6200  }
0x9a: {  	[tilespmem:s5], [sflag:$0x1] =	stream.linear.gather [spmem:s3], $0x80, $0x38;
	[tilespmem:$0xA280] =	vst v63  }
0x9b: {  	_ =	swait.ge [sflag:s30], $0x280  }
0x9c: {  	[sflag:s30] =	ssyncset.done $0x0;
	s6 =	rddreg [dreg:$0x9]  }
0x9d: {  	s7 =	simm.s32 $0x5280;
	s3 =	sld [smem:$0x7E7];
	[sflag:s30] =	ssyncadd.s32 $0xFFFFFD80  }
0x9e: {  	[tilespmem:s7], [sflag:$0x1] =	stream.linear.gather [spmem:s6], $0x80, $0x38;
	[tilespmem:$0xA280] =	vst v63  }
0x9f: {  	s5 =	simm.s32 $0x5680;
	s6 =	sld [smem:$0x7E8]  }
0xa0: {  	[tilespmem:s5], [sflag:$0x1] =	stream.linear.gather [spmem:s3], $0x80, $0x38;
	[tilespmem:$0xA280] =	vst v63  }
0xa1: {  	s7 =	simm.s32 $0x5A80;
	s3 =	sld [smem:$0x7E9]  }
0xa2: {  	[tilespmem:s7], [sflag:$0x1] =	stream.linear.gather [spmem:s6], $0x80, $0x38;
	[tilespmem:$0xA280] =	vst v63  }
0xa3: {  	s5 =	simm.s32 $0x5E80;
	s6 =	sld [smem:$0x7EA]  }
0xa4: {  	[tilespmem:s5], [sflag:$0x1] =	stream.linear.gather [spmem:s3], $0x80, $0x38;
	[tilespmem:$0xA280] =	vst v63  }
0xa5: {  	s7 =	simm.s32 $0x6280  }
0xa6: {  	[tilespmem:s7], [sflag:$0x1] =	stream.linear.gather [spmem:s6], $0x80, $0x38;
	[tilespmem:$0xA280] =	vst v63  }
0xa7: {  	_ =	swait.ge [sflag:s30], $0x280  }
0xa8: {  	[sflag:s30] =	ssyncset.done $0x0;
	s3 =	rddreg [dreg:$0xa]  }
0xa9: {  	s5 =	simm.s32 $0x5300;
	s6 =	sld [smem:$0x7EB];
	[sflag:s30] =	ssyncadd.s32 $0xFFFFFD80  }
0xaa: {  	[tilespmem:s5], [sflag:$0x1] =	stream.linear.gather [spmem:s3], $0x80, $0x38;
	[tilespmem:$0xA280] =	vst v63  }
0xab: {  	s7 =	simm.s32 $0x5700;
	s3 =	sld [smem:$0x7EC]  }
0xac: {  	[tilespmem:s7], [sflag:$0x1] =	stream.linear.gather [spmem:s6], $0x80, $0x38;
	[tilespmem:$0xA280] =	vst v63  }
0xad: {  	s5 =	simm.s32 $0x5B00;
	s6 =	sld [smem:$0x7ED]  }
0xae: {  	[tilespmem:s5], [sflag:$0x1] =	stream.linear.gather [spmem:s3], $0x80, $0x38;
	[tilespmem:$0xA280] =	vst v63  }
0xaf: {  	s7 =	simm.s32 $0x5F00;
	s3 =	sld [smem:$0x7EE]  }
0xb0: {  	[tilespmem:s7], [sflag:$0x1] =	stream.linear.gather [spmem:s6], $0x80, $0x38;
	[tilespmem:$0xA280] =	vst v63  }
0xb1: {  	s5 =	simm.s32 $0x6300  }
0xb2: {  	[tilespmem:s5], [sflag:$0x1] =	stream.linear.gather [spmem:s3], $0x80, $0x38;
	[tilespmem:$0xA280] =	vst v63  }
0xb3: {  	_ =	swait.ge [sflag:s30], $0x280  }
0xb4: {  	[sflag:s30] =	ssyncset.done $0x0;
	s6 =	rddreg [dreg:$0xb]  }
0xb5: {  	s7 =	simm.s32 $0x5380;
	s3 =	sld [smem:$0x7EF];
	[sflag:s30] =	ssyncadd.s32 $0xFFFFFD80  }
0xb6: {  	[tilespmem:s7], [sflag:$0x1] =	stream.linear.gather [spmem:s6], $0x80, $0x38;
	[tilespmem:$0xA280] =	vst v63  }
0xb7: {  	s5 =	simm.s32 $0x5780;
	s6 =	sld [smem:$0x7F0]  }
0xb8: {  	[tilespmem:s5], [sflag:$0x1] =	stream.linear.gather [spmem:s3], $0x80, $0x38;
	[tilespmem:$0xA280] =	vst v63  }
0xb9: {  	s7 =	simm.s32 $0x5B80;
	s3 =	sld [smem:$0x7F1]  }
0xba: {  	[tilespmem:s7], [sflag:$0x1] =	stream.linear.gather [spmem:s6], $0x80, $0x38;
	[tilespmem:$0xA280] =	vst v63  }
0xbb: {  	s5 =	simm.s32 $0x5F80;
	s6 =	sld [smem:$0x7F2]  }
0xbc: {  	[tilespmem:s5], [sflag:$0x1] =	stream.linear.gather [spmem:s3], $0x80, $0x38;
	[tilespmem:$0xA280] =	vst v63  }
0xbd: {  	s7 =	simm.s32 $0x6380  }
0xbe: {  	[tilespmem:s7], [sflag:$0x1] =	stream.linear.gather [spmem:s6], $0x80, $0x38;
	[tilespmem:$0xA280] =	vst v63  }
0xbf: {  	_ =	swait.ge [sflag:s30], $0x280  }
0xc0: {  	[sflag:s30] =	ssyncset.done $0x0;
	s3 =	rddreg [dreg:$0xc]  }
0xc1: {  	s5 =	simm.s32 $0x6400;
	s6 =	sld [smem:$0x7F3];
	[sflag:s30] =	ssyncadd.s32 $0xFFFFFD80  }
0xc2: {  	[tilespmem:s5], [sflag:$0x1] =	stream.linear.gather [spmem:s3], $0x80, $0x38;
	[tilespmem:$0xA280] =	vst v63  }
0xc3: {  	s7 =	simm.s32 $0x6800;
	s3 =	sld [smem:$0x7F4]  }
0xc4: {  	[tilespmem:s7], [sflag:$0x1] =	stream.linear.gather [spmem:s6], $0x80, $0x38;
	[tilespmem:$0xA280] =	vst v63  }
0xc5: {  	s5 =	simm.s32 $0x6C00;
	s6 =	sld [smem:$0x7F5]  }
0xc6: {  	[tilespmem:s5], [sflag:$0x1] =	stream.linear.gather [spmem:s3], $0x80, $0x38;
	[tilespmem:$0xA280] =	vst v63  }
0xc7: {  	s7 =	simm.s32 $0x7000;
	s3 =	sld [smem:$0x7F6]  }
0xc8: {  	[tilespmem:s7], [sflag:$0x1] =	stream.linear.gather [spmem:s6], $0x80, $0x38;
	[tilespmem:$0xA280] =	vst v63  }
0xc9: {  	s5 =	simm.s32 $0x7400  }
0xca: {  	[tilespmem:s5], [sflag:$0x1] =	stream.linear.gather [spmem:s3], $0x80, $0x38;
	[tilespmem:$0xA280] =	vst v63  }
0xcb: {  	_ =	swait.ge [sflag:s30], $0x280  }
0xcc: {  	[sflag:s30] =	ssyncset.done $0x0;
	s6 =	rddreg [dreg:$0xd]  }
0xcd: {  	s7 =	simm.s32 $0x6480;
	s3 =	sld [smem:$0x7F7];
	[sflag:s30] =	ssyncadd.s32 $0xFFFFFD80  }
0xce: {  	[tilespmem:s7], [sflag:$0x1] =	stream.linear.gather [spmem:s6], $0x80, $0x38;
	[tilespmem:$0xA280] =	vst v63  }
0xcf: {  	s5 =	simm.s32 $0x6880;
	s6 =	sld [smem:$0x7F8]  }
0xd0: {  	[tilespmem:s5], [sflag:$0x1] =	stream.linear.gather [spmem:s3], $0x80, $0x38;
	[tilespmem:$0xA280] =	vst v63  }
0xd1: {  	s7 =	simm.s32 $0x6C80;
	s3 =	sld [smem:$0x7F9]  }
0xd2: {  	[tilespmem:s7], [sflag:$0x1] =	stream.linear.gather [spmem:s6], $0x80, $0x38;
	[tilespmem:$0xA280] =	vst v63  }
0xd3: {  	s5 =	simm.s32 $0x7080;
	s6 =	sld [smem:$0x7FA]  }
0xd4: {  	[tilespmem:s5], [sflag:$0x1] =	stream.linear.gather [spmem:s3], $0x80, $0x38;
	[tilespmem:$0xA280] =	vst v63  }
0xd5: {  	s7 =	simm.s32 $0x7480  }
0xd6: {  	[tilespmem:s7], [sflag:$0x1] =	stream.linear.gather [spmem:s6], $0x80, $0x38;
	[tilespmem:$0xA280] =	vst v63  }
0xd7: {  	_ =	swait.ge [sflag:s30], $0x280  }
0xd8: {  	[sflag:s30] =	ssyncset.done $0x0;
	s3 =	rddreg [dreg:$0xe]  }
0xd9: {  	s5 =	simm.s32 $0x6500;
	s6 =	sld [smem:$0x7FB];
	[sflag:s30] =	ssyncadd.s32 $0xFFFFFD80  }
0xda: {  	[tilespmem:s5], [sflag:$0x1] =	stream.linear.gather [spmem:s3], $0x80, $0x38;
	[tilespmem:$0xA280] =	vst v63  }
0xdb: {  	s7 =	simm.s32 $0x6900;
	s3 =	sld [smem:$0x7FC]  }
0xdc: {  	[tilespmem:s7], [sflag:$0x1] =	stream.linear.gather [spmem:s6], $0x80, $0x38;
	[tilespmem:$0xA280] =	vst v63  }
0xdd: {  	s5 =	simm.s32 $0x6D00;
	s6 =	sld [smem:$0x7FD]  }
0xde: {  	[tilespmem:s5], [sflag:$0x1] =	stream.linear.gather [spmem:s3], $0x80, $0x38;
	[tilespmem:$0xA280] =	vst v63  }
0xdf: {  	s7 =	simm.s32 $0x7100  }
0xe0: {  	[tilespmem:s7], [sflag:$0x1] =	stream.linear.gather [spmem:s6], $0x80, $0x38;
	[tilespmem:$0xA280] =	vst v63  }
0xe1: {  	s5 =	simm.s32 $0x7500  }
0xe2: {  	[tilespmem:s5], [sflag:$0x1] =	stream.linear.gather [spmem:s8], $0x80, $0x38;
	[tilespmem:$0xA280] =	vst v63  }
0xe3: {  	_ =	swait.ge [sflag:s30], $0x280  }
0xe4: {  	[sflag:s30] =	ssyncset.done $0x0  }
0xe5: {  	s7 =	simm.s32 $0x6580;
	s6 =	rddreg [dreg:$0xf];
	[sflag:s30] =	ssyncadd.s32 $0xFFFFFD80  }
0xe6: {  	[tilespmem:s7], [sflag:$0x1] =	stream.linear.gather [spmem:s6], $0x80, $0x38;
	[tilespmem:$0xA280] =	vst v63  }
0xe7: {  	s3 =	simm.s32 $0x6980  }
0xe8: {  	[tilespmem:s3], [sflag:$0x1] =	stream.linear.gather [spmem:s9], $0x80, $0x38;
	[tilespmem:$0xA280] =	vst v63  }
0xe9: {  	s5 =	simm.s32 $0x6D80  }
0xea: {  	[tilespmem:s5], [sflag:$0x1] =	stream.linear.gather [spmem:s10], $0x80, $0x38;
	[tilespmem:$0xA280] =	vst v63  }
0xeb: {  	s6 =	simm.s32 $0x7180  }
0xec: {  	[tilespmem:s6], [sflag:$0x1] =	stream.linear.gather [spmem:s11], $0x80, $0x38;
	[tilespmem:$0xA280] =	vst v63  }
0xed: {  	s7 =	simm.s32 $0x7580  }
0xee: {  	[tilespmem:s7], [sflag:$0x1] =	stream.linear.gather [spmem:s12], $0x80, $0x38;
	[tilespmem:$0xA280] =	vst v63  }
0xef: {  	_ =	swait.ge [sflag:s30], $0x280  }
0xf0: {  	[sflag:s30] =	ssyncset.done $0x0  }
0xf1: {  	s5 =	simm.s32 $0x6600;
	s3 =	rddreg [dreg:$0x10];
	[sflag:s30] =	ssyncadd.s32 $0xFFFFFD80  }
0xf2: {  	[tilespmem:s5], [sflag:$0x1] =	stream.linear.gather [spmem:s3], $0x80, $0x38;
	[tilespmem:$0xA280] =	vst v63  }
0xf3: {  	s6 =	simm.s32 $0x6A00  }
0xf4: {  	[tilespmem:s6], [sflag:$0x1] =	stream.linear.gather [spmem:s13], $0x80, $0x38;
	[tilespmem:$0xA280] =	vst v63  }
0xf5: {  	s7 =	simm.s32 $0x6E00  }
0xf6: {  	[tilespmem:s7], [sflag:$0x1] =	stream.linear.gather [spmem:s14], $0x80, $0x38;
	[tilespmem:$0xA280] =	vst v63  }
0xf7: {  	s3 =	simm.s32 $0x7200  }
0xf8: {  	[tilespmem:s3], [sflag:$0x1] =	stream.linear.gather [spmem:s15], $0x80, $0x38;
	[tilespmem:$0xA280] =	vst v63  }
0xf9: {  	s5 =	simm.s32 $0x7600  }
0xfa: {  	[tilespmem:s5], [sflag:$0x1] =	stream.linear.gather [spmem:s16], $0x80, $0x38;
	[tilespmem:$0xA280] =	vst v63  }
0xfb: {  	_ =	swait.ge [sflag:s30], $0x280  }
0xfc: {  	[sflag:s30] =	ssyncset.done $0x0  }
0xfd: {  	s7 =	simm.s32 $0x6680;
	s6 =	rddreg [dreg:$0x11];
	[sflag:s30] =	ssyncadd.s32 $0xFFFFFD80  }
0xfe: {  	[tilespmem:s7], [sflag:$0x1] =	stream.linear.gather [spmem:s6], $0x80, $0x38;
	[tilespmem:$0xA280] =	vst v63  }
0xff: {  	s3 =	simm.s32 $0x6A80  }
0x100: {  	[tilespmem:s3], [sflag:$0x1] =	stream.linear.gather [spmem:s17], $0x80, $0x38;
	[tilespmem:$0xA280] =	vst v63  }
0x101: {  	s5 =	simm.s32 $0x6E80  }
0x102: {  	[tilespmem:s5], [sflag:$0x1] =	stream.linear.gather [spmem:s18], $0x80, $0x38;
	[tilespmem:$0xA280] =	vst v63  }
0x103: {  	s6 =	simm.s32 $0x7280  }
0x104: {  	[tilespmem:s6], [sflag:$0x1] =	stream.linear.gather [spmem:s19], $0x80, $0x38;
	[tilespmem:$0xA280] =	vst v63  }
0x105: {  	s7 =	simm.s32 $0x7680  }
0x106: {  	[tilespmem:s7], [sflag:$0x1] =	stream.linear.gather [spmem:s20], $0x80, $0x38;
	[tilespmem:$0xA280] =	vst v63  }
0x107: {  	_ =	swait.ge [sflag:s30], $0x280  }
0x108: {  	[sflag:s30] =	ssyncset.done $0x0  }
0x109: {  	s5 =	simm.s32 $0x6700;
	s3 =	rddreg [dreg:$0x12];
	[sflag:s30] =	ssyncadd.s32 $0xFFFFFD80  }
0x10a: {  	[tilespmem:s5], [sflag:$0x1] =	stream.linear.gather [spmem:s3], $0x80, $0x38;
	[tilespmem:$0xA280] =	vst v63  }
0x10b: {  	s6 =	simm.s32 $0x6B00  }
0x10c: {  	[tilespmem:s6], [sflag:$0x1] =	stream.linear.gather [spmem:s21], $0x80, $0x38;
	[tilespmem:$0xA280] =	vst v63  }
0x10d: {  	s7 =	simm.s32 $0x6F00  }
0x10e: {  	[tilespmem:s7], [sflag:$0x1] =	stream.linear.gather [spmem:s22], $0x80, $0x38;
	[tilespmem:$0xA280] =	vst v63  }
0x10f: {  	s3 =	simm.s32 $0x7300  }
0x110: {  	[tilespmem:s3], [sflag:$0x1] =	stream.linear.gather [spmem:s23], $0x80, $0x38;
	[tilespmem:$0xA280] =	vst v63  }
0x111: {  	s5 =	simm.s32 $0x7700  }
0x112: {  	[tilespmem:s5], [sflag:$0x1] =	stream.linear.gather [spmem:s24], $0x80, $0x38;
	[tilespmem:$0xA280] =	vst v63  }
0x113: {  	_ =	swait.ge [sflag:s30], $0x280  }
0x114: {  	[sflag:s30] =	ssyncset.done $0x0  }
0x115: {  	s7 =	simm.s32 $0x6780;
	s6 =	rddreg [dreg:$0x13];
	[sflag:s30] =	ssyncadd.s32 $0xFFFFFD80  }
0x116: {  	[tilespmem:s7], [sflag:$0x1] =	stream.linear.gather [spmem:s6], $0x80, $0x38;
	[tilespmem:$0xA280] =	vst v63  }
0x117: {  	s5 =	simm.s32 $0x6B80  }
0x118: {  	[tilespmem:s5], [sflag:$0x1] =	stream.linear.gather [spmem:s25], $0x80, $0x38;
	[tilespmem:$0xA280] =	vst v63  }
0x119: {  	s6 =	simm.s32 $0x6F80  }
0x11a: {  	[tilespmem:s6], [sflag:$0x1] =	stream.linear.gather [spmem:s26], $0x80, $0x38;
	[tilespmem:$0xA280] =	vst v63  }
0x11b: {  	s7 =	simm.s32 $0x7380  }
0x11c: {  	[tilespmem:s7], [sflag:$0x1] =	stream.linear.gather [spmem:s28], $0x80, $0x38;
	[tilespmem:$0xA280] =	vst v63  }
0x11d: {  	s3 =	simm.s32 $0x7780  }
0x11e: {  	[tilespmem:s3], [sflag:$0x1] =	stream.linear.gather [spmem:s29], $0x80, $0x38;
	[tilespmem:$0xA280] =	vst v63  }
0x11f: {  	s5 =	simm.s32 $0x0;
	_ =	swait.ge [sflag:s30], $0x280  }
0x120: {  	s1 =	sand.u32 $0x1C00, s5;
	s6 =	sand.u32 $0x70, s5;
	[sflag:s30] =	ssyncset.done $0x0  }
0x121: {  	s1 =	sor.u32 s6, s1;
	[sflag:s30] =	ssyncadd.s32 $0xFFFFFD80  }
0x122: {  	v2 =	vld [tilespmem:s1+$0x5080]  }
0x123: {  	v3 =	vld [tilespmem:s1+$0x5000];
	_ =	sdelay $0x1  }
0x124: {  	v4 =	vld [tilespmem:s1+$0x5100];
	_ =	sdelay $0x1  }
0x125: {  	v5 =	vld [tilespmem:s1+$0x5180]  }
0x126: {  	v2 =	vadd.f32 v2, v3  }
0x127: {  	v3 =	vld [tilespmem:s1+$0x5200]  }
0x128: {  	v2 =	vadd.f32 v4, v2  }
0x129: {  	v56 =	vld [tilespmem:s1+$0x5280]  }
0x12a: {  	v2 =	vadd.f32 v5, v2  }
0x12b: {  	v57 =	vld [tilespmem:s1+$0x5300]  }
0x12c: {  	v2 =	vadd.f32 v3, v2  }
0x12d: {  	v3 =	vld [tilespmem:s1+$0x5380]  }
0x12e: {  	v2 =	vadd.f32 v56, v2  }
0x12f: {  	v58 =	vld [tilespmem:s1+$0x6400]  }
0x130: {  	v2 =	vadd.f32 v57, v2  }
0x131: {  	v59 =	vld [tilespmem:s1+$0x6480]  }
0x132: {  	v2 =	vadd.f32 v3, v2  }
0x133: {  	v3 =	vld [tilespmem:s1+$0x6500]  }
0x134: {  	v2 =	vadd.f32 v58, v2  }
0x135: {  	v60 =	vld [tilespmem:s1+$0x6580]  }
0x136: {  	v2 =	vadd.f32 v59, v2  }
0x137: {  	v61 =	vld [tilespmem:s1+$0x6600]  }
0x138: {  	v2 =	vadd.f32 v3, v2  }
0x139: {  	v3 =	vld [tilespmem:s1+$0x6680]  }
0x13a: {  	v2 =	vadd.f32 v60, v2  }
0x13b: {  	v62 =	vld [tilespmem:s1+$0x6700]  }
0x13c: {  	v2 =	vadd.f32 v61, v2  }
0x13d: {  	v63 =	vld [tilespmem:s1+$0x6780]  }
0x13e: {  	v2 =	vadd.f32 v3, v2;
	_ =	sdelay $0x1  }
0x13f: {  	v2 =	vadd.f32 v62, v2;
	_ =	sdelay $0x1  }
0x140: {  	s5 =	simm.s32 $0x80;
	s7 =	simm.s32 $0x10;
	v2 =	vadd.f32 v63, v2  }
0x141: {  	s6 =	sand.u32 $0x1C00, s5;
	s3 =	sand.u32 $0x70, s7;
	s1 =	simm.s32 $0x7800  }
0x142: {  	s3 =	sor.u32 s3, s6;
	s6 =	simm.s32 $0x20;
	[tilespmem:s1+$0x0] =	vst v2  }
.LBB2_6:
0x143: {  	p0 =	sne.s32 s6, $0x270;
	v2 =	vld [tilespmem:s3+$0x5080]  }
0x144: {  	v3 =	vld [tilespmem:s3+$0x5000];
	_ =	sdelay $0x1  }
0x145: {  	v4 =	vld [tilespmem:s3+$0x5100];
	_ =	sdelay $0x1  }
0x146: {  	v5 =	vld [tilespmem:s3+$0x5180]  }
0x147: {  	v2 =	vadd.f32 v2, v3  }
0x148: {  	v3 =	vld [tilespmem:s3+$0x5200]  }
0x149: {  	v2 =	vadd.f32 v4, v2  }
0x14a: {  	v4 =	vld [tilespmem:s3+$0x5280]  }
0x14b: {  	v2 =	vadd.f32 v5, v2  }
0x14c: {  	v5 =	vld [tilespmem:s3+$0x5300]  }
0x14d: {  	v2 =	vadd.f32 v3, v2  }
0x14e: {  	v3 =	vld [tilespmem:s3+$0x5380]  }
0x14f: {  	v2 =	vadd.f32 v4, v2  }
0x150: {  	v4 =	vld [tilespmem:s3+$0x6400]  }
0x151: {  	v2 =	vadd.f32 v5, v2  }
0x152: {  	v5 =	vld [tilespmem:s3+$0x6480]  }
0x153: {  	v2 =	vadd.f32 v3, v2  }
0x154: {  	v3 =	vld [tilespmem:s3+$0x6500]  }
0x155: {  	v2 =	vadd.f32 v4, v2  }
0x156: {  	v4 =	vld [tilespmem:s3+$0x6580]  }
0x157: {  	v2 =	vadd.f32 v5, v2  }
0x158: {  	v5 =	vld [tilespmem:s3+$0x6600]  }
0x159: {  	v2 =	vadd.f32 v3, v2  }
0x15a: {  	v3 =	vld [tilespmem:s3+$0x6680]  }
0x15b: {  	v2 =	vadd.f32 v4, v2  }
0x15c: {  	v4 =	vld [tilespmem:s3+$0x6700]  }
0x15d: {  	v2 =	vadd.f32 v5, v2  }
0x15e: {  	v5 =	vld [tilespmem:s3+$0x6780]  }
0x15f: {  	v2 =	vadd.f32 v3, v2;
	_ =	sdelay $0x1  }
.Ltmp2:
0x160: {  	v2 =	vadd.f32 v4, v2;
	(pc) =	sbr.rel @p0 .LBB2_6-.Ltmp2, $4  }
0x161: {  	_ = 	snop  }
0x162: {  	s5 =	sadd.s32 $0x80, s5;
	v2 =	vadd.f32 v5, v2  }
0x163: {  	s1 =	sadd.s32 $0x10, s1;
	s7 =	sand.u32 $0x1C00, s5;
	s3 =	sand.u32 $0x70, s6  }
0x164: {  	s6 =	sadd.s32 $0x10, s6;
	s3 =	sor.u32 s3, s7;
	[tilespmem:s1+$0x0] =	vst v2  }
0x165: {  	v2 =	vld [tilespmem:s3+$0x5080]  }
0x166: {  	v3 =	vld [tilespmem:s3+$0x5000];
	_ =	sdelay $0x1  }
0x167: {  	v4 =	vld [tilespmem:s3+$0x5100];
	_ =	sdelay $0x1  }
0x168: {  	v5 =	vld [tilespmem:s3+$0x5180]  }
0x169: {  	v2 =	vadd.f32 v2, v3  }
0x16a: {  	v3 =	vld [tilespmem:s3+$0x5200]  }
0x16b: {  	v2 =	vadd.f32 v4, v2  }
0x16c: {  	v56 =	vld [tilespmem:s3+$0x5280]  }
0x16d: {  	v2 =	vadd.f32 v5, v2  }
0x16e: {  	v57 =	vld [tilespmem:s3+$0x5300]  }
0x16f: {  	v2 =	vadd.f32 v3, v2  }
0x170: {  	v3 =	vld [tilespmem:s3+$0x5380]  }
0x171: {  	v2 =	vadd.f32 v56, v2  }
0x172: {  	v58 =	vld [tilespmem:s3+$0x6400]  }
0x173: {  	v2 =	vadd.f32 v57, v2  }
0x174: {  	v59 =	vld [tilespmem:s3+$0x6480]  }
0x175: {  	v2 =	vadd.f32 v3, v2  }
0x176: {  	v3 =	vld [tilespmem:s3+$0x6500]  }
0x177: {  	v2 =	vadd.f32 v58, v2  }
0x178: {  	v60 =	vld [tilespmem:s3+$0x6580]  }
0x179: {  	v2 =	vadd.f32 v59, v2  }
0x17a: {  	v61 =	vld [tilespmem:s3+$0x6600]  }
0x17b: {  	v2 =	vadd.f32 v3, v2  }
0x17c: {  	v3 =	vld [tilespmem:s3+$0x6680]  }
0x17d: {  	v2 =	vadd.f32 v60, v2  }
0x17e: {  	v62 =	vld [tilespmem:s3+$0x6700]  }
0x17f: {  	v2 =	vadd.f32 v61, v2  }
0x180: {  	v63 =	vld [tilespmem:s3+$0x6780]  }
0x181: {  	v2 =	vadd.f32 v3, v2;
	_ =	sdelay $0x1  }
0x182: {  	v2 =	vadd.f32 v62, v2;
	_ =	sdelay $0x1  }
0x183: {  	v2 =	vadd.f32 v63, v2  }
0x184: {  	s1 =	sadd.s32 $0x10, s1  }
0x185: {  	s6 =	simm.s32 $0x100;
	s5 =	simm.s32 $0x7800;
	s3 =	rddreg [dreg:$0x14];
	[tilespmem:s1+$0x0] =	vst v2  }
0x186: {  	[hbm4b:s3+s0] =	stream.strided.scatter [tilespmem:s5], [sflag:$0x1], $0x280, s6, s0, $0x38;
	[tilespmem:$0xA280] =	vst v63  }
0x187: {  	_ =	swait.ge [sflag:s30], $0x280  }
0x188: {  	s2 =	sadd.s32 $0x1, s2;
	s7 =	rddreg [dreg:$0x15]  }
0x189: {  	p0 =	sne.s32 s2, s7  }
.Ltmp3:
0x18a: {  	_ = 	snop;
	(pc) =	sbr.rel @p0 .LBB2_1-.Ltmp3, $3  }
0x18b: {  	_ =	sdelay $0x1  }
0x18c: {  	[sflag:s30] =	ssyncset.done $0x0  }
0x18d: {  	[sflag:s30] =	ssyncadd.s32 $0xFFFFFD80  }
0x18e: {  	_ =	sfence.sel $0x180000  }
0x18f: {  	[bflag:$0x0] =	sbarrier.arrive $0xFFFF  }
0x190: {  	_ =	strace $0x90000047  }
0x191: {  	s0 =	stileid.u32;
	[bflag:$0x2] =	sbarrier.arrive $0xFFFF  }
0x192: {  	p0 =	sne.s32 s0, $0x0;
	s0 =	rddreg [dreg:$0x2]  }
0x193: {  	s0 =	sadd.s32 @!p0 $0x100000, s0  }
0x194: {  	[sflag:s0] =	ssyncadd.tile.s32 @!p0 $0x1;
	_ =	shalt  }
.Lfunc_end2:
_tile_overlayer_lowered:
.L_overlay_start_2:
0x195: {  	(tag) =	ssettag $0x2  }
0x196: {  	s0 =	rddreg [dreg:$0x0];
	s2 =	stileid.u32  }
0x197: {  	s1 =	rddreg [dreg:$0x1];
	p0 =	sne.s32 s2, $0x0  }
0x198: {  	s3 =	rddreg [dreg:$0x2];
	[bflag:$0x3] =	sbarrier.arrive $0xFFFF;
	s2 =	simm.s32 @!p0 $0x1C01  }
0x199: {  	[timem:s3], [sflag:s2] =	dma.local @!p0 [hbm:s0], s1  }
0x19a: {  	s0 =	simm.s32 @!p0 $0x1  }
0x19b: {  	_ =	swait.ge @!p0 [sflag:s0], s1  }
0x19c: {  	s1 =	ssub.s32 @!p0 $0x0, s1;
	[sflag:s0] =	ssyncset.done @!p0 $0x0  }
0x19d: {  	[sflag:s0] =	ssyncadd.s32 @!p0 s1  }
0x19e: {  	[bflag:$0x3] =	sbarrier.arrive $0xFFFF  }
0x19f: {  	_ =	shalt  }

// kernel: kernel.9.cloned.1.call-start
scs
__scs_entry_jumppad:
0x0: {  	(pc) =	sbr.rel $0x88, $3  }
0x1: {  	(tag) =	ssettag $0x0;
	lr =	simm.s32 $0x1  }
0x2: {  	[smem:$0x3F9B] =	sst lr;
	_ =	strace $0xD0000000  }
0x3: {  	_ = 	snop  }
0x4: {  	_ = 	snop  }
0x5: {  	_ = 	snop  }
0x6: {  	_ = 	snop  }
0x7: {  	_ = 	snop  }
__scs_overlays_trampoline_lowered:
0x8: {  	[smem:$0x3FAA] =	sst s0  }
0x9: {  	[smem:$0x3FAB] =	sst s1  }
0xa: {  	[smem:$0x3FAC] =	sst s2  }
0xb: {  	[smem:$0x3FAD] =	sst s3  }
0xc: {  	[smem:$0x3FAE] =	sst s4  }
0xd: {  	[smem:$0x3FAF] =	sst s5  }
0xe: {  	[smem:$0x3FB0] =	sst s6  }
0xf: {  	[smem:$0x3FB1] =	sst s7  }
0x10: {  	[smem:$0x3FB2] =	sst s8  }
0x11: {  	[smem:$0x3FB3] =	sst s9;
	s0 =	simm.s32 @!p0 $0x0  }
0x12: {  	s1 =	sld [smem:$0x3F99];
	s0 =	simm.s32 @p0 $0x1  }
0x13: {  	[smem:$0x3FB4] =	sst s0;
	s0 =	simm.s32 @!p1 $0x0  }
0x14: {  	s2 =	sld [smem:$0x3F98];
	s0 =	simm.s32 @p1 $0x1  }
0x15: {  	[smem:$0x3FB5] =	sst s0;
	s0 =	simm.s32 @!p2 $0x0  }
0x16: {  	s3 =	sld [smem:$0x3FDB];
	s0 =	simm.s32 @p2 $0x1  }
0x17: {  	s4 =	simm.s32 $0x1BF5;
	[smem:$0x3FB7] =	sst s0  }
0x18: {  	s0 =	sld [smem:$0x3F9A];
	_ =	swait.ge [sflag:s4], $0x0  }
0x19: {  	s7 =	sld [smem:$0x3F9B]  }
0x1a: {  	s8 =	sadd.s32 $0xFFFFE003, lr  }
0x1b: {  	s9 =	sadd.s32 $0xFFFFFEF7, lr;
	s5 =	simm.s32 $0xFFFFFFFF;
	p2 =	slt.u32 s8, $0xFFFFF086  }
0x1c: {  	p1 =	slt.u32 s9, $0xF7A;
	s5 =	simm.s32 @!p2 $0x0  }
0x1d: {  	s5 =	simm.s32 @p1 $0x1;
	p0 =	seq.s32 s7, s2  }
0x1e: {  	s7 =	smul.u32 @!p0 $0xF7A, s2;
	p2 =	seq.s32 @!p0 s5, $0x0  }
0x1f: {  	s9 =	smul.u32 $0xF7A, s1;
	s8 =	simm.s32 @!p0 $0x1BF5;
	p2 =	por !p2, p0  }
0x20: {  	[sflag:s8] =	ssyncset.s32 @!p0 $0xFFFFF086;
	s6 =	sadd.s32 @!p0 s3, s7;
	s7 =	simm.s32 @!p0 $0x108  }
0x21: {  	s3 =	sadd.s32 s3, s9;
	s6 =	sadd.s32 @!p0 $0x88, s6;
	s7 =	simm.s32 @p2 $0x1082  }
0x22: {  	[simem:s7], [sflag:s8] =	dma.local @!p0 [hbm:s6], $0xF7A  }
0x23: {  	s9 =	sor.u32 $0xD0000000, s2;
	s6 =	simm.s32 $0x108;
	_ =	swait.ge @!p0 [sflag:s8], $0x0  }
0x24: {  	s3 =	sadd.s32 $0x88, s3;
	s6 =	simm.s32 @!p1 $0x1082;
	[sflag:s4] =	ssyncset.s32 $0xFFFFF086  }
0x25: {  	[simem:s6], [sflag:s4] =	dma.local [hbm:s3], $0xF7A  }
0x26: {  	[smem:$0x3F9B] =	sst s1;
	(tag) =	ssettag s2;
	_ =	strace s9  }
0x27: {  	s1 =	sld [smem:$0x3FAB]  }
0x28: {  	s2 =	sld [smem:$0x3FAC]  }
0x29: {  	s4 =	sld [smem:$0x3FAE]  }
0x2a: {  	p0 =	seq.s32 s5, $0x0;
	s5 =	sld [smem:$0x3FAF]  }
0x2b: {  	s6 =	sld [smem:$0x3FB0]  }
0x2c: {  	s7 =	sld [smem:$0x3FB1]  }
0x2d: {  	s3 =	simm.s32 $0x108;
	s8 =	sld [smem:$0x3FB2]  }
0x2e: {  	s3 =	simm.s32 @!p0 $0x1082;
	s9 =	sld [smem:$0x3FB3]  }
0x2f: {  	lr =	sadd.s32 s0, s3;
	s0 =	sld [smem:$0x3FAA]  }
0x30: {  	s3 =	sld [smem:$0x3FAD]  }
0x31: {  	[smem:$0x3FB6] =	sst s10  }
0x32: {  	s10 =	sld [smem:$0x3FB4];
	_ =	sdelay $0x3  }
0x33: {  	p0 =	seq.s32 s10, $0x1;
	s10 =	sld [smem:$0x3FB6];
	_ =	sdelay $0x3  }
0x34: {  	[smem:$0x3FB6] =	sst s10  }
0x35: {  	s10 =	sld [smem:$0x3FB5];
	_ =	sdelay $0x3  }
0x36: {  	p1 =	seq.s32 s10, $0x1;
	s10 =	sld [smem:$0x3FB6];
	_ =	sdelay $0x3  }
0x37: {  	[smem:$0x3FB6] =	sst s10  }
0x38: {  	s10 =	sld [smem:$0x3FB7]  }
0x39: {  	_ = 	snop;
	(pc) =	sbr.ind lr, $3  }
0x3a: {  	_ = 	snop  }
0x3b: {  	_ = 	snop  }
0x3c: {  	p2 =	seq.s32 s10, $0x1;
	s10 =	sld [smem:$0x3FB6]  }
0x3d: {  	_ =	shalt  }
0x3e: {  	_ =	shalt  }
0x3f: {  	_ =	shalt  }
0x40: {  	_ =	shalt  }
0x41: {  	_ =	shalt  }
0x42: {  	_ =	shalt  }
0x43: {  	_ =	shalt  }
0x44: {  	_ =	shalt  }
0x45: {  	_ =	shalt  }
0x46: {  	_ =	shalt  }
0x47: {  	_ =	shalt  }
0x48: {  	_ =	shalt  }
0x49: {  	_ =	shalt  }
0x4a: {  	_ =	shalt  }
0x4b: {  	_ =	shalt  }
0x4c: {  	_ =	shalt  }
0x4d: {  	_ =	shalt  }
0x4e: {  	_ =	shalt  }
0x4f: {  	_ =	shalt  }
0x50: {  	_ =	shalt  }
0x51: {  	_ =	shalt  }
0x52: {  	_ =	shalt  }
0x53: {  	_ =	shalt  }
0x54: {  	_ =	shalt  }
0x55: {  	_ =	shalt  }
0x56: {  	_ =	shalt  }
0x57: {  	_ =	shalt  }
0x58: {  	_ =	shalt  }
0x59: {  	_ =	shalt  }
0x5a: {  	_ =	shalt  }
0x5b: {  	_ =	shalt  }
0x5c: {  	_ =	shalt  }
0x5d: {  	_ =	shalt  }
0x5e: {  	_ =	shalt  }
0x5f: {  	_ =	shalt  }
0x60: {  	_ =	shalt  }
0x61: {  	_ =	shalt  }
0x62: {  	_ =	shalt  }
0x63: {  	_ =	shalt  }
0x64: {  	_ =	shalt  }
0x65: {  	_ =	shalt  }
0x66: {  	_ =	shalt  }
0x67: {  	_ =	shalt  }
0x68: {  	_ =	shalt  }
0x69: {  	_ =	shalt  }
0x6a: {  	_ =	shalt  }
0x6b: {  	_ =	shalt  }
0x6c: {  	_ =	shalt  }
0x6d: {  	_ =	shalt  }
0x6e: {  	_ =	shalt  }
0x6f: {  	_ =	shalt  }
0x70: {  	_ =	shalt  }
0x71: {  	_ =	shalt  }
0x72: {  	_ =	shalt  }
0x73: {  	_ =	shalt  }
0x74: {  	_ =	shalt  }
0x75: {  	_ =	shalt  }
0x76: {  	_ =	shalt  }
0x77: {  	_ =	shalt  }
0x78: {  	_ =	shalt  }
0x79: {  	_ =	shalt  }
0x7a: {  	_ =	shalt  }
0x7b: {  	_ =	shalt  }
0x7c: {  	_ =	shalt  }
0x7d: {  	_ =	shalt  }
0x7e: {  	_ =	shalt  }
0x7f: {  	_ =	shalt  }
0x80: {  	_ =	shalt  }
0x81: {  	_ =	shalt  }
0x82: {  	_ =	shalt  }
0x83: {  	_ =	shalt  }
0x84: {  	_ =	shalt  }
0x85: {  	_ =	shalt  }
0x86: {  	_ =	shalt  }
0x87: {  	_ =	shalt  }
.Lfunc_end0:
.L_simem_size_0:
called_computation.1_lowered:
.L_overlay_start_0:
0x88: {  	s2 =	sld [smem:$0x3FD9]  }
0x89: {  	s3 =	sld [smem:$0x3FFE];
	_ =	sdelay $0x1  }
0x8a: {  	s1 =	srdreg.scid  }
0x8b: {  	s0 =	sand.u32 $0x1, s1  }
0x8c: {  	s17 =	sshll.u32 s0, $0xA;
	s2 =	sadd.s32 s3, s2  }
0x8d: {  	s2 =	sadd.s32 s2, s17  }
0x8e: {  	[smem:$0x3FC2] =	sst s2  }
0x8f: {  	_ = 	snop  }
0x90: {  	s2 =	sld [smem:$0x3FD0];
	(tm) =	ssettm $0x1  }
0x91: {  	s18 =	sld [smem:$0x3FFB];
	_ =	sdelay $0x3  }
0x92: {  	_ =	strace s18  }
0x93: {  	s3 =	sld [smem:$0x3FFC];
	_ =	sdelay $0x3  }
0x94: {  	_ =	strace s3  }
0x95: {  	s3 =	sld [smem:$0x3FFD];
	_ =	sdelay $0x3  }
0x96: {  	_ =	strace s3  }
0x97: {  	_ =	strace $0x8FFFFFFF  }
0x98: {  	s19 =	sld [smem:$0x3FDB];
	_ =	sdelay $0x1  }
0x99: {  	s4 =	simm.s32 $_scs_section_size  }
0x9a: {  	s5 =	simm.s32 $_size__tile_overlayer_lowered;
	s6 =	simm.s32 $_tile_overlayer_lowered  }
0x9b: {  	s22 =	simm.s32 $0x1BFF;
	s21 =	sshll.u32 s6, $0x1;
	s3 =	sadd.s32 s4, s19  }
0x9c: {  	s7 =	simm.s32 $0x0;
	s20 =	sshll.u32 s5, $0x1;
	s5 =	sadd.s32 s21, s3  }
0x9d: {  	[timem:s7], [sflag:s22] =	dma.local [hbm:s5], s20  }
0x9e: {  	_ =	swait.ge [sflag:s22], s20  }
0x9f: {  	s4 =	ssub.s32 $0x0, s20;
	[sflag:s22] =	ssyncset.done $0x0  }
0xa0: {  	[sflag:s22] =	ssyncadd.s32 s4;
	_ =	sdelay $0x1  }
0xa1: {  	s23 =	simm.s32 $0x1B8B  }
0xa2: {  	_ =	swait.ge [sflag:s23], $0x1  }
0xa3: {  	[sflag:s23] =	ssyncset.done $0x0  }
0xa4: {  	s25 =	simm.s32 $0x1B8E;
	s24 =	sld [smem:$0x3FFE];
	[sflag:s23] =	ssyncadd.s32 $0xFFFFFFFF  }
0xa5: {  	s26 =	simm.s32 $execute0_lowered;
	[smem:$0x3FD2] =	sst s25  }
0xa6: {  	s5 =	sshll.u32 s26, $0x1;
	_ =	strace $0x80000049;
	[dreg:$0x1] =	wrdreg $0xFFFFFFFF  }
0xa7: {  	s28 =	simm.s32 $_size_execute0_lowered;
	s3 =	sadd.s32 s3, s5;
	[dreg:$0x0] =	wrdreg $0x0  }
0xa8: {  	s5 =	sshll.u32 s28, $0x1;
	[dreg:$0x2] =	wrdreg s3  }
0xa9: {  	[dreg:$0x3] =	wrdreg s5  }
0xaa: {  	[dreg:$0x4] =	wrdreg $0xC0  }
0xab: {  	_ =	task [dreg:s7], $0x5FFFF  }
0xac: {  	[dreg:$0x1] =	wrdreg $0xFFFFFFFF  }
0xad: {  	[dreg:$0x0] =	wrdreg $0x60  }
0xae: {  	[dreg:$0x2] =	wrdreg s24  }
0xaf: {  	[dreg:$0x3] =	wrdreg s2  }
0xb0: {  	[dreg:$0x4] =	wrdreg $0xA8000  }
0xb1: {  	[dreg:$0x5] =	wrdreg $0x9  }
0xb2: {  	_ =	task.clear_ibuf [dreg:s7], $0x6FFFF;
	_ =	strace $0x90000049  }
0xb3: {  	s29 =	simm.s32 $0x9;
	_ =	strace $0x8000004B  }
0xb4: {  	_ =	swait.ge [sflag:s29], $0x1  }
0xb5: {  	[sflag:s29] =	ssyncadd.s32 $0xFFFFFFFF  }
0xb6: {  	_ =	strace $0x9000004B  }
0xb7: {  	_ =	sfence  }
0xb8: {  	s30 =	sld [smem:$0x0];
	_ =	sdelay $0x2  }
0xb9: {  	s31 =	sshll.u32 s1, $0xD;
	s1 =	sshrl.u32 s1, $0x2  }
0xba: {  	s3 =	sand.u32 $0x4000, s31;
	s1 =	sadd.s32 s1, s30  }
0xbb: {  	s0 =	sor.u32 s3, s0;
	s1 =	sshll.u32 s1, $0x11  }
0xbc: {  	s0 =	sor.u32 s1, s0  }
0xbd: {  	s0 =	sadd.s32 $0x8F2B, s0  }
0xbe: {  	[sflag:s0] =	ssyncadd.remote.s32 $0x1  }
0xbf: {  	_ =	sfence.sel $0xFFFF  }
0xc0: {  	[dreg:$0x0] =	wrdreg $0xFFFFFFFF;
	(pc) =	sbr.abs _section_cstart, $3  }
0xc1: {  	[dreg:$0x1] =	wrdreg $0xFFFFFFFF  }
0xc2: {  	_ =	task.clear_ibuf [dreg:s7], $0x2FFFF;
	_ =	strace $0x9FFFFFFF  }
0xc3: {  	(tm) =	ssettm $0x7FFFFFFF  }
tec
execute0_lowered:
.L_overlay_start_1:
0x0: {  	(tag) =	ssettag $0x1  }
0x1: {  	s5 =	rddreg [dreg:$0x0]  }
0x2: {  	s13 =	rddreg [dreg:$0x1]  }
0x3: {  	s1 =	rddreg [dreg:$0x2]  }
0x4: {  	s2 =	srdreg.scid;
	s0 =	rddreg [dreg:$0x3];
	s3 =	simm.s32 $0x0  }
0x5: {  	s18 =	simm.s32 $0x80;
	s19 =	simm.s32 $0x6800;
	s6 =	sand.u32 $0x1, s2  }
0x6: {  	s20 =	simm.s32 $0x1;
	s2 =	stileid.u32;
	s7 =	smul.u32 $0x140000, s6  }
0x7: {  	s21 =	simm.s32 $0x2;
	[smem:$0x7FF] =	sst s3;
	s8 =	smul.u32 $0x14000, s2  }
0x8: {  	s4 =	sadd.s32 $0x8EC00, s5;
	s12 =	sadd.s32 $0x34C00, s5;
	s9 =	smul.u32 $0x50000, s2  }
0x9: {  	_ =	strace $0x8000004A;
	s30 =	ssub.s32 $0x2, s6;
	s11 =	smul.u32 $0x500, s2  }
0xa: {  	p0 =	seq.s32 s6, $0x0;
	s10 =	sshrl.u32 s30, $0x1;
	s7 =	sadd.s32 s8, s7  }
0xb: {  	s15 =	ssub.s32 s30, s10;
	s31 =	sshrl.u32 s9, $0x2;
	s16 =	sadd.s32 $0x5000, s11  }
0xc: {  	s7 =	sshrl.u32 s7, $0x3;
	s16 =	smov.u32 @p0 s11;
	s15 =	smax.u32 s15, $0x1  }
.Ltmp0:
0xd: {  	s14 =	sadd.s32 s7, s5;
	s5 =	sadd.s32 s31, s1;
	(pc) =	sbr.rel .LBB2_1-.Ltmp0, $4  }
0xe: {  	s17 =	sadd.s32 $0x280, s16;
	s10 =	sadd.s32 s12, s16;
	s11 =	sadd.s32 s13, s16  }
0xf: {  	s16 =	simm.s32 $0x2800;
	s6 =	sadd.s32 $0x4000, s5;
	s7 =	sadd.s32 $0x8000, s5  }
0x10: {  	s8 =	sadd.s32 $0xC000, s5;
	s9 =	sadd.s32 $0x10000, s5;
	s12 =	sadd.s32 s12, s17  }
0x11: {  	v0 =	vimm.f32 $0.0e+00;
	s13 =	sadd.s32 s13, s17;
	s14 =	sadd.s32 $0xB6C00, s14;
	s17 =	simm.s32 $0x3  }
.LBB2_15:
0x12: {  	_ =	swait.ge [sflag:s21], $0x4000  }
0x13: {  	[sflag:s21] =	ssyncset.done $0x0  }
0x14: {  	[sflag:s21] =	ssyncadd.s32 $0xFFFFC000  }
0x15: {  	_ =	swait.ge [sflag:s21], $0x4000  }
0x16: {  	s22 =	sshll.u32 s2, $0x6;
	s3 =	sadd.s32 $0x1, s3;
	[sflag:s21] =	ssyncset.done $0x0  }
0x17: {  	s23 =	sshrl.u32 s5, $0x3;
	p0 =	sne.s32 s3, s15;
	[sflag:s21] =	ssyncadd.s32 $0xFFFFC000  }
.Ltmp1:
0x18: {  	s22 =	sor.u32 $0x1C03, s22;
	[bflag:$0x0] =	sbarrier.arrive $0xFFFF;
	(pc) =	sbr.rel @!p0 .LBB2_16-.Ltmp1, $4  }
0x19: {  	[hbm:s14], [sflag:s22] =	dma.local [spmem:s23], $0x2800  }
0x1a: {  	_ =	swait.ge [sflag:s17], $0x2800  }
0x1b: {  	[sflag:s17] =	ssyncset.done $0x0  }
0x1c: {  	[sflag:s17] =	ssyncadd.s32 $0xFFFFD800  }
.LBB2_1:
0x1d: {  	s22 =	simm.s32 $0x0;
	s23 =	simm.s32 $0x200  }
.LBB2_2:
0x1e: {  	p0 =	sne.s32 s23, $0xFE00;
	[tilespmem:s22+$0x2870] =	vst v0  }
0x1f: {  	[tilespmem:s22+$0x2800] =	vst v0  }
0x20: {  	[tilespmem:s22+$0x2810] =	vst v0  }
.Ltmp2:
0x21: {  	[tilespmem:s22+$0x2820] =	vst v0;
	(pc) =	sbr.rel @p0 .LBB2_2-.Ltmp2, $4  }
0x22: {  	[tilespmem:s22+$0x2830] =	vst v0  }
0x23: {  	[tilespmem:s22+$0x2840] =	vst v0  }
0x24: {  	[tilespmem:s22+$0x2850] =	vst v0  }
0x25: {  	[tilespmem:s22+$0x2860] =	vst v0;
	s22 =	sshra.s32 s23, $0x2;
	s23 =	sadd.s32 $0x200, s23  }
0x26: {  	[tilespmem:s22+$0x2870] =	vst v0  }
0x27: {  	[tilespmem:s22+$0x2800] =	vst v0  }
0x28: {  	[tilespmem:s22+$0x2810] =	vst v0  }
0x29: {  	[tilespmem:s22+$0x2820] =	vst v0  }
0x2a: {  	[tilespmem:s22+$0x2830] =	vst v0  }
0x2b: {  	[tilespmem:s22+$0x2840] =	vst v0  }
0x2c: {  	[tilespmem:s22+$0x2850] =	vst v0  }
0x2d: {  	[tilespmem:s22+$0x2860] =	vst v0  }
0x2e: {  	[spmem:s5] =	stream.linear.scatter [tilespmem:s16], [sflag:$0x3], $0x4000, $0x38;
	[tilespmem:$0x1E800] =	vst v63  }
0x2f: {  	_ =	swait.ge [sflag:s17], $0x4000  }
0x30: {  	[sflag:s17] =	ssyncset.done $0x0  }
0x31: {  	[sflag:s17] =	ssyncadd.s32 $0xFFFFC000  }
0x32: {  	[spmem:s6] =	stream.linear.scatter [tilespmem:s16], [sflag:$0x3], $0x4000, $0x38;
	[tilespmem:$0x1E800] =	vst v63  }
0x33: {  	_ =	swait.ge [sflag:s17], $0x4000  }
0x34: {  	[sflag:s17] =	ssyncset.done $0x0  }
0x35: {  	[sflag:s17] =	ssyncadd.s32 $0xFFFFC000  }
0x36: {  	[spmem:s7] =	stream.linear.scatter [tilespmem:s16], [sflag:$0x3], $0x4000, $0x38;
	[tilespmem:$0x1E800] =	vst v63  }
0x37: {  	_ =	swait.ge [sflag:s17], $0x4000  }
0x38: {  	[sflag:s17] =	ssyncset.done $0x0  }
0x39: {  	[sflag:s17] =	ssyncadd.s32 $0xFFFFC000  }
0x3a: {  	[spmem:s8] =	stream.linear.scatter [tilespmem:s16], [sflag:$0x3], $0x4000, $0x38;
	[tilespmem:$0x1E800] =	vst v63  }
0x3b: {  	_ =	swait.ge [sflag:s17], $0x4000  }
0x3c: {  	[sflag:s17] =	ssyncset.done $0x0  }
0x3d: {  	[sflag:s17] =	ssyncadd.s32 $0xFFFFC000  }
0x3e: {  	[spmem:s9] =	stream.linear.scatter [tilespmem:s16], [sflag:$0x3], $0x4000, $0x38;
	[tilespmem:$0x1E800] =	vst v63  }
0x3f: {  	_ =	swait.ge [sflag:s17], $0x4000  }
0x40: {  	[sflag:s17] =	ssyncset.done $0x0  }
0x41: {  	[sflag:s17] =	ssyncadd.s32 $0xFFFFC000  }
0x42: {  	s22 =	simm.s32 $0x0;
	[bflag:$0x0] =	sbarrier.arrive $0xFFFF  }
0x43: {  	[tilespmem:s22], [sflag:$0x3] =	stream.linear.gather [hbm4b:s10+s22], $0x1400, $0x38;
	[tilespmem:$0x1E800] =	vst v63  }
0x44: {  	_ =	swait.ge [sflag:s17], $0x1400  }
0x45: {  	[sflag:s17] =	ssyncset.done $0x0  }
0x46: {  	s23 =	simm.s32 $0x1400;
	[sflag:s17] =	ssyncadd.s32 $0xFFFFEC00  }
0x47: {  	[tilespmem:s23], [sflag:$0x3] =	stream.linear.gather [hbm4b:s11+s22], $0x1400, $0x38;
	[tilespmem:$0x1E800] =	vst v63  }
0x48: {  	_ =	swait.ge [sflag:s17], $0x1400  }
.Ltmp3:
0x49: {  	[sflag:s17] =	ssyncset.done $0x0;
	(pc) =	sbr.rel .LBB2_4-.Ltmp3, $4  }
0x4a: {  	[sflag:s17] =	ssyncadd.s32 $0xFFFFEC00  }
0x4b: {  	[tilespmem:s16], [sflag:$0x1] =	stream.indirect.gather [hbm4b:s4+s18], $0x80, s22, s18, $0xb8;
	[tilespmem:$0x1E800] =	vst v63  }
0x4c: {  	s24 =	simm.s32 $0x100  }
0x4d: {  	[tilespmem:s19], [sflag:$0x1] =	stream.indirect.gather [hbm4b:s4+s18], $0x80, s18, s18, $0xb8;
	[tilespmem:$0x1E800] =	vst v63  }
.LBB2_7:
0x4e: {  	_ =	swait.ge [sflag:s21], $0x4000  }
0x4f: {  	[sflag:s21] =	ssyncset.done $0x0  }
0x50: {  	[sflag:s21] =	ssyncadd.s32 $0xFFFFC000  }
0x51: {  	[tilespmem:s25], [sflag:$0x1] =	stream.indirect.gather [hbm4b:s4+s18], $0x80, s24, s18, $0xb8;
	[tilespmem:$0x1E800] =	vst v63  }
.LBB2_8:
0x52: {  	s22 =	sadd.s32 $0x1, s22  }
0x53: {  	p0 =	sne.s32 s22, $0x28  }
.Ltmp4:
0x54: {  	_ = 	snop;
	(pc) =	sbr.rel @!p0 .LBB2_9-.Ltmp4, $2  }
0x55: {  	_ =	sdelay $0x2  }
0x56: {  	s24 =	sadd.s32 $0x80, s24;
	s23 =	sadd.s32 $0x80, s23  }
.LBB2_4:
0x57: {  	s25 =	sand.u32 $0x1, s22  }
0x58: {  	p0 =	seq.s32 s25, $0x1  }
.Ltmp5:
0x59: {  	_ = 	snop;
	(pc) =	sbr.rel @!p0 .LBB2_5-.Ltmp5, $4  }
0x5a: {  	_ = 	snop  }
0x5b: {  	_ =	swait.ge [sflag:s20], $0x4000  }
0x5c: {  	[sflag:s20] =	ssyncset.done $0x0  }
0x5d: {  	[sflag:s20] =	ssyncadd.s32 $0xFFFFC000  }
0x5e: {  	p0 =	sgt.u32 s22, $0x25  }
.Ltmp6:
0x5f: {  	_ = 	snop;
	(pc) =	sbr.rel @p0 .LBB2_8-.Ltmp6, $4  }
.Ltmp7:
0x60: {  	_ = 	snop;
	(pc) =	sbr.rel @!p0 .LBB2_7-.Ltmp7, $4  }
0x61: {  	_ = 	snop  }
0x62: {  	s25 =	simm.s32 $0x6800  }
0x63: {  	[spmem:s1] =	stream.indirect.scatter.add.f32 [tilespmem:s25], [sflag:$0x2], $0x80, s23, s18, $0xb8;
	[tilespmem:$0x1E800] =	vst v63  }
0x64: {  	_ = 	snop  }
.LBB2_5:
0x65: {  	p0 =	slt.u32 s22, $0x26  }
.Ltmp8:
0x66: {  	_ = 	snop;
	(pc) =	sbr.rel @p0 .LBB2_7-.Ltmp8, $4  }
.Ltmp9:
0x67: {  	_ = 	snop;
	(pc) =	sbr.rel @!p0 .LBB2_8-.Ltmp9, $4  }
0x68: {  	_ = 	snop  }
0x69: {  	s25 =	simm.s32 $0x2800  }
0x6a: {  	[spmem:s1] =	stream.indirect.scatter.add.f32 [tilespmem:s25], [sflag:$0x2], $0x80, s23, s18, $0xb8;
	[tilespmem:$0x1E800] =	vst v63  }
0x6b: {  	_ = 	snop  }
.LBB2_9:
0x6c: {  	_ =	swait.ge [sflag:s21], $0x4000  }
0x6d: {  	[sflag:s21] =	ssyncset.done $0x0  }
0x6e: {  	[sflag:s21] =	ssyncadd.s32 $0xFFFFC000  }
0x6f: {  	_ =	swait.ge [sflag:s21], $0x4000  }
0x70: {  	[sflag:s21] =	ssyncset.done $0x0  }
0x71: {  	s22 =	simm.s32 $0x0;
	[sflag:s21] =	ssyncadd.s32 $0xFFFFC000  }
0x72: {  	[tilespmem:s22], [sflag:$0x3] =	stream.linear.gather [hbm4b:s12+s22], $0x1400, $0x38;
	[tilespmem:$0x1E800] =	vst v63  }
0x73: {  	_ =	swait.ge [sflag:s17], $0x1400  }
0x74: {  	[sflag:s17] =	ssyncset.done $0x0  }
0x75: {  	s23 =	simm.s32 $0x1400;
	[sflag:s17] =	ssyncadd.s32 $0xFFFFEC00  }
0x76: {  	[tilespmem:s23], [sflag:$0x3] =	stream.linear.gather [hbm4b:s13+s22], $0x1400, $0x38;
	[tilespmem:$0x1E800] =	vst v63  }
0x77: {  	_ =	swait.ge [sflag:s17], $0x1400  }
.Ltmp10:
0x78: {  	[sflag:s17] =	ssyncset.done $0x0;
	(pc) =	sbr.rel .LBB2_10-.Ltmp10, $4  }
0x79: {  	[sflag:s17] =	ssyncadd.s32 $0xFFFFEC00  }
0x7a: {  	[tilespmem:s16], [sflag:$0x1] =	stream.indirect.gather [hbm4b:s4+s18], $0x80, s22, s18, $0xb8;
	[tilespmem:$0x1E800] =	vst v63  }
0x7b: {  	s24 =	simm.s32 $0x100  }
0x7c: {  	[tilespmem:s19], [sflag:$0x1] =	stream.indirect.gather [hbm4b:s4+s18], $0x80, s18, s18, $0xb8;
	[tilespmem:$0x1E800] =	vst v63  }
.LBB2_13:
0x7d: {  	_ =	swait.ge [sflag:s21], $0x4000  }
0x7e: {  	[sflag:s21] =	ssyncset.done $0x0  }
0x7f: {  	[sflag:s21] =	ssyncadd.s32 $0xFFFFC000  }
0x80: {  	[tilespmem:s25], [sflag:$0x1] =	stream.indirect.gather [hbm4b:s4+s18], $0x80, s24, s18, $0xb8;
	[tilespmem:$0x1E800] =	vst v63  }
.LBB2_14:
0x81: {  	s22 =	sadd.s32 $0x1, s22  }
0x82: {  	p0 =	sne.s32 s22, $0x28  }
.Ltmp11:
0x83: {  	_ = 	snop;
	(pc) =	sbr.rel @!p0 .LBB2_15-.Ltmp11, $2  }
0x84: {  	_ =	sdelay $0x2  }
0x85: {  	s24 =	sadd.s32 $0x80, s24;
	s23 =	sadd.s32 $0x80, s23  }
.LBB2_10:
0x86: {  	s25 =	sand.u32 $0x1, s22  }
0x87: {  	p0 =	seq.s32 s25, $0x1  }
.Ltmp12:
0x88: {  	_ = 	snop;
	(pc) =	sbr.rel @!p0 .LBB2_11-.Ltmp12, $4  }
0x89: {  	_ = 	snop  }
0x8a: {  	_ =	swait.ge [sflag:s20], $0x4000  }
0x8b: {  	[sflag:s20] =	ssyncset.done $0x0  }
0x8c: {  	[sflag:s20] =	ssyncadd.s32 $0xFFFFC000  }
0x8d: {  	p0 =	sgt.u32 s22, $0x25  }
.Ltmp13:
0x8e: {  	_ = 	snop;
	(pc) =	sbr.rel @p0 .LBB2_14-.Ltmp13, $4  }
.Ltmp14:
0x8f: {  	_ = 	snop;
	(pc) =	sbr.rel @!p0 .LBB2_13-.Ltmp14, $4  }
0x90: {  	_ = 	snop  }
0x91: {  	s25 =	simm.s32 $0x6800  }
0x92: {  	[spmem:s1] =	stream.indirect.scatter.add.f32 [tilespmem:s25], [sflag:$0x2], $0x80, s23, s18, $0xb8;
	[tilespmem:$0x1E800] =	vst v63  }
0x93: {  	_ = 	snop  }
.LBB2_11:
0x94: {  	p0 =	slt.u32 s22, $0x26  }
.Ltmp15:
0x95: {  	_ = 	snop;
	(pc) =	sbr.rel @p0 .LBB2_13-.Ltmp15, $4  }
.Ltmp16:
0x96: {  	_ = 	snop;
	(pc) =	sbr.rel @!p0 .LBB2_14-.Ltmp16, $4  }
0x97: {  	_ = 	snop  }
0x98: {  	s25 =	simm.s32 $0x2800  }
0x99: {  	[spmem:s1] =	stream.indirect.scatter.add.f32 [tilespmem:s25], [sflag:$0x2], $0x80, s23, s18, $0xb8;
	[tilespmem:$0x1E800] =	vst v63  }
0x9a: {  	_ = 	snop  }
.LBB2_16:
0x9b: {  	_ =	sfence.sel $0x180000  }
0x9c: {  	[bflag:$0x0] =	sbarrier.arrive $0xFFFF  }
0x9d: {  	p0 =	sne.s32 s2, $0x0;
	_ =	strace $0x9000004A  }
0x9e: {  	s0 =	sadd.s32 @!p0 $0x100000, s0;
	[bflag:$0x2] =	sbarrier.arrive $0xFFFF  }
0x9f: {  	[sflag:s0] =	ssyncadd.tile.s32 @!p0 $0x1;
	_ =	shalt  }
.Lfunc_end2:
_tile_overlayer_lowered:
.L_overlay_start_2:
0xa0: {  	(tag) =	ssettag $0x2  }
0xa1: {  	s0 =	rddreg [dreg:$0x0];
	s2 =	stileid.u32  }
0xa2: {  	s1 =	rddreg [dreg:$0x1];
	p0 =	sne.s32 s2, $0x0  }
0xa3: {  	s3 =	rddreg [dreg:$0x2];
	[bflag:$0x3] =	sbarrier.arrive $0xFFFF;
	s2 =	simm.s32 @!p0 $0x1C03  }
0xa4: {  	[timem:s3], [sflag:s2] =	dma.local @!p0 [hbm:s0], s1  }
0xa5: {  	s0 =	simm.s32 @!p0 $0x3  }
0xa6: {  	_ =	swait.ge @!p0 [sflag:s0], s1  }
0xa7: {  	s1 =	ssub.s32 @!p0 $0x0, s1;
	[sflag:s0] =	ssyncset.done @!p0 $0x0  }
0xa8: {  	[sflag:s0] =	ssyncadd.s32 @!p0 s1  }
0xa9: {  	[bflag:$0x3] =	sbarrier.arrive $0xFFFF  }
0xaa: {  	_ =	shalt  }

</sc_bundles>
